<compile_context>
chip_gen: v7x
topology: tpu7x:2x2x1
jax: 0.10.2.dev20260603
libtpu: 0.0.44.dev20260713+nightly
codegen_flags: <defaults>
</compile_context>

<pallas_src>
import functools

import jax
import jax.numpy as jnp
from jax import lax
from jax.experimental import pallas as pl
from jax.experimental.pallas import tpu as pltpu
from jax.experimental.pallas import tpu_sc as plsc

B = 16384
D = 640
S = 5
W = D // S
L = 16

NC = 2
NS = 16
NW = NC * NS
RPW = B // NW
R = 64
NR = RPW // R


def _sc_body(x2d, c_hbm, out2d, c_v, sbuf, wsem, wsem2, osem):
    wid = lax.axis_index("s") * NC + lax.axis_index("c")
    base = wid * RPW

    pltpu.sync_copy(c_hbm.at[pl.ds(base, RPW)], c_v.at[pl.ds(0, RPW)])

    z = jnp.zeros((L,), jnp.float32)
    wsems = (wsem, wsem2)

    for b in range(2):
        def zrow(r, _):
            for k in range(D // L):
                sbuf[b, r, pl.ds(k * L, L)] = z
            return _

        lax.fori_loop(0, R, zrow, None)

    def fire_round(s, b):
        row0 = base + s * R

        def fire(r, _):
            off = c_v[pl.ds(s * R + r, L)][0] * W
            pltpu.async_copy(
                x2d.at[pl.ds(row0 + r, 1), pl.ds(off, W)],
                sbuf.at[b, pl.ds(r, 1), pl.ds(off, W)],
                wsems[b],
            )
            return _

        lax.fori_loop(0, R, fire, None)

    def drain_windows(b):
        pltpu.make_async_copy(
            x2d.at[pl.ds(base, R), pl.ds(0, W)],
            sbuf.at[b, pl.ds(0, R), pl.ds(0, W)],
            wsems[b],
        ).wait()

    def rezero_round(s, b):
        def rezero(r, _):
            off = c_v[pl.ds(s * R + r, L)][0] * W
            for kk in range(W // L):
                sbuf[b, r, pl.ds(off + kk * L, L)] = z
            return _

        lax.fori_loop(0, R, rezero, None)

    def wait_out():
        pltpu.make_async_copy(sbuf.at[0], out2d.at[pl.ds(base, R)], osem).wait()

    fire_round(0, 0)
    for s in range(NR):
        b = s % 2
        if s + 1 < NR:
            if s >= 1:
                wait_out()
                rezero_round(s - 1, 1 - b)
            fire_round(s + 1, 1 - b)
        drain_windows(b)
        pltpu.async_copy(sbuf.at[b], out2d.at[pl.ds(base + s * R, R)], osem)
    wait_out()
    wait_out()


@functools.partial(
    pl.kernel,
    out_type=jax.ShapeDtypeStruct((B, D), jnp.float32),
    mesh=plsc.VectorSubcoreMesh(core_axis_name="c", subcore_axis_name="s"),
    compiler_params=pltpu.CompilerParams(needs_layout_passes=False),
    scratch_types=[
        pltpu.VMEM((RPW + L,), jnp.int32),
        pltpu.VMEM((2, R, D), jnp.float32),
        pltpu.SemaphoreType.DMA,
        pltpu.SemaphoreType.DMA,
        pltpu.SemaphoreType.DMA,
    ],
)
def _sc_kernel(x2d, c_hbm, out2d, c_v, sbuf, wsem, wsem2, osem):
    _sc_body(x2d, c_hbm, out2d, c_v, sbuf, wsem, wsem2, osem)


def kernel(input, c, masks):
    del masks
    return _sc_kernel(input, c.astype(jnp.int32))

# --- scband reference (transcript-rebuilt; emitter-appended) ---
"""Pipeline reference for scband-conditional-sim-net1d-87978110091360 (READ-ONLY COPY).

The authoritative reference and input builder live on the scoring server;
editing this copy changes nothing except your own understanding.
"""

import jax, jax.numpy as jnp
import numpy as np


def _build_masks():
    # Replicates the torch construction: row i has ones in [i*128, (i+1)*128), zeros elsewhere.
    m = np.zeros((5, 640), dtype=np.float32)
    for i in range(5):
        m[i, i * 128:(i + 1) * 128] = 1.0
    return jnp.asarray(m)


def setup_inputs(seed: int = 0) -> dict:
    key = jax.random.key(seed)
    k1, k2 = jax.random.split(key)
    x = jax.random.normal(k1, (16384, 640), dtype=jnp.float32)
    c = jax.random.randint(k2, (16384,), 0, 5)
    masks = _build_masks()
    return {"input": x, "c": c, "masks": masks}


def reference(input, c, masks):
    # Embedding lookup: gather mask rows by condition index.
    mask_c = jnp.take(masks, c, axis=0)  # [B, 640]
    masked_embedding = input * mask_c
    return masked_embedding

if __name__ == "__main__":
    import jax
    _d = setup_inputs()
    print(jax.jit(kernel)(*tuple(_d.values())))

</pallas_src>

<mosaic_0001>
#map = affine_map<(d0, d1) -> (0, 0)>
#map1 = affine_map<(d0, d1) -> (0)>
module attributes {stable_mosaic.version = 14 : i64} {
  func.func @_sc_kernel(%arg0: i32, %arg1: i32, %arg2: memref<16384x640xf32, #tpu.memory_space<hbm>>, %arg3: memref<16384xi32, #tpu.memory_space<hbm>>, %arg4: memref<16384x640xf32, #tpu.memory_space<hbm>>, %arg5: memref<528xi32, #tpu.memory_space<vmem>>, %arg6: memref<2x64x640xf32, #tpu.memory_space<vmem>>, %arg7: memref<!tpu.dma_semaphore, #tpu.memory_space<semaphore_mem>>, %arg8: memref<!tpu.dma_semaphore, #tpu.memory_space<semaphore_mem>>, %arg9: memref<!tpu.dma_semaphore, #tpu.memory_space<semaphore_mem>>) attributes {dimension_semantics = [#tpu.dimension_semantics<core_parallel>, #tpu.dimension_semantics<subcore_parallel>], iteration_bounds = array<i64: 2, 16>, scalar_prefetch = 0 : i64, scratch_operands = 5 : i64, tpu.core_type = #tpu.core_type<sc_vector_subcore>, window_params = [{transform_indices = #map}, {transform_indices = #map1}, {transform_indices = #map}]} {
    %mul3A = arith.constant 2 : i32
    %mul3A_0 = arith.muli %arg1, %mul3A : i32
    %add3A = arith.addi %mul3A_0, %arg0 : i32
    %mul3A_1 = arith.constant 512 : i32
    %mul3A_2 = arith.muli %add3A, %mul3A_1 : i32
    "tpu.region"() ({
      %run_scoped3A = tpu.sem_alloc : memref<!tpu.dma_semaphore, #tpu.memory_space<semaphore_mem>>
      %dma_start3A_425 = arith.constant 0 : i32
      %dma_start3A_426 = tpu.memref_slice %arg5[%dma_start3A_425] : memref<528xi32, #tpu.memory_space<vmem>> -> memref<512xi32, #tpu.memory_space<vmem>>
      %dma_start3A_427 = tpu.memref_slice %arg3[%mul3A_2] : memref<16384xi32, #tpu.memory_space<hbm>> -> memref<512xi32, #tpu.memory_space<hbm>>
      %dma_start3A_428 = arith.constant 0 : i32
      %dma_start3A_429 = tpu.memref_slice %arg5[%dma_start3A_428] : memref<528xi32, #tpu.memory_space<vmem>> -> memref<512xi32, #tpu.memory_space<vmem>>
      %dma_start3A_430 = tpu.memref_slice %arg3[%mul3A_2] : memref<16384xi32, #tpu.memory_space<hbm>> -> memref<512xi32, #tpu.memory_space<hbm>>
      tpu.enqueue_dma source(%dma_start3A_430 : memref<512xi32, #tpu.memory_space<hbm>>) target(%dma_start3A_429 : memref<512xi32, #tpu.memory_space<vmem>>) target_semaphore(%run_scoped3A : memref<!tpu.dma_semaphore, #tpu.memory_space<semaphore_mem>>)
      %dma_wait3A_431 = arith.constant 0 : i32
      %dma_wait3A_432 = tpu.memref_slice %arg5[%dma_wait3A_431] : memref<528xi32, #tpu.memory_space<vmem>> -> memref<512xi32, #tpu.memory_space<vmem>>
      %dma_wait3A_433 = tpu.memref_slice %arg3[%mul3A_2] : memref<16384xi32, #tpu.memory_space<hbm>> -> memref<512xi32, #tpu.memory_space<hbm>>
      %dma_wait3A_434 = arith.constant 0 : i32
      %dma_wait3A_435 = tpu.memref_slice %arg5[%dma_wait3A_434] : memref<528xi32, #tpu.memory_space<vmem>> -> memref<512xi32, #tpu.memory_space<vmem>>
      %dma_wait3A_436 = tpu.memref_slice %arg3[%mul3A_2] : memref<16384xi32, #tpu.memory_space<hbm>> -> memref<512xi32, #tpu.memory_space<hbm>>
      tpu.wait_dma2 semaphore(%run_scoped3A : memref<!tpu.dma_semaphore, #tpu.memory_space<semaphore_mem>>) src(%dma_wait3A_436 : memref<512xi32, #tpu.memory_space<hbm>>) dst(%dma_wait3A_435 : memref<512xi32, #tpu.memory_space<vmem>>)
      tpu.yield
    }) : () -> ()
    %broadcast_in_dim3A = arith.constant 0.000000e+00 : f32
    %broadcast_in_dim3A_3 = vector.broadcast %broadcast_in_dim3A : f32 to vector<16xf32>
    %scan3A = arith.constant 0 : i32
    %scan3A_4 = arith.constant 64 : i32
    %scan3A_5 = arith.addi %scan3A, %scan3A_4 : i32
    %scan3A_6 = arith.constant 1 : i32
    scf.for %scan3A_425 = %scan3A to %scan3A_5 step %scan3A_6  : i32 {
      %swap3A = arith.constant 0 : i32
      %swap3A_426 = arith.index_cast %swap3A : i32 to index
      %swap3A_427 = arith.index_cast %scan3A_425 : i32 to index
      %swap3A_428 = arith.constant 0 : index
      %swap3A_429 = tpu.vector_load %arg6[%swap3A_426, %swap3A_427, %swap3A_428] {strides = array<i32>} : memref<2x64x640xf32, #tpu.memory_space<vmem>>, vector<16xf32>,
      tpu.vector_store %arg6[%swap3A_426, %swap3A_427, %swap3A_428], %broadcast_in_dim3A_3 {strides = array<i32>} : memref<2x64x640xf32, #tpu.memory_space<vmem>>, vector<16xf32>,
      %swap3A_430 = arith.constant 0 : i32
      %swap3A_431 = arith.index_cast %swap3A_430 : i32 to index
      %swap3A_432 = arith.index_cast %scan3A_425 : i32 to index
      %swap3A_433 = arith.constant 16 : index
      %swap3A_434 = tpu.vector_load %arg6[%swap3A_431, %swap3A_432, %swap3A_433] {strides = array<i32>} : memref<2x64x640xf32, #tpu.memory_space<vmem>>, vector<16xf32>,
      tpu.vector_store %arg6[%swap3A_431, %swap3A_432, %swap3A_433], %broadcast_in_dim3A_3 {strides = array<i32>} : memref<2x64x640xf32, #tpu.memory_space<vmem>>, vector<16xf32>,
      %swap3A_435 = arith.constant 0 : i32
      %swap3A_436 = arith.index_cast %swap3A_435 : i32 to index
      %swap3A_437 = arith.index_cast %scan3A_425 : i32 to index
      %swap3A_438 = arith.constant 32 : index
      %swap3A_439 = tpu.vector_load %arg6[%swap3A_436, %swap3A_437, %swap3A_438] {strides = array<i32>} : memref<2x64x640xf32, #tpu.memory_space<vmem>>, vector<16xf32>,
      tpu.vector_store %arg6[%swap3A_436, %swap3A_437, %swap3A_438], %broadcast_in_dim3A_3 {strides = array<i32>} : memref<2x64x640xf32, #tpu.memory_space<vmem>>, vector<16xf32>,
      %swap3A_440 = arith.constant 0 : i32
      %swap3A_441 = arith.index_cast %swap3A_440 : i32 to index
      %swap3A_442 = arith.index_cast %scan3A_425 : i32 to index
      %swap3A_443 = arith.constant 48 : index
      %swap3A_444 = tpu.vector_load %arg6[%swap3A_441, %swap3A_442, %swap3A_443] {strides = array<i32>} : memref<2x64x640xf32, #tpu.memory_space<vmem>>, vector<16xf32>,
      tpu.vector_store %arg6[%swap3A_441, %swap3A_442, %swap3A_443], %broadcast_in_dim3A_3 {strides = array<i32>} : memref<2x64x640xf32, #tpu.memory_space<vmem>>, vector<16xf32>,
      %swap3A_445 = arith.constant 0 : i32
      %swap3A_446 = arith.index_cast %swap3A_445 : i32 to index
      %swap3A_447 = arith.index_cast %scan3A_425 : i32 to index
      %swap3A_448 = arith.constant 64 : index
      %swap3A_449 = tpu.vector_load %arg6[%swap3A_446, %swap3A_447, %swap3A_448] {strides = array<i32>} : memref<2x64x640xf32, #tpu.memory_space<vmem>>, vector<16xf32>,
      tpu.vector_store %arg6[%swap3A_446, %swap3A_447, %swap3A_448], %broadcast_in_dim3A_3 {strides = array<i32>} : memref<2x64x640xf32, #tpu.memory_space<vmem>>, vector<16xf32>,
      %swap3A_450 = arith.constant 0 : i32
      %swap3A_451 = arith.index_cast %swap3A_450 : i32 to index
      %swap3A_452 = arith.index_cast %scan3A_425 : i32 to index
      %swap3A_453 = arith.constant 80 : index
      %swap3A_454 = tpu.vector_load %arg6[%swap3A_451, %swap3A_452, %swap3A_453] {strides = array<i32>} : memref<2x64x640xf32, #tpu.memory_space<vmem>>, vector<16xf32>,
      tpu.vector_store %arg6[%swap3A_451, %swap3A_452, %swap3A_453], %broadcast_in_dim3A_3 {strides = array<i32>} : memref<2x64x640xf32, #tpu.memory_space<vmem>>, vector<16xf32>,
      %swap3A_455 = arith.constant 0 : i32
      %swap3A_456 = arith.index_cast %swap3A_455 : i32 to index
      %swap3A_457 = arith.index_cast %scan3A_425 : i32 to index
      %swap3A_458 = arith.constant 96 : index
      %swap3A_459 = tpu.vector_load %arg6[%swap3A_456, %swap3A_457, %swap3A_458] {strides = array<i32>} : memref<2x64x640xf32, #tpu.memory_space<vmem>>, vector<16xf32>,
      tpu.vector_store %arg6[%swap3A_456, %swap3A_457, %swap3A_458], %broadcast_in_dim3A_3 {strides = array<i32>} : memref<2x64x640xf32, #tpu.memory_space<vmem>>, vector<16xf32>,
      %swap3A_460 = arith.constant 0 : i32
      %swap3A_461 = arith.index_cast %swap3A_460 : i32 to index
      %swap3A_462 = arith.index_cast %scan3A_425 : i32 to index
      %swap3A_463 = arith.constant 112 : index
      %swap3A_464 = tpu.vector_load %arg6[%swap3A_461, %swap3A_462, %swap3A_463] {strides = array<i32>} : memref<2x64x640xf32, #tpu.memory_space<vmem>>, vector<16xf32>,
      tpu.vector_store %arg6[%swap3A_461, %swap3A_462, %swap3A_463], %broadcast_in_dim3A_3 {strides = array<i32>} : memref<2x64x640xf32, #tpu.memory_space<vmem>>, vector<16xf32>,
      %swap3A_465 = arith.constant 0 : i32
      %swap3A_466 = arith.index_cast %swap3A_465 : i32 to index
      %swap3A_467 = arith.index_cast %scan3A_425 : i32 to index
      %swap3A_468 = arith.constant 128 : index
      %swap3A_469 = tpu.vector_load %arg6[%swap3A_466, %swap3A_467, %swap3A_468] {strides = array<i32>} : memref<2x64x640xf32, #tpu.memory_space<vmem>>, vector<16xf32>,
      tpu.vector_store %arg6[%swap3A_466, %swap3A_467, %swap3A_468], %broadcast_in_dim3A_3 {strides = array<i32>} : memref<2x64x640xf32, #tpu.memory_space<vmem>>, vector<16xf32>,
      %swap3A_470 = arith.constant 0 : i32
      %swap3A_471 = arith.index_cast %swap3A_470 : i32 to index
      %swap3A_472 = arith.index_cast %scan3A_425 : i32 to index
      %swap3A_473 = arith.constant 144 : index
      %swap3A_474 = tpu.vector_load %arg6[%swap3A_471, %swap3A_472, %swap3A_473] {strides = array<i32>} : memref<2x64x640xf32, #tpu.memory_space<vmem>>, vector<16xf32>,
      tpu.vector_store %arg6[%swap3A_471, %swap3A_472, %swap3A_473], %broadcast_in_dim3A_3 {strides = array<i32>} : memref<2x64x640xf32, #tpu.memory_space<vmem>>, vector<16xf32>,
      %swap3A_475 = arith.constant 0 : i32
      %swap3A_476 = arith.index_cast %swap3A_475 : i32 to index
      %swap3A_477 = arith.index_cast %scan3A_425 : i32 to index
      %swap3A_478 = arith.constant 160 : index
      %swap3A_479 = tpu.vector_load %arg6[%swap3A_476, %swap3A_477, %swap3A_478] {strides = array<i32>} : memref<2x64x640xf32, #tpu.memory_space<vmem>>, vector<16xf32>,
      tpu.vector_store %arg6[%swap3A_476, %swap3A_477, %swap3A_478], %broadcast_in_dim3A_3 {strides = array<i32>} : memref<2x64x640xf32, #tpu.memory_space<vmem>>, vector<16xf32>,
      %swap3A_480 = arith.constant 0 : i32
      %swap3A_481 = arith.index_cast %swap3A_480 : i32 to index
      %swap3A_482 = arith.index_cast %scan3A_425 : i32 to index
      %swap3A_483 = arith.constant 176 : index
      %swap3A_484 = tpu.vector_load %arg6[%swap3A_481, %swap3A_482, %swap3A_483] {strides = array<i32>} : memref<2x64x640xf32, #tpu.memory_space<vmem>>, vector<16xf32>,
      tpu.vector_store %arg6[%swap3A_481, %swap3A_482, %swap3A_483], %broadcast_in_dim3A_3 {strides = array<i32>} : memref<2x64x640xf32, #tpu.memory_space<vmem>>, vector<16xf32>,
      %swap3A_485 = arith.constant 0 : i32
      %swap3A_486 = arith.index_cast %swap3A_485 : i32 to index
      %swap3A_487 = arith.index_cast %scan3A_425 : i32 to index
      %swap3A_488 = arith.constant 192 : index
      %swap3A_489 = tpu.vector_load %arg6[%swap3A_486, %swap3A_487, %swap3A_488] {strides = array<i32>} : memref<2x64x640xf32, #tpu.memory_space<vmem>>, vector<16xf32>,
      tpu.vector_store %arg6[%swap3A_486, %swap3A_487, %swap3A_488], %broadcast_in_dim3A_3 {strides = array<i32>} : memref<2x64x640xf32, #tpu.memory_space<vmem>>, vector<16xf32>,
      %swap3A_490 = arith.constant 0 : i32
      %swap3A_491 = arith.index_cast %swap3A_490 : i32 to index
      %swap3A_492 = arith.index_cast %scan3A_425 : i32 to index
      %swap3A_493 = arith.constant 208 : index
      %swap3A_494 = tpu.vector_load %arg6[%swap3A_491, %swap3A_492, %swap3A_493] {strides = array<i32>} : memref<2x64x640xf32, #tpu.memory_space<vmem>>, vector<16xf32>,
      tpu.vector_store %arg6[%swap3A_491, %swap3A_492, %swap3A_493], %broadcast_in_dim3A_3 {strides = array<i32>} : memref<2x64x640xf32, #tpu.memory_space<vmem>>, vector<16xf32>,
      %swap3A_495 = arith.constant 0 : i32
      %swap3A_496 = arith.index_cast %swap3A_495 : i32 to index
      %swap3A_497 = arith.index_cast %scan3A_425 : i32 to index
      %swap3A_498 = arith.constant 224 : index
      %swap3A_499 = tpu.vector_load %arg6[%swap3A_496, %swap3A_497, %swap3A_498] {strides = array<i32>} : memref<2x64x640xf32, #tpu.memory_space<vmem>>, vector<16xf32>,
      tpu.vector_store %arg6[%swap3A_496, %swap3A_497, %swap3A_498], %broadcast_in_dim3A_3 {strides = array<i32>} : memref<2x64x640xf32, #tpu.memory_space<vmem>>, vector<16xf32>,
      %swap3A_500 = arith.constant 0 : i32
      %swap3A_501 = arith.index_cast %swap3A_500 : i32 to index
      %swap3A_502 = arith.index_cast %scan3A_425 : i32 to index
      %swap3A_503 = arith.constant 240 : index
      %swap3A_504 = tpu.vector_load %arg6[%swap3A_501, %swap3A_502, %swap3A_503] {strides = array<i32>} : memref<2x64x640xf32, #tpu.memory_space<vmem>>, vector<16xf32>,
      tpu.vector_store %arg6[%swap3A_501, %swap3A_502, %swap3A_503], %broadcast_in_dim3A_3 {strides = array<i32>} : memref<2x64x640xf32, #tpu.memory_space<vmem>>, vector<16xf32>,
      %swap3A_505 = arith.constant 0 : i32
      %swap3A_506 = arith.index_cast %swap3A_505 : i32 to index
      %swap3A_507 = arith.index_cast %scan3A_425 : i32 to index
      %swap3A_508 = arith.constant 256 : index
      %swap3A_509 = tpu.vector_load %arg6[%swap3A_506, %swap3A_507, %swap3A_508] {strides = array<i32>} : memref<2x64x640xf32, #tpu.memory_space<vmem>>, vector<16xf32>,
      tpu.vector_store %arg6[%swap3A_506, %swap3A_507, %swap3A_508], %broadcast_in_dim3A_3 {strides = array<i32>} : memref<2x64x640xf32, #tpu.memory_space<vmem>>, vector<16xf32>,
      %swap3A_510 = arith.constant 0 : i32
      %swap3A_511 = arith.index_cast %swap3A_510 : i32 to index
      %swap3A_512 = arith.index_cast %scan3A_425 : i32 to index
      %swap3A_513 = arith.constant 272 : index
      %swap3A_514 = tpu.vector_load %arg6[%swap3A_511, %swap3A_512, %swap3A_513] {strides = array<i32>} : memref<2x64x640xf32, #tpu.memory_space<vmem>>, vector<16xf32>,
      tpu.vector_store %arg6[%swap3A_511, %swap3A_512, %swap3A_513], %broadcast_in_dim3A_3 {strides = array<i32>} : memref<2x64x640xf32, #tpu.memory_space<vmem>>, vector<16xf32>,
      %swap3A_515 = arith.constant 0 : i32
      %swap3A_516 = arith.index_cast %swap3A_515 : i32 to index
      %swap3A_517 = arith.index_cast %scan3A_425 : i32 to index
      %swap3A_518 = arith.constant 288 : index
      %swap3A_519 = tpu.vector_load %arg6[%swap3A_516, %swap3A_517, %swap3A_518] {strides = array<i32>} : memref<2x64x640xf32, #tpu.memory_space<vmem>>, vector<16xf32>,
      tpu.vector_store %arg6[%swap3A_516, %swap3A_517, %swap3A_518], %broadcast_in_dim3A_3 {strides = array<i32>} : memref<2x64x640xf32, #tpu.memory_space<vmem>>, vector<16xf32>,
      %swap3A_520 = arith.constant 0 : i32
      %swap3A_521 = arith.index_cast %swap3A_520 : i32 to index
      %swap3A_522 = arith.index_cast %scan3A_425 : i32 to index
      %swap3A_523 = arith.constant 304 : index
      %swap3A_524 = tpu.vector_load %arg6[%swap3A_521, %swap3A_522, %swap3A_523] {strides = array<i32>} : memref<2x64x640xf32, #tpu.memory_space<vmem>>, vector<16xf32>,
      tpu.vector_store %arg6[%swap3A_521, %swap3A_522, %swap3A_523], %broadcast_in_dim3A_3 {strides = array<i32>} : memref<2x64x640xf32, #tpu.memory_space<vmem>>, vector<16xf32>,
      %swap3A_525 = arith.constant 0 : i32
      %swap3A_526 = arith.index_cast %swap3A_525 : i32 to index
      %swap3A_527 = arith.index_cast %scan3A_425 : i32 to index
      %swap3A_528 = arith.constant 320 : index
      %swap3A_529 = tpu.vector_load %arg6[%swap3A_526, %swap3A_527, %swap3A_528] {strides = array<i32>} : memref<2x64x640xf32, #tpu.memory_space<vmem>>, vector<16xf32>,
      tpu.vector_store %arg6[%swap3A_526, %swap3A_527, %swap3A_528], %broadcast_in_dim3A_3 {strides = array<i32>} : memref<2x64x640xf32, #tpu.memory_space<vmem>>, vector<16xf32>,
      %swap3A_530 = arith.constant 0 : i32
      %swap3A_531 = arith.index_cast %swap3A_530 : i32 to index
      %swap3A_532 = arith.index_cast %scan3A_425 : i32 to index
      %swap3A_533 = arith.constant 336 : index
      %swap3A_534 = tpu.vector_load %arg6[%swap3A_531, %swap3A_532, %swap3A_533] {strides = array<i32>} : memref<2x64x640xf32, #tpu.memory_space<vmem>>, vector<16xf32>,
      tpu.vector_store %arg6[%swap3A_531, %swap3A_532, %swap3A_533], %broadcast_in_dim3A_3 {strides = array<i32>} : memref<2x64x640xf32, #tpu.memory_space<vmem>>, vector<16xf32>,
      %swap3A_535 = arith.constant 0 : i32
      %swap3A_536 = arith.index_cast %swap3A_535 : i32 to index
      %swap3A_537 = arith.index_cast %scan3A_425 : i32 to index
      %swap3A_538 = arith.constant 352 : index
      %swap3A_539 = tpu.vector_load %arg6[%swap3A_536, %swap3A_537, %swap3A_538] {strides = array<i32>} : memref<2x64x640xf32, #tpu.memory_space<vmem>>, vector<16xf32>,
      tpu.vector_store %arg6[%swap3A_536, %swap3A_537, %swap3A_538], %broadcast_in_dim3A_3 {strides = array<i32>} : memref<2x64x640xf32, #tpu.memory_space<vmem>>, vector<16xf32>,
      %swap3A_540 = arith.constant 0 : i32
      %swap3A_541 = arith.index_cast %swap3A_540 : i32 to index
      %swap3A_542 = arith.index_cast %scan3A_425 : i32 to index
      %swap3A_543 = arith.constant 368 : index
      %swap3A_544 = tpu.vector_load %arg6[%swap3A_541, %swap3A_542, %swap3A_543] {strides = array<i32>} : memref<2x64x640xf32, #tpu.memory_space<vmem>>, vector<16xf32>,
      tpu.vector_store %arg6[%swap3A_541, %swap3A_542, %swap3A_543], %broadcast_in_dim3A_3 {strides = array<i32>} : memref<2x64x640xf32, #tpu.memory_space<vmem>>, vector<16xf32>,
      %swap3A_545 = arith.constant 0 : i32
      %swap3A_546 = arith.index_cast %swap3A_545 : i32 to index
      %swap3A_547 = arith.index_cast %scan3A_425 : i32 to index
      %swap3A_548 = arith.constant 384 : index
      %swap3A_549 = tpu.vector_load %arg6[%swap3A_546, %swap3A_547, %swap3A_548] {strides = array<i32>} : memref<2x64x640xf32, #tpu.memory_space<vmem>>, vector<16xf32>,
      tpu.vector_store %arg6[%swap3A_546, %swap3A_547, %swap3A_548], %broadcast_in_dim3A_3 {strides = array<i32>} : memref<2x64x640xf32, #tpu.memory_space<vmem>>, vector<16xf32>,
      %swap3A_550 = arith.constant 0 : i32
      %swap3A_551 = arith.index_cast %swap3A_550 : i32 to index
      %swap3A_552 = arith.index_cast %scan3A_425 : i32 to index
      %swap3A_553 = arith.constant 400 : index
      %swap3A_554 = tpu.vector_load %arg6[%swap3A_551, %swap3A_552, %swap3A_553] {strides = array<i32>} : memref<2x64x640xf32, #tpu.memory_space<vmem>>, vector<16xf32>,
      tpu.vector_store %arg6[%swap3A_551, %swap3A_552, %swap3A_553], %broadcast_in_dim3A_3 {strides = array<i32>} : memref<2x64x640xf32, #tpu.memory_space<vmem>>, vector<16xf32>,
      %swap3A_555 = arith.constant 0 : i32
      %swap3A_556 = arith.index_cast %swap3A_555 : i32 to index
      %swap3A_557 = arith.index_cast %scan3A_425 : i32 to index
      %swap3A_558 = arith.constant 416 : index
      %swap3A_559 = tpu.vector_load %arg6[%swap3A_556, %swap3A_557, %swap3A_558] {strides = array<i32>} : memref<2x64x640xf32, #tpu.memory_space<vmem>>, vector<16xf32>,
      tpu.vector_store %arg6[%swap3A_556, %swap3A_557, %swap3A_558], %broadcast_in_dim3A_3 {strides = array<i32>} : memref<2x64x640xf32, #tpu.memory_space<vmem>>, vector<16xf32>,
      %swap3A_560 = arith.constant 0 : i32
      %swap3A_561 = arith.index_cast %swap3A_560 : i32 to index
      %swap3A_562 = arith.index_cast %scan3A_425 : i32 to index
      %swap3A_563 = arith.constant 432 : index
      %swap3A_564 = tpu.vector_load %arg6[%swap3A_561, %swap3A_562, %swap3A_563] {strides = array<i32>} : memref<2x64x640xf32, #tpu.memory_space<vmem>>, vector<16xf32>,
      tpu.vector_store %arg6[%swap3A_561, %swap3A_562, %swap3A_563], %broadcast_in_dim3A_3 {strides = array<i32>} : memref<2x64x640xf32, #tpu.memory_space<vmem>>, vector<16xf32>,
      %swap3A_565 = arith.constant 0 : i32
      %swap3A_566 = arith.index_cast %swap3A_565 : i32 to index
      %swap3A_567 = arith.index_cast %scan3A_425 : i32 to index
      %swap3A_568 = arith.constant 448 : index
      %swap3A_569 = tpu.vector_load %arg6[%swap3A_566, %swap3A_567, %swap3A_568] {strides = array<i32>} : memref<2x64x640xf32, #tpu.memory_space<vmem>>, vector<16xf32>,
      tpu.vector_store %arg6[%swap3A_566, %swap3A_567, %swap3A_568], %broadcast_in_dim3A_3 {strides = array<i32>} : memref<2x64x640xf32, #tpu.memory_space<vmem>>, vector<16xf32>,
      %swap3A_570 = arith.constant 0 : i32
      %swap3A_571 = arith.index_cast %swap3A_570 : i32 to index
      %swap3A_572 = arith.index_cast %scan3A_425 : i32 to index
      %swap3A_573 = arith.constant 464 : index
      %swap3A_574 = tpu.vector_load %arg6[%swap3A_571, %swap3A_572, %swap3A_573] {strides = array<i32>} : memref<2x64x640xf32, #tpu.memory_space<vmem>>, vector<16xf32>,
      tpu.vector_store %arg6[%swap3A_571, %swap3A_572, %swap3A_573], %broadcast_in_dim3A_3 {strides = array<i32>} : memref<2x64x640xf32, #tpu.memory_space<vmem>>, vector<16xf32>,
      %swap3A_575 = arith.constant 0 : i32
      %swap3A_576 = arith.index_cast %swap3A_575 : i32 to index
      %swap3A_577 = arith.index_cast %scan3A_425 : i32 to index
      %swap3A_578 = arith.constant 480 : index
      %swap3A_579 = tpu.vector_load %arg6[%swap3A_576, %swap3A_577, %swap3A_578] {strides = array<i32>} : memref<2x64x640xf32, #tpu.memory_space<vmem>>, vector<16xf32>,
      tpu.vector_store %arg6[%swap3A_576, %swap3A_577, %swap3A_578], %broadcast_in_dim3A_3 {strides = array<i32>} : memref<2x64x640xf32, #tpu.memory_space<vmem>>, vector<16xf32>,
      %swap3A_580 = arith.constant 0 : i32
      %swap3A_581 = arith.index_cast %swap3A_580 : i32 to index
      %swap3A_582 = arith.index_cast %scan3A_425 : i32 to index
      %swap3A_583 = arith.constant 496 : index
      %swap3A_584 = tpu.vector_load %arg6[%swap3A_581, %swap3A_582, %swap3A_583] {strides = array<i32>} : memref<2x64x640xf32, #tpu.memory_space<vmem>>, vector<16xf32>,
      tpu.vector_store %arg6[%swap3A_581, %swap3A_582, %swap3A_583], %broadcast_in_dim3A_3 {strides = array<i32>} : memref<2x64x640xf32, #tpu.memory_space<vmem>>, vector<16xf32>,
      %swap3A_585 = arith.constant 0 : i32
      %swap3A_586 = arith.index_cast %swap3A_585 : i32 to index
      %swap3A_587 = arith.index_cast %scan3A_425 : i32 to index
      %swap3A_588 = arith.constant 512 : index
      %swap3A_589 = tpu.vector_load %arg6[%swap3A_586, %swap3A_587, %swap3A_588] {strides = array<i32>} : memref<2x64x640xf32, #tpu.memory_space<vmem>>, vector<16xf32>,
      tpu.vector_store %arg6[%swap3A_586, %swap3A_587, %swap3A_588], %broadcast_in_dim3A_3 {strides = array<i32>} : memref<2x64x640xf32, #tpu.memory_space<vmem>>, vector<16xf32>,
      %swap3A_590 = arith.constant 0 : i32
      %swap3A_591 = arith.index_cast %swap3A_590 : i32 to index
      %swap3A_592 = arith.index_cast %scan3A_425 : i32 to index
      %swap3A_593 = arith.constant 528 : index
      %swap3A_594 = tpu.vector_load %arg6[%swap3A_591, %swap3A_592, %swap3A_593] {strides = array<i32>} : memref<2x64x640xf32, #tpu.memory_space<vmem>>, vector<16xf32>,
      tpu.vector_store %arg6[%swap3A_591, %swap3A_592, %swap3A_593], %broadcast_in_dim3A_3 {strides = array<i32>} : memref<2x64x640xf32, #tpu.memory_space<vmem>>, vector<16xf32>,
      %swap3A_595 = arith.constant 0 : i32
      %swap3A_596 = arith.index_cast %swap3A_595 : i32 to index
      %swap3A_597 = arith.index_cast %scan3A_425 : i32 to index
      %swap3A_598 = arith.constant 544 : index
      %swap3A_599 = tpu.vector_load %arg6[%swap3A_596, %swap3A_597, %swap3A_598] {strides = array<i32>} : memref<2x64x640xf32, #tpu.memory_space<vmem>>, vector<16xf32>,
      tpu.vector_store %arg6[%swap3A_596, %swap3A_597, %swap3A_598], %broadcast_in_dim3A_3 {strides = array<i32>} : memref<2x64x640xf32, #tpu.memory_space<vmem>>, vector<16xf32>,
      %swap3A_600 = arith.constant 0 : i32
      %swap3A_601 = arith.index_cast %swap3A_600 : i32 to index
      %swap3A_602 = arith.index_cast %scan3A_425 : i32 to index
      %swap3A_603 = arith.constant 560 : index
      %swap3A_604 = tpu.vector_load %arg6[%swap3A_601, %swap3A_602, %swap3A_603] {strides = array<i32>} : memref<2x64x640xf32, #tpu.memory_space<vmem>>, vector<16xf32>,
      tpu.vector_store %arg6[%swap3A_601, %swap3A_602, %swap3A_603], %broadcast_in_dim3A_3 {strides = array<i32>} : memref<2x64x640xf32, #tpu.memory_space<vmem>>, vector<16xf32>,
      %swap3A_605 = arith.constant 0 : i32
      %swap3A_606 = arith.index_cast %swap3A_605 : i32 to index
      %swap3A_607 = arith.index_cast %scan3A_425 : i32 to index
      %swap3A_608 = arith.constant 576 : index
      %swap3A_609 = tpu.vector_load %arg6[%swap3A_606, %swap3A_607, %swap3A_608] {strides = array<i32>} : memref<2x64x640xf32, #tpu.memory_space<vmem>>, vector<16xf32>,
      tpu.vector_store %arg6[%swap3A_606, %swap3A_607, %swap3A_608], %broadcast_in_dim3A_3 {strides = array<i32>} : memref<2x64x640xf32, #tpu.memory_space<vmem>>, vector<16xf32>,
      %swap3A_610 = arith.constant 0 : i32
      %swap3A_611 = arith.index_cast %swap3A_610 : i32 to index
      %swap3A_612 = arith.index_cast %scan3A_425 : i32 to index
      %swap3A_613 = arith.constant 592 : index
      %swap3A_614 = tpu.vector_load %arg6[%swap3A_611, %swap3A_612, %swap3A_613] {strides = array<i32>} : memref<2x64x640xf32, #tpu.memory_space<vmem>>, vector<16xf32>,
      tpu.vector_store %arg6[%swap3A_611, %swap3A_612, %swap3A_613], %broadcast_in_dim3A_3 {strides = array<i32>} : memref<2x64x640xf32, #tpu.memory_space<vmem>>, vector<16xf32>,
      %swap3A_615 = arith.constant 0 : i32
      %swap3A_616 = arith.index_cast %swap3A_615 : i32 to index
      %swap3A_617 = arith.index_cast %scan3A_425 : i32 to index
      %swap3A_618 = arith.constant 608 : index
      %swap3A_619 = tpu.vector_load %arg6[%swap3A_616, %swap3A_617, %swap3A_618] {strides = array<i32>} : memref<2x64x640xf32, #tpu.memory_space<vmem>>, vector<16xf32>,
      tpu.vector_store %arg6[%swap3A_616, %swap3A_617, %swap3A_618], %broadcast_in_dim3A_3 {strides = array<i32>} : memref<2x64x640xf32, #tpu.memory_space<vmem>>, vector<16xf32>,
      %swap3A_620 = arith.constant 0 : i32
      %swap3A_621 = arith.index_cast %swap3A_620 : i32 to index
      %swap3A_622 = arith.index_cast %scan3A_425 : i32 to index
      %swap3A_623 = arith.constant 624 : index
      %swap3A_624 = tpu.vector_load %arg6[%swap3A_621, %swap3A_622, %swap3A_623] {strides = array<i32>} : memref<2x64x640xf32, #tpu.memory_space<vmem>>, vector<16xf32>,
      tpu.vector_store %arg6[%swap3A_621, %swap3A_622, %swap3A_623], %broadcast_in_dim3A_3 {strides = array<i32>} : memref<2x64x640xf32, #tpu.memory_space<vmem>>, vector<16xf32>,
    }
    %scan3A_7 = arith.constant 64 : i32
    %scan3A_8 = arith.constant 0 : i32
    %scan3A_9 = arith.constant 64 : i32
    %scan3A_10 = arith.addi %scan3A_8, %scan3A_9 : i32
    %scan3A_11 = arith.constant 1 : i32
    scf.for %scan3A_425 = %scan3A_8 to %scan3A_10 step %scan3A_11  : i32 {
      %swap3A = arith.constant 1 : i32
      %swap3A_426 = arith.index_cast %swap3A : i32 to index
      %swap3A_427 = arith.index_cast %scan3A_425 : i32 to index
      %swap3A_428 = arith.constant 0 : index
      %swap3A_429 = tpu.vector_load %arg6[%swap3A_426, %swap3A_427, %swap3A_428] {strides = array<i32>} : memref<2x64x640xf32, #tpu.memory_space<vmem>>, vector<16xf32>,
      tpu.vector_store %arg6[%swap3A_426, %swap3A_427, %swap3A_428], %broadcast_in_dim3A_3 {strides = array<i32>} : memref<2x64x640xf32, #tpu.memory_space<vmem>>, vector<16xf32>,
      %swap3A_430 = arith.constant 1 : i32
      %swap3A_431 = arith.index_cast %swap3A_430 : i32 to index
      %swap3A_432 = arith.index_cast %scan3A_425 : i32 to index
      %swap3A_433 = arith.constant 16 : index
      %swap3A_434 = tpu.vector_load %arg6[%swap3A_431, %swap3A_432, %swap3A_433] {strides = array<i32>} : memref<2x64x640xf32, #tpu.memory_space<vmem>>, vector<16xf32>,
      tpu.vector_store %arg6[%swap3A_431, %swap3A_432, %swap3A_433], %broadcast_in_dim3A_3 {strides = array<i32>} : memref<2x64x640xf32, #tpu.memory_space<vmem>>, vector<16xf32>,
      %swap3A_435 = arith.constant 1 : i32
      %swap3A_436 = arith.index_cast %swap3A_435 : i32 to index
      %swap3A_437 = arith.index_cast %scan3A_425 : i32 to index
      %swap3A_438 = arith.constant 32 : index
      %swap3A_439 = tpu.vector_load %arg6[%swap3A_436, %swap3A_437, %swap3A_438] {strides = array<i32>} : memref<2x64x640xf32, #tpu.memory_space<vmem>>, vector<16xf32>,
      tpu.vector_store %arg6[%swap3A_436, %swap3A_437, %swap3A_438], %broadcast_in_dim3A_3 {strides = array<i32>} : memref<2x64x640xf32, #tpu.memory_space<vmem>>, vector<16xf32>,
      %swap3A_440 = arith.constant 1 : i32
      %swap3A_441 = arith.index_cast %swap3A_440 : i32 to index
      %swap3A_442 = arith.index_cast %scan3A_425 : i32 to index
      %swap3A_443 = arith.constant 48 : index
      %swap3A_444 = tpu.vector_load %arg6[%swap3A_441, %swap3A_442, %swap3A_443] {strides = array<i32>} : memref<2x64x640xf32, #tpu.memory_space<vmem>>, vector<16xf32>,
      tpu.vector_store %arg6[%swap3A_441, %swap3A_442, %swap3A_443], %broadcast_in_dim3A_3 {strides = array<i32>} : memref<2x64x640xf32, #tpu.memory_space<vmem>>, vector<16xf32>,
      %swap3A_445 = arith.constant 1 : i32
      %swap3A_446 = arith.index_cast %swap3A_445 : i32 to index
      %swap3A_447 = arith.index_cast %scan3A_425 : i32 to index
      %swap3A_448 = arith.constant 64 : index
      %swap3A_449 = tpu.vector_load %arg6[%swap3A_446, %swap3A_447, %swap3A_448] {strides = array<i32>} : memref<2x64x640xf32, #tpu.memory_space<vmem>>, vector<16xf32>,
      tpu.vector_store %arg6[%swap3A_446, %swap3A_447, %swap3A_448], %broadcast_in_dim3A_3 {strides = array<i32>} : memref<2x64x640xf32, #tpu.memory_space<vmem>>, vector<16xf32>,
      %swap3A_450 = arith.constant 1 : i32
      %swap3A_451 = arith.index_cast %swap3A_450 : i32 to index
      %swap3A_452 = arith.index_cast %scan3A_425 : i32 to index
      %swap3A_453 = arith.constant 80 : index
      %swap3A_454 = tpu.vector_load %arg6[%swap3A_451, %swap3A_452, %swap3A_453] {strides = array<i32>} : memref<2x64x640xf32, #tpu.memory_space<vmem>>, vector<16xf32>,
      tpu.vector_store %arg6[%swap3A_451, %swap3A_452, %swap3A_453], %broadcast_in_dim3A_3 {strides = array<i32>} : memref<2x64x640xf32, #tpu.memory_space<vmem>>, vector<16xf32>,
      %swap3A_455 = arith.constant 1 : i32
      %swap3A_456 = arith.index_cast %swap3A_455 : i32 to index
      %swap3A_457 = arith.index_cast %scan3A_425 : i32 to index
      %swap3A_458 = arith.constant 96 : index
      %swap3A_459 = tpu.vector_load %arg6[%swap3A_456, %swap3A_457, %swap3A_458] {strides = array<i32>} : memref<2x64x640xf32, #tpu.memory_space<vmem>>, vector<16xf32>,
      tpu.vector_store %arg6[%swap3A_456, %swap3A_457, %swap3A_458], %broadcast_in_dim3A_3 {strides = array<i32>} : memref<2x64x640xf32, #tpu.memory_space<vmem>>, vector<16xf32>,
      %swap3A_460 = arith.constant 1 : i32
      %swap3A_461 = arith.index_cast %swap3A_460 : i32 to index
      %swap3A_462 = arith.index_cast %scan3A_425 : i32 to index
      %swap3A_463 = arith.constant 112 : index
      %swap3A_464 = tpu.vector_load %arg6[%swap3A_461, %swap3A_462, %swap3A_463] {strides = array<i32>} : memref<2x64x640xf32, #tpu.memory_space<vmem>>, vector<16xf32>,
      tpu.vector_store %arg6[%swap3A_461, %swap3A_462, %swap3A_463], %broadcast_in_dim3A_3 {strides = array<i32>} : memref<2x64x640xf32, #tpu.memory_space<vmem>>, vector<16xf32>,
      %swap3A_465 = arith.constant 1 : i32
      %swap3A_466 = arith.index_cast %swap3A_465 : i32 to index
      %swap3A_467 = arith.index_cast %scan3A_425 : i32 to index
      %swap3A_468 = arith.constant 128 : index
      %swap3A_469 = tpu.vector_load %arg6[%swap3A_466, %swap3A_467, %swap3A_468] {strides = array<i32>} : memref<2x64x640xf32, #tpu.memory_space<vmem>>, vector<16xf32>,
      tpu.vector_store %arg6[%swap3A_466, %swap3A_467, %swap3A_468], %broadcast_in_dim3A_3 {strides = array<i32>} : memref<2x64x640xf32, #tpu.memory_space<vmem>>, vector<16xf32>,
      %swap3A_470 = arith.constant 1 : i32
      %swap3A_471 = arith.index_cast %swap3A_470 : i32 to index
      %swap3A_472 = arith.index_cast %scan3A_425 : i32 to index
      %swap3A_473 = arith.constant 144 : index
      %swap3A_474 = tpu.vector_load %arg6[%swap3A_471, %swap3A_472, %swap3A_473] {strides = array<i32>} : memref<2x64x640xf32, #tpu.memory_space<vmem>>, vector<16xf32>,
      tpu.vector_store %arg6[%swap3A_471, %swap3A_472, %swap3A_473], %broadcast_in_dim3A_3 {strides = array<i32>} : memref<2x64x640xf32, #tpu.memory_space<vmem>>, vector<16xf32>,
      %swap3A_475 = arith.constant 1 : i32
      %swap3A_476 = arith.index_cast %swap3A_475 : i32 to index
      %swap3A_477 = arith.index_cast %scan3A_425 : i32 to index
      %swap3A_478 = arith.constant 160 : index
      %swap3A_479 = tpu.vector_load %arg6[%swap3A_476, %swap3A_477, %swap3A_478] {strides = array<i32>} : memref<2x64x640xf32, #tpu.memory_space<vmem>>, vector<16xf32>,
      tpu.vector_store %arg6[%swap3A_476, %swap3A_477, %swap3A_478], %broadcast_in_dim3A_3 {strides = array<i32>} : memref<2x64x640xf32, #tpu.memory_space<vmem>>, vector<16xf32>,
      %swap3A_480 = arith.constant 1 : i32
      %swap3A_481 = arith.index_cast %swap3A_480 : i32 to index
      %swap3A_482 = arith.index_cast %scan3A_425 : i32 to index
      %swap3A_483 = arith.constant 176 : index
      %swap3A_484 = tpu.vector_load %arg6[%swap3A_481, %swap3A_482, %swap3A_483] {strides = array<i32>} : memref<2x64x640xf32, #tpu.memory_space<vmem>>, vector<16xf32>,
      tpu.vector_store %arg6[%swap3A_481, %swap3A_482, %swap3A_483], %broadcast_in_dim3A_3 {strides = array<i32>} : memref<2x64x640xf32, #tpu.memory_space<vmem>>, vector<16xf32>,
      %swap3A_485 = arith.constant 1 : i32
      %swap3A_486 = arith.index_cast %swap3A_485 : i32 to index
      %swap3A_487 = arith.index_cast %scan3A_425 : i32 to index
      %swap3A_488 = arith.constant 192 : index
      %swap3A_489 = tpu.vector_load %arg6[%swap3A_486, %swap3A_487, %swap3A_488] {strides = array<i32>} : memref<2x64x640xf32, #tpu.memory_space<vmem>>, vector<16xf32>,
      tpu.vector_store %arg6[%swap3A_486, %swap3A_487, %swap3A_488], %broadcast_in_dim3A_3 {strides = array<i32>} : memref<2x64x640xf32, #tpu.memory_space<vmem>>, vector<16xf32>,
      %swap3A_490 = arith.constant 1 : i32
      %swap3A_491 = arith.index_cast %swap3A_490 : i32 to index
      %swap3A_492 = arith.index_cast %scan3A_425 : i32 to index
      %swap3A_493 = arith.constant 208 : index
      %swap3A_494 = tpu.vector_load %arg6[%swap3A_491, %swap3A_492, %swap3A_493] {strides = array<i32>} : memref<2x64x640xf32, #tpu.memory_space<vmem>>, vector<16xf32>,
      tpu.vector_store %arg6[%swap3A_491, %swap3A_492, %swap3A_493], %broadcast_in_dim3A_3 {strides = array<i32>} : memref<2x64x640xf32, #tpu.memory_space<vmem>>, vector<16xf32>,
      %swap3A_495 = arith.constant 1 : i32
      %swap3A_496 = arith.index_cast %swap3A_495 : i32 to index
      %swap3A_497 = arith.index_cast %scan3A_425 : i32 to index
      %swap3A_498 = arith.constant 224 : index
      %swap3A_499 = tpu.vector_load %arg6[%swap3A_496, %swap3A_497, %swap3A_498] {strides = array<i32>} : memref<2x64x640xf32, #tpu.memory_space<vmem>>, vector<16xf32>,
      tpu.vector_store %arg6[%swap3A_496, %swap3A_497, %swap3A_498], %broadcast_in_dim3A_3 {strides = array<i32>} : memref<2x64x640xf32, #tpu.memory_space<vmem>>, vector<16xf32>,
      %swap3A_500 = arith.constant 1 : i32
      %swap3A_501 = arith.index_cast %swap3A_500 : i32 to index
      %swap3A_502 = arith.index_cast %scan3A_425 : i32 to index
      %swap3A_503 = arith.constant 240 : index
      %swap3A_504 = tpu.vector_load %arg6[%swap3A_501, %swap3A_502, %swap3A_503] {strides = array<i32>} : memref<2x64x640xf32, #tpu.memory_space<vmem>>, vector<16xf32>,
      tpu.vector_store %arg6[%swap3A_501, %swap3A_502, %swap3A_503], %broadcast_in_dim3A_3 {strides = array<i32>} : memref<2x64x640xf32, #tpu.memory_space<vmem>>, vector<16xf32>,
      %swap3A_505 = arith.constant 1 : i32
      %swap3A_506 = arith.index_cast %swap3A_505 : i32 to index
      %swap3A_507 = arith.index_cast %scan3A_425 : i32 to index
      %swap3A_508 = arith.constant 256 : index
      %swap3A_509 = tpu.vector_load %arg6[%swap3A_506, %swap3A_507, %swap3A_508] {strides = array<i32>} : memref<2x64x640xf32, #tpu.memory_space<vmem>>, vector<16xf32>,
      tpu.vector_store %arg6[%swap3A_506, %swap3A_507, %swap3A_508], %broadcast_in_dim3A_3 {strides = array<i32>} : memref<2x64x640xf32, #tpu.memory_space<vmem>>, vector<16xf32>,
      %swap3A_510 = arith.constant 1 : i32
      %swap3A_511 = arith.index_cast %swap3A_510 : i32 to index
      %swap3A_512 = arith.index_cast %scan3A_425 : i32 to index
      %swap3A_513 = arith.constant 272 : index
      %swap3A_514 = tpu.vector_load %arg6[%swap3A_511, %swap3A_512, %swap3A_513] {strides = array<i32>} : memref<2x64x640xf32, #tpu.memory_space<vmem>>, vector<16xf32>,
      tpu.vector_store %arg6[%swap3A_511, %swap3A_512, %swap3A_513], %broadcast_in_dim3A_3 {strides = array<i32>} : memref<2x64x640xf32, #tpu.memory_space<vmem>>, vector<16xf32>,
      %swap3A_515 = arith.constant 1 : i32
      %swap3A_516 = arith.index_cast %swap3A_515 : i32 to index
      %swap3A_517 = arith.index_cast %scan3A_425 : i32 to index
      %swap3A_518 = arith.constant 288 : index
      %swap3A_519 = tpu.vector_load %arg6[%swap3A_516, %swap3A_517, %swap3A_518] {strides = array<i32>} : memref<2x64x640xf32, #tpu.memory_space<vmem>>, vector<16xf32>,
      tpu.vector_store %arg6[%swap3A_516, %swap3A_517, %swap3A_518], %broadcast_in_dim3A_3 {strides = array<i32>} : memref<2x64x640xf32, #tpu.memory_space<vmem>>, vector<16xf32>,
      %swap3A_520 = arith.constant 1 : i32
      %swap3A_521 = arith.index_cast %swap3A_520 : i32 to index
      %swap3A_522 = arith.index_cast %scan3A_425 : i32 to index
      %swap3A_523 = arith.constant 304 : index
      %swap3A_524 = tpu.vector_load %arg6[%swap3A_521, %swap3A_522, %swap3A_523] {strides = array<i32>} : memref<2x64x640xf32, #tpu.memory_space<vmem>>, vector<16xf32>,
      tpu.vector_store %arg6[%swap3A_521, %swap3A_522, %swap3A_523], %broadcast_in_dim3A_3 {strides = array<i32>} : memref<2x64x640xf32, #tpu.memory_space<vmem>>, vector<16xf32>,
      %swap3A_525 = arith.constant 1 : i32
      %swap3A_526 = arith.index_cast %swap3A_525 : i32 to index
      %swap3A_527 = arith.index_cast %scan3A_425 : i32 to index
      %swap3A_528 = arith.constant 320 : index
      %swap3A_529 = tpu.vector_load %arg6[%swap3A_526, %swap3A_527, %swap3A_528] {strides = array<i32>} : memref<2x64x640xf32, #tpu.memory_space<vmem>>, vector<16xf32>,
      tpu.vector_store %arg6[%swap3A_526, %swap3A_527, %swap3A_528], %broadcast_in_dim3A_3 {strides = array<i32>} : memref<2x64x640xf32, #tpu.memory_space<vmem>>, vector<16xf32>,
      %swap3A_530 = arith.constant 1 : i32
      %swap3A_531 = arith.index_cast %swap3A_530 : i32 to index
      %swap3A_532 = arith.index_cast %scan3A_425 : i32 to index
      %swap3A_533 = arith.constant 336 : index
      %swap3A_534 = tpu.vector_load %arg6[%swap3A_531, %swap3A_532, %swap3A_533] {strides = array<i32>} : memref<2x64x640xf32, #tpu.memory_space<vmem>>, vector<16xf32>,
      tpu.vector_store %arg6[%swap3A_531, %swap3A_532, %swap3A_533], %broadcast_in_dim3A_3 {strides = array<i32>} : memref<2x64x640xf32, #tpu.memory_space<vmem>>, vector<16xf32>,
      %swap3A_535 = arith.constant 1 : i32
      %swap3A_536 = arith.index_cast %swap3A_535 : i32 to index
      %swap3A_537 = arith.index_cast %scan3A_425 : i32 to index
      %swap3A_538 = arith.constant 352 : index
      %swap3A_539 = tpu.vector_load %arg6[%swap3A_536, %swap3A_537, %swap3A_538] {strides = array<i32>} : memref<2x64x640xf32, #tpu.memory_space<vmem>>, vector<16xf32>,
      tpu.vector_store %arg6[%swap3A_536, %swap3A_537, %swap3A_538], %broadcast_in_dim3A_3 {strides = array<i32>} : memref<2x64x640xf32, #tpu.memory_space<vmem>>, vector<16xf32>,
      %swap3A_540 = arith.constant 1 : i32
      %swap3A_541 = arith.index_cast %swap3A_540 : i32 to index
      %swap3A_542 = arith.index_cast %scan3A_425 : i32 to index
      %swap3A_543 = arith.constant 368 : index
      %swap3A_544 = tpu.vector_load %arg6[%swap3A_541, %swap3A_542, %swap3A_543] {strides = array<i32>} : memref<2x64x640xf32, #tpu.memory_space<vmem>>, vector<16xf32>,
      tpu.vector_store %arg6[%swap3A_541, %swap3A_542, %swap3A_543], %broadcast_in_dim3A_3 {strides = array<i32>} : memref<2x64x640xf32, #tpu.memory_space<vmem>>, vector<16xf32>,
      %swap3A_545 = arith.constant 1 : i32
      %swap3A_546 = arith.index_cast %swap3A_545 : i32 to index
      %swap3A_547 = arith.index_cast %scan3A_425 : i32 to index
      %swap3A_548 = arith.constant 384 : index
      %swap3A_549 = tpu.vector_load %arg6[%swap3A_546, %swap3A_547, %swap3A_548] {strides = array<i32>} : memref<2x64x640xf32, #tpu.memory_space<vmem>>, vector<16xf32>,
      tpu.vector_store %arg6[%swap3A_546, %swap3A_547, %swap3A_548], %broadcast_in_dim3A_3 {strides = array<i32>} : memref<2x64x640xf32, #tpu.memory_space<vmem>>, vector<16xf32>,
      %swap3A_550 = arith.constant 1 : i32
      %swap3A_551 = arith.index_cast %swap3A_550 : i32 to index
      %swap3A_552 = arith.index_cast %scan3A_425 : i32 to index
      %swap3A_553 = arith.constant 400 : index
      %swap3A_554 = tpu.vector_load %arg6[%swap3A_551, %swap3A_552, %swap3A_553] {strides = array<i32>} : memref<2x64x640xf32, #tpu.memory_space<vmem>>, vector<16xf32>,
      tpu.vector_store %arg6[%swap3A_551, %swap3A_552, %swap3A_553], %broadcast_in_dim3A_3 {strides = array<i32>} : memref<2x64x640xf32, #tpu.memory_space<vmem>>, vector<16xf32>,
      %swap3A_555 = arith.constant 1 : i32
      %swap3A_556 = arith.index_cast %swap3A_555 : i32 to index
      %swap3A_557 = arith.index_cast %scan3A_425 : i32 to index
      %swap3A_558 = arith.constant 416 : index
      %swap3A_559 = tpu.vector_load %arg6[%swap3A_556, %swap3A_557, %swap3A_558] {strides = array<i32>} : memref<2x64x640xf32, #tpu.memory_space<vmem>>, vector<16xf32>,
      tpu.vector_store %arg6[%swap3A_556, %swap3A_557, %swap3A_558], %broadcast_in_dim3A_3 {strides = array<i32>} : memref<2x64x640xf32, #tpu.memory_space<vmem>>, vector<16xf32>,
      %swap3A_560 = arith.constant 1 : i32
      %swap3A_561 = arith.index_cast %swap3A_560 : i32 to index
      %swap3A_562 = arith.index_cast %scan3A_425 : i32 to index
      %swap3A_563 = arith.constant 432 : index
      %swap3A_564 = tpu.vector_load %arg6[%swap3A_561, %swap3A_562, %swap3A_563] {strides = array<i32>} : memref<2x64x640xf32, #tpu.memory_space<vmem>>, vector<16xf32>,
      tpu.vector_store %arg6[%swap3A_561, %swap3A_562, %swap3A_563], %broadcast_in_dim3A_3 {strides = array<i32>} : memref<2x64x640xf32, #tpu.memory_space<vmem>>, vector<16xf32>,
      %swap3A_565 = arith.constant 1 : i32
      %swap3A_566 = arith.index_cast %swap3A_565 : i32 to index
      %swap3A_567 = arith.index_cast %scan3A_425 : i32 to index
      %swap3A_568 = arith.constant 448 : index
      %swap3A_569 = tpu.vector_load %arg6[%swap3A_566, %swap3A_567, %swap3A_568] {strides = array<i32>} : memref<2x64x640xf32, #tpu.memory_space<vmem>>, vector<16xf32>,
      tpu.vector_store %arg6[%swap3A_566, %swap3A_567, %swap3A_568], %broadcast_in_dim3A_3 {strides = array<i32>} : memref<2x64x640xf32, #tpu.memory_space<vmem>>, vector<16xf32>,
      %swap3A_570 = arith.constant 1 : i32
      %swap3A_571 = arith.index_cast %swap3A_570 : i32 to index
      %swap3A_572 = arith.index_cast %scan3A_425 : i32 to index
      %swap3A_573 = arith.constant 464 : index
      %swap3A_574 = tpu.vector_load %arg6[%swap3A_571, %swap3A_572, %swap3A_573] {strides = array<i32>} : memref<2x64x640xf32, #tpu.memory_space<vmem>>, vector<16xf32>,
      tpu.vector_store %arg6[%swap3A_571, %swap3A_572, %swap3A_573], %broadcast_in_dim3A_3 {strides = array<i32>} : memref<2x64x640xf32, #tpu.memory_space<vmem>>, vector<16xf32>,
      %swap3A_575 = arith.constant 1 : i32
      %swap3A_576 = arith.index_cast %swap3A_575 : i32 to index
      %swap3A_577 = arith.index_cast %scan3A_425 : i32 to index
      %swap3A_578 = arith.constant 480 : index
      %swap3A_579 = tpu.vector_load %arg6[%swap3A_576, %swap3A_577, %swap3A_578] {strides = array<i32>} : memref<2x64x640xf32, #tpu.memory_space<vmem>>, vector<16xf32>,
      tpu.vector_store %arg6[%swap3A_576, %swap3A_577, %swap3A_578], %broadcast_in_dim3A_3 {strides = array<i32>} : memref<2x64x640xf32, #tpu.memory_space<vmem>>, vector<16xf32>,
      %swap3A_580 = arith.constant 1 : i32
      %swap3A_581 = arith.index_cast %swap3A_580 : i32 to index
      %swap3A_582 = arith.index_cast %scan3A_425 : i32 to index
      %swap3A_583 = arith.constant 496 : index
      %swap3A_584 = tpu.vector_load %arg6[%swap3A_581, %swap3A_582, %swap3A_583] {strides = array<i32>} : memref<2x64x640xf32, #tpu.memory_space<vmem>>, vector<16xf32>,
      tpu.vector_store %arg6[%swap3A_581, %swap3A_582, %swap3A_583], %broadcast_in_dim3A_3 {strides = array<i32>} : memref<2x64x640xf32, #tpu.memory_space<vmem>>, vector<16xf32>,
      %swap3A_585 = arith.constant 1 : i32
      %swap3A_586 = arith.index_cast %swap3A_585 : i32 to index
      %swap3A_587 = arith.index_cast %scan3A_425 : i32 to index
      %swap3A_588 = arith.constant 512 : index
      %swap3A_589 = tpu.vector_load %arg6[%swap3A_586, %swap3A_587, %swap3A_588] {strides = array<i32>} : memref<2x64x640xf32, #tpu.memory_space<vmem>>, vector<16xf32>,
      tpu.vector_store %arg6[%swap3A_586, %swap3A_587, %swap3A_588], %broadcast_in_dim3A_3 {strides = array<i32>} : memref<2x64x640xf32, #tpu.memory_space<vmem>>, vector<16xf32>,
      %swap3A_590 = arith.constant 1 : i32
      %swap3A_591 = arith.index_cast %swap3A_590 : i32 to index
      %swap3A_592 = arith.index_cast %scan3A_425 : i32 to index
      %swap3A_593 = arith.constant 528 : index
      %swap3A_594 = tpu.vector_load %arg6[%swap3A_591, %swap3A_592, %swap3A_593] {strides = array<i32>} : memref<2x64x640xf32, #tpu.memory_space<vmem>>, vector<16xf32>,
      tpu.vector_store %arg6[%swap3A_591, %swap3A_592, %swap3A_593], %broadcast_in_dim3A_3 {strides = array<i32>} : memref<2x64x640xf32, #tpu.memory_space<vmem>>, vector<16xf32>,
      %swap3A_595 = arith.constant 1 : i32
      %swap3A_596 = arith.index_cast %swap3A_595 : i32 to index
      %swap3A_597 = arith.index_cast %scan3A_425 : i32 to index
      %swap3A_598 = arith.constant 544 : index
      %swap3A_599 = tpu.vector_load %arg6[%swap3A_596, %swap3A_597, %swap3A_598] {strides = array<i32>} : memref<2x64x640xf32, #tpu.memory_space<vmem>>, vector<16xf32>,
      tpu.vector_store %arg6[%swap3A_596, %swap3A_597, %swap3A_598], %broadcast_in_dim3A_3 {strides = array<i32>} : memref<2x64x640xf32, #tpu.memory_space<vmem>>, vector<16xf32>,
      %swap3A_600 = arith.constant 1 : i32
      %swap3A_601 = arith.index_cast %swap3A_600 : i32 to index
      %swap3A_602 = arith.index_cast %scan3A_425 : i32 to index
      %swap3A_603 = arith.constant 560 : index
      %swap3A_604 = tpu.vector_load %arg6[%swap3A_601, %swap3A_602, %swap3A_603] {strides = array<i32>} : memref<2x64x640xf32, #tpu.memory_space<vmem>>, vector<16xf32>,
      tpu.vector_store %arg6[%swap3A_601, %swap3A_602, %swap3A_603], %broadcast_in_dim3A_3 {strides = array<i32>} : memref<2x64x640xf32, #tpu.memory_space<vmem>>, vector<16xf32>,
      %swap3A_605 = arith.constant 1 : i32
      %swap3A_606 = arith.index_cast %swap3A_605 : i32 to index
      %swap3A_607 = arith.index_cast %scan3A_425 : i32 to index
      %swap3A_608 = arith.constant 576 : index
      %swap3A_609 = tpu.vector_load %arg6[%swap3A_606, %swap3A_607, %swap3A_608] {strides = array<i32>} : memref<2x64x640xf32, #tpu.memory_space<vmem>>, vector<16xf32>,
      tpu.vector_store %arg6[%swap3A_606, %swap3A_607, %swap3A_608], %broadcast_in_dim3A_3 {strides = array<i32>} : memref<2x64x640xf32, #tpu.memory_space<vmem>>, vector<16xf32>,
      %swap3A_610 = arith.constant 1 : i32
      %swap3A_611 = arith.index_cast %swap3A_610 : i32 to index
      %swap3A_612 = arith.index_cast %scan3A_425 : i32 to index
      %swap3A_613 = arith.constant 592 : index
      %swap3A_614 = tpu.vector_load %arg6[%swap3A_611, %swap3A_612, %swap3A_613] {strides = array<i32>} : memref<2x64x640xf32, #tpu.memory_space<vmem>>, vector<16xf32>,
      tpu.vector_store %arg6[%swap3A_611, %swap3A_612, %swap3A_613], %broadcast_in_dim3A_3 {strides = array<i32>} : memref<2x64x640xf32, #tpu.memory_space<vmem>>, vector<16xf32>,
      %swap3A_615 = arith.constant 1 : i32
      %swap3A_616 = arith.index_cast %swap3A_615 : i32 to index
      %swap3A_617 = arith.index_cast %scan3A_425 : i32 to index
      %swap3A_618 = arith.constant 608 : index
      %swap3A_619 = tpu.vector_load %arg6[%swap3A_616, %swap3A_617, %swap3A_618] {strides = array<i32>} : memref<2x64x640xf32, #tpu.memory_space<vmem>>, vector<16xf32>,
      tpu.vector_store %arg6[%swap3A_616, %swap3A_617, %swap3A_618], %broadcast_in_dim3A_3 {strides = array<i32>} : memref<2x64x640xf32, #tpu.memory_space<vmem>>, vector<16xf32>,
      %swap3A_620 = arith.constant 1 : i32
      %swap3A_621 = arith.index_cast %swap3A_620 : i32 to index
      %swap3A_622 = arith.index_cast %scan3A_425 : i32 to index
      %swap3A_623 = arith.constant 624 : index
      %swap3A_624 = tpu.vector_load %arg6[%swap3A_621, %swap3A_622, %swap3A_623] {strides = array<i32>} : memref<2x64x640xf32, #tpu.memory_space<vmem>>, vector<16xf32>,
      tpu.vector_store %arg6[%swap3A_621, %swap3A_622, %swap3A_623], %broadcast_in_dim3A_3 {strides = array<i32>} : memref<2x64x640xf32, #tpu.memory_space<vmem>>, vector<16xf32>,
    }
    %scan3A_12 = arith.constant 64 : i32
    %add3A_13 = arith.constant 0 : i32
    %add3A_14 = arith.addi %mul3A_2, %add3A_13 : i32
    %scan3A_15 = arith.constant 0 : i32
    %scan3A_16 = arith.constant 64 : i32
    %scan3A_17 = arith.addi %scan3A_15, %scan3A_16 : i32
    %scan3A_18 = arith.constant 1 : i32
    scf.for %scan3A_425 = %scan3A_15 to %scan3A_17 step %scan3A_18  : i32 {
      %add3A_426 = arith.constant 0 : i32
      %add3A_427 = arith.addi %add3A_426, %scan3A_425 : i32
      %get3A = arith.index_cast %add3A_427 : i32 to index
      %get3A_428 = tpu.vector_load %arg5[%get3A] {strides = array<i32>} : memref<528xi32, #tpu.memory_space<vmem>>, vector<16xi32>,
      %slice3A = vector.extract_strided_slice %get3A_428 {offsets = [0], sizes = [1], strides = [1]} : vector<16xi32> to vector<1xi32>
      %squeeze3A = vector.extract %slice3A[0] : i32 from vector<1xi32>
      %mul3A_429 = arith.constant 128 : i32
      %mul3A_430 = arith.muli %squeeze3A, %mul3A_429 : i32
      %add3A_431 = arith.addi %add3A_14, %scan3A_425 : i32
      %dma_start3A_432 = arith.constant 0 : i32
      %dma_start3A_433 = tpu.memref_slice %arg6[%dma_start3A_432, %scan3A_425, %mul3A_430] : memref<2x64x640xf32, #tpu.memory_space<vmem>> -> memref<1x1x128xf32, #tpu.memory_space<vmem>>
      %dma_start3A_434 = tpu.memref_squeeze %dma_start3A_433 : memref<1x1x128xf32, #tpu.memory_space<vmem>> -> memref<1x128xf32, #tpu.memory_space<vmem>>
      %dma_start3A_435 = tpu.memref_slice %arg2[%add3A_431, %mul3A_430] : memref<16384x640xf32, #tpu.memory_space<hbm>> -> memref<1x128xf32, #tpu.memory_space<hbm>>
      %dma_start3A_436 = tpu.memref_slice %arg6[%dma_start3A_432, %scan3A_425, %mul3A_430] : memref<2x64x640xf32, #tpu.memory_space<vmem>> -> memref<1x1x128xf32, #tpu.memory_space<vmem>>
      %dma_start3A_437 = tpu.memref_squeeze %dma_start3A_436 : memref<1x1x128xf32, #tpu.memory_space<vmem>> -> memref<1x128xf32, #tpu.memory_space<vmem>>
      %dma_start3A_438 = tpu.memref_slice %arg2[%add3A_431, %mul3A_430] : memref<16384x640xf32, #tpu.memory_space<hbm>> -> memref<1x128xf32, #tpu.memory_space<hbm>>
      tpu.enqueue_dma source(%dma_start3A_438 : memref<1x128xf32, #tpu.memory_space<hbm>>) target(%dma_start3A_437 : memref<1x128xf32, #tpu.memory_space<vmem>>) target_semaphore(%arg7 : memref<!tpu.dma_semaphore, #tpu.memory_space<semaphore_mem>>)
    }
    %scan3A_19 = arith.constant 64 : i32
    %add3A_20 = arith.constant 64 : i32
    %add3A_21 = arith.addi %mul3A_2, %add3A_20 : i32
    %scan3A_22 = arith.constant 0 : i32
    %scan3A_23 = arith.constant 64 : i32
    %scan3A_24 = arith.addi %scan3A_22, %scan3A_23 : i32
    %scan3A_25 = arith.constant 1 : i32
    scf.for %scan3A_425 = %scan3A_22 to %scan3A_24 step %scan3A_25  : i32 {
      %add3A_426 = arith.constant 64 : i32
      %add3A_427 = arith.addi %add3A_426, %scan3A_425 : i32
      %get3A = arith.index_cast %add3A_427 : i32 to index
      %get3A_428 = tpu.vector_load %arg5[%get3A] {strides = array<i32>} : memref<528xi32, #tpu.memory_space<vmem>>, vector<16xi32>,
      %slice3A = vector.extract_strided_slice %get3A_428 {offsets = [0], sizes = [1], strides = [1]} : vector<16xi32> to vector<1xi32>
      %squeeze3A = vector.extract %slice3A[0] : i32 from vector<1xi32>
      %mul3A_429 = arith.constant 128 : i32
      %mul3A_430 = arith.muli %squeeze3A, %mul3A_429 : i32
      %add3A_431 = arith.addi %add3A_21, %scan3A_425 : i32
      %dma_start3A_432 = arith.constant 1 : i32
      %dma_start3A_433 = tpu.memref_slice %arg6[%dma_start3A_432, %scan3A_425, %mul3A_430] : memref<2x64x640xf32, #tpu.memory_space<vmem>> -> memref<1x1x128xf32, #tpu.memory_space<vmem>>
      %dma_start3A_434 = tpu.memref_squeeze %dma_start3A_433 : memref<1x1x128xf32, #tpu.memory_space<vmem>> -> memref<1x128xf32, #tpu.memory_space<vmem>>
      %dma_start3A_435 = tpu.memref_slice %arg2[%add3A_431, %mul3A_430] : memref<16384x640xf32, #tpu.memory_space<hbm>> -> memref<1x128xf32, #tpu.memory_space<hbm>>
      %dma_start3A_436 = tpu.memref_slice %arg6[%dma_start3A_432, %scan3A_425, %mul3A_430] : memref<2x64x640xf32, #tpu.memory_space<vmem>> -> memref<1x1x128xf32, #tpu.memory_space<vmem>>
      %dma_start3A_437 = tpu.memref_squeeze %dma_start3A_436 : memref<1x1x128xf32, #tpu.memory_space<vmem>> -> memref<1x128xf32, #tpu.memory_space<vmem>>
      %dma_start3A_438 = tpu.memref_slice %arg2[%add3A_431, %mul3A_430] : memref<16384x640xf32, #tpu.memory_space<hbm>> -> memref<1x128xf32, #tpu.memory_space<hbm>>
      tpu.enqueue_dma source(%dma_start3A_438 : memref<1x128xf32, #tpu.memory_space<hbm>>) target(%dma_start3A_437 : memref<1x128xf32, #tpu.memory_space<vmem>>) target_semaphore(%arg8 : memref<!tpu.dma_semaphore, #tpu.memory_space<semaphore_mem>>)
    }
    %scan3A_26 = arith.constant 64 : i32
    %dma_wait3A = arith.constant 0 : i32
    %dma_wait3A_27 = arith.constant 0 : i32
    %dma_wait3A_28 = arith.constant 0 : i32
    %dma_wait3A_29 = tpu.memref_slice %arg6[%dma_wait3A, %dma_wait3A_27, %dma_wait3A_28] : memref<2x64x640xf32, #tpu.memory_space<vmem>> -> memref<1x64x128xf32, #tpu.memory_space<vmem>>
    %dma_wait3A_30 = tpu.memref_squeeze %dma_wait3A_29 : memref<1x64x128xf32, #tpu.memory_space<vmem>> -> memref<64x128xf32, #tpu.memory_space<vmem>>
    %dma_wait3A_31 = arith.constant 0 : i32
    %dma_wait3A_32 = tpu.memref_slice %arg2[%mul3A_2, %dma_wait3A_31] : memref<16384x640xf32, #tpu.memory_space<hbm>> -> memref<64x128xf32, #tpu.memory_space<hbm>>
    %dma_wait3A_33 = arith.constant 0 : i32
    %dma_wait3A_34 = arith.constant 0 : i32
    %dma_wait3A_35 = tpu.memref_slice %arg6[%dma_wait3A, %dma_wait3A_33, %dma_wait3A_34] : memref<2x64x640xf32, #tpu.memory_space<vmem>> -> memref<1x64x128xf32, #tpu.memory_space<vmem>>
    %dma_wait3A_36 = tpu.memref_squeeze %dma_wait3A_35 : memref<1x64x128xf32, #tpu.memory_space<vmem>> -> memref<64x128xf32, #tpu.memory_space<vmem>>
    %dma_wait3A_37 = arith.constant 0 : i32
    %dma_wait3A_38 = tpu.memref_slice %arg2[%mul3A_2, %dma_wait3A_37] : memref<16384x640xf32, #tpu.memory_space<hbm>> -> memref<64x128xf32, #tpu.memory_space<hbm>>
    tpu.wait_dma2 semaphore(%arg7 : memref<!tpu.dma_semaphore, #tpu.memory_space<semaphore_mem>>) src(%dma_wait3A_38 : memref<64x128xf32, #tpu.memory_space<hbm>>) dst(%dma_wait3A_36 : memref<64x128xf32, #tpu.memory_space<vmem>>)
    %add3A_39 = arith.constant 0 : i32
    %add3A_40 = arith.addi %mul3A_2, %add3A_39 : i32
    %dma_start3A = arith.constant 0 : i32
    %dma_start3A_41 = arith.constant 0 : i32
    %dma_start3A_42 = arith.constant 0 : i32
    %dma_start3A_43 = tpu.memref_slice %arg6[%dma_start3A, %dma_start3A_41, %dma_start3A_42] : memref<2x64x640xf32, #tpu.memory_space<vmem>> -> memref<1x64x640xf32, #tpu.memory_space<vmem>>
    %dma_start3A_44 = tpu.memref_squeeze %dma_start3A_43 : memref<1x64x640xf32, #tpu.memory_space<vmem>> -> memref<64x640xf32, #tpu.memory_space<vmem>>
    %dma_start3A_45 = arith.constant 0 : i32
    %dma_start3A_46 = tpu.memref_slice %arg4[%add3A_40, %dma_start3A_45] : memref<16384x640xf32, #tpu.memory_space<hbm>> -> memref<64x640xf32, #tpu.memory_space<hbm>>
    %dma_start3A_47 = arith.constant 0 : i32
    %dma_start3A_48 = tpu.memref_slice %arg4[%add3A_40, %dma_start3A_47] : memref<16384x640xf32, #tpu.memory_space<hbm>> -> memref<64x640xf32, #tpu.memory_space<hbm>>
    %dma_start3A_49 = arith.constant 0 : i32
    %dma_start3A_50 = arith.constant 0 : i32
    %dma_start3A_51 = tpu.memref_slice %arg6[%dma_start3A, %dma_start3A_49, %dma_start3A_50] : memref<2x64x640xf32, #tpu.memory_space<vmem>> -> memref<1x64x640xf32, #tpu.memory_space<vmem>>
    %dma_start3A_52 = tpu.memref_squeeze %dma_start3A_51 : memref<1x64x640xf32, #tpu.memory_space<vmem>> -> memref<64x640xf32, #tpu.memory_space<vmem>>
    tpu.enqueue_dma source(%dma_start3A_52 : memref<64x640xf32, #tpu.memory_space<vmem>>) target(%dma_start3A_48 : memref<64x640xf32, #tpu.memory_space<hbm>>) target_semaphore(%arg9 : memref<!tpu.dma_semaphore, #tpu.memory_space<semaphore_mem>>)
    %dma_wait3A_53 = arith.constant 0 : i32
    %dma_wait3A_54 = arith.constant 0 : i32
    %dma_wait3A_55 = arith.constant 0 : i32
    %dma_wait3A_56 = tpu.memref_slice %arg6[%dma_wait3A_53, %dma_wait3A_54, %dma_wait3A_55] : memref<2x64x640xf32, #tpu.memory_space<vmem>> -> memref<1x64x640xf32, #tpu.memory_space<vmem>>
    %dma_wait3A_57 = tpu.memref_squeeze %dma_wait3A_56 : memref<1x64x640xf32, #tpu.memory_space<vmem>> -> memref<64x640xf32, #tpu.memory_space<vmem>>
    %dma_wait3A_58 = arith.constant 0 : i32
    %dma_wait3A_59 = tpu.memref_slice %arg4[%mul3A_2, %dma_wait3A_58] : memref<16384x640xf32, #tpu.memory_space<hbm>> -> memref<64x640xf32, #tpu.memory_space<hbm>>
    %dma_wait3A_60 = arith.constant 0 : i32
    %dma_wait3A_61 = tpu.memref_slice %arg4[%mul3A_2, %dma_wait3A_60] : memref<16384x640xf32, #tpu.memory_space<hbm>> -> memref<64x640xf32, #tpu.memory_space<hbm>>
    %dma_wait3A_62 = arith.constant 0 : i32
    %dma_wait3A_63 = arith.constant 0 : i32
    %dma_wait3A_64 = tpu.memref_slice %arg6[%dma_wait3A_53, %dma_wait3A_62, %dma_wait3A_63] : memref<2x64x640xf32, #tpu.memory_space<vmem>> -> memref<1x64x640xf32, #tpu.memory_space<vmem>>
    %dma_wait3A_65 = tpu.memref_squeeze %dma_wait3A_64 : memref<1x64x640xf32, #tpu.memory_space<vmem>> -> memref<64x640xf32, #tpu.memory_space<vmem>>
    tpu.wait_dma2 semaphore(%arg9 : memref<!tpu.dma_semaphore, #tpu.memory_space<semaphore_mem>>) src(%dma_wait3A_65 : memref<64x640xf32, #tpu.memory_space<vmem>>) dst(%dma_wait3A_61 : memref<64x640xf32, #tpu.memory_space<hbm>>)
    %scan3A_66 = arith.constant 0 : i32
    %scan3A_67 = arith.constant 64 : i32
    %scan3A_68 = arith.addi %scan3A_66, %scan3A_67 : i32
    %scan3A_69 = arith.constant 1 : i32
    scf.for %scan3A_425 = %scan3A_66 to %scan3A_68 step %scan3A_69  : i32 {
      %add3A_426 = arith.constant 0 : i32
      %add3A_427 = arith.addi %add3A_426, %scan3A_425 : i32
      %get3A = arith.index_cast %add3A_427 : i32 to index
      %get3A_428 = tpu.vector_load %arg5[%get3A] {strides = array<i32>} : memref<528xi32, #tpu.memory_space<vmem>>, vector<16xi32>,
      %slice3A = vector.extract_strided_slice %get3A_428 {offsets = [0], sizes = [1], strides = [1]} : vector<16xi32> to vector<1xi32>
      %squeeze3A = vector.extract %slice3A[0] : i32 from vector<1xi32>
      %mul3A_429 = arith.constant 128 : i32
      %mul3A_430 = arith.muli %squeeze3A, %mul3A_429 : i32
      %add3A_431 = arith.constant 0 : i32
      %add3A_432 = arith.addi %mul3A_430, %add3A_431 : i32
      %swap3A = arith.constant 0 : i32
      %swap3A_433 = arith.index_cast %swap3A : i32 to index
      %swap3A_434 = arith.index_cast %scan3A_425 : i32 to index
      %swap3A_435 = arith.index_cast %add3A_432 : i32 to index
      %swap3A_436 = tpu.vector_load %arg6[%swap3A_433, %swap3A_434, %swap3A_435] {strides = array<i32>} : memref<2x64x640xf32, #tpu.memory_space<vmem>>, vector<16xf32>,
      tpu.vector_store %arg6[%swap3A_433, %swap3A_434, %swap3A_435], %broadcast_in_dim3A_3 {strides = array<i32>} : memref<2x64x640xf32, #tpu.memory_space<vmem>>, vector<16xf32>,
      %add3A_437 = arith.constant 16 : i32
      %add3A_438 = arith.addi %mul3A_430, %add3A_437 : i32
      %swap3A_439 = arith.constant 0 : i32
      %swap3A_440 = arith.index_cast %swap3A_439 : i32 to index
      %swap3A_441 = arith.index_cast %scan3A_425 : i32 to index
      %swap3A_442 = arith.index_cast %add3A_438 : i32 to index
      %swap3A_443 = tpu.vector_load %arg6[%swap3A_440, %swap3A_441, %swap3A_442] {strides = array<i32>} : memref<2x64x640xf32, #tpu.memory_space<vmem>>, vector<16xf32>,
      tpu.vector_store %arg6[%swap3A_440, %swap3A_441, %swap3A_442], %broadcast_in_dim3A_3 {strides = array<i32>} : memref<2x64x640xf32, #tpu.memory_space<vmem>>, vector<16xf32>,
      %add3A_444 = arith.constant 32 : i32
      %add3A_445 = arith.addi %mul3A_430, %add3A_444 : i32
      %swap3A_446 = arith.constant 0 : i32
      %swap3A_447 = arith.index_cast %swap3A_446 : i32 to index
      %swap3A_448 = arith.index_cast %scan3A_425 : i32 to index
      %swap3A_449 = arith.index_cast %add3A_445 : i32 to index
      %swap3A_450 = tpu.vector_load %arg6[%swap3A_447, %swap3A_448, %swap3A_449] {strides = array<i32>} : memref<2x64x640xf32, #tpu.memory_space<vmem>>, vector<16xf32>,
      tpu.vector_store %arg6[%swap3A_447, %swap3A_448, %swap3A_449], %broadcast_in_dim3A_3 {strides = array<i32>} : memref<2x64x640xf32, #tpu.memory_space<vmem>>, vector<16xf32>,
      %add3A_451 = arith.constant 48 : i32
      %add3A_452 = arith.addi %mul3A_430, %add3A_451 : i32
      %swap3A_453 = arith.constant 0 : i32
      %swap3A_454 = arith.index_cast %swap3A_453 : i32 to index
      %swap3A_455 = arith.index_cast %scan3A_425 : i32 to index
      %swap3A_456 = arith.index_cast %add3A_452 : i32 to index
      %swap3A_457 = tpu.vector_load %arg6[%swap3A_454, %swap3A_455, %swap3A_456] {strides = array<i32>} : memref<2x64x640xf32, #tpu.memory_space<vmem>>, vector<16xf32>,
      tpu.vector_store %arg6[%swap3A_454, %swap3A_455, %swap3A_456], %broadcast_in_dim3A_3 {strides = array<i32>} : memref<2x64x640xf32, #tpu.memory_space<vmem>>, vector<16xf32>,
      %add3A_458 = arith.constant 64 : i32
      %add3A_459 = arith.addi %mul3A_430, %add3A_458 : i32
      %swap3A_460 = arith.constant 0 : i32
      %swap3A_461 = arith.index_cast %swap3A_460 : i32 to index
      %swap3A_462 = arith.index_cast %scan3A_425 : i32 to index
      %swap3A_463 = arith.index_cast %add3A_459 : i32 to index
      %swap3A_464 = tpu.vector_load %arg6[%swap3A_461, %swap3A_462, %swap3A_463] {strides = array<i32>} : memref<2x64x640xf32, #tpu.memory_space<vmem>>, vector<16xf32>,
      tpu.vector_store %arg6[%swap3A_461, %swap3A_462, %swap3A_463], %broadcast_in_dim3A_3 {strides = array<i32>} : memref<2x64x640xf32, #tpu.memory_space<vmem>>, vector<16xf32>,
      %add3A_465 = arith.constant 80 : i32
      %add3A_466 = arith.addi %mul3A_430, %add3A_465 : i32
      %swap3A_467 = arith.constant 0 : i32
      %swap3A_468 = arith.index_cast %swap3A_467 : i32 to index
      %swap3A_469 = arith.index_cast %scan3A_425 : i32 to index
      %swap3A_470 = arith.index_cast %add3A_466 : i32 to index
      %swap3A_471 = tpu.vector_load %arg6[%swap3A_468, %swap3A_469, %swap3A_470] {strides = array<i32>} : memref<2x64x640xf32, #tpu.memory_space<vmem>>, vector<16xf32>,
      tpu.vector_store %arg6[%swap3A_468, %swap3A_469, %swap3A_470], %broadcast_in_dim3A_3 {strides = array<i32>} : memref<2x64x640xf32, #tpu.memory_space<vmem>>, vector<16xf32>,
      %add3A_472 = arith.constant 96 : i32
      %add3A_473 = arith.addi %mul3A_430, %add3A_472 : i32
      %swap3A_474 = arith.constant 0 : i32
      %swap3A_475 = arith.index_cast %swap3A_474 : i32 to index
      %swap3A_476 = arith.index_cast %scan3A_425 : i32 to index
      %swap3A_477 = arith.index_cast %add3A_473 : i32 to index
      %swap3A_478 = tpu.vector_load %arg6[%swap3A_475, %swap3A_476, %swap3A_477] {strides = array<i32>} : memref<2x64x640xf32, #tpu.memory_space<vmem>>, vector<16xf32>,
      tpu.vector_store %arg6[%swap3A_475, %swap3A_476, %swap3A_477], %broadcast_in_dim3A_3 {strides = array<i32>} : memref<2x64x640xf32, #tpu.memory_space<vmem>>, vector<16xf32>,
      %add3A_479 = arith.constant 112 : i32
      %add3A_480 = arith.addi %mul3A_430, %add3A_479 : i32
      %swap3A_481 = arith.constant 0 : i32
      %swap3A_482 = arith.index_cast %swap3A_481 : i32 to index
      %swap3A_483 = arith.index_cast %scan3A_425 : i32 to index
      %swap3A_484 = arith.index_cast %add3A_480 : i32 to index
      %swap3A_485 = tpu.vector_load %arg6[%swap3A_482, %swap3A_483, %swap3A_484] {strides = array<i32>} : memref<2x64x640xf32, #tpu.memory_space<vmem>>, vector<16xf32>,
      tpu.vector_store %arg6[%swap3A_482, %swap3A_483, %swap3A_484], %broadcast_in_dim3A_3 {strides = array<i32>} : memref<2x64x640xf32, #tpu.memory_space<vmem>>, vector<16xf32>,
    }
    %scan3A_70 = arith.constant 64 : i32
    %add3A_71 = arith.constant 128 : i32
    %add3A_72 = arith.addi %mul3A_2, %add3A_71 : i32
    %scan3A_73 = arith.constant 0 : i32
    %scan3A_74 = arith.constant 64 : i32
    %scan3A_75 = arith.addi %scan3A_73, %scan3A_74 : i32
    %scan3A_76 = arith.constant 1 : i32
    scf.for %scan3A_425 = %scan3A_73 to %scan3A_75 step %scan3A_76  : i32 {
      %add3A_426 = arith.constant 128 : i32
      %add3A_427 = arith.addi %add3A_426, %scan3A_425 : i32
      %get3A = arith.index_cast %add3A_427 : i32 to index
      %get3A_428 = tpu.vector_load %arg5[%get3A] {strides = array<i32>} : memref<528xi32, #tpu.memory_space<vmem>>, vector<16xi32>,
      %slice3A = vector.extract_strided_slice %get3A_428 {offsets = [0], sizes = [1], strides = [1]} : vector<16xi32> to vector<1xi32>
      %squeeze3A = vector.extract %slice3A[0] : i32 from vector<1xi32>
      %mul3A_429 = arith.constant 128 : i32
      %mul3A_430 = arith.muli %squeeze3A, %mul3A_429 : i32
      %add3A_431 = arith.addi %add3A_72, %scan3A_425 : i32
      %dma_start3A_432 = arith.constant 0 : i32
      %dma_start3A_433 = tpu.memref_slice %arg6[%dma_start3A_432, %scan3A_425, %mul3A_430] : memref<2x64x640xf32, #tpu.memory_space<vmem>> -> memref<1x1x128xf32, #tpu.memory_space<vmem>>
      %dma_start3A_434 = tpu.memref_squeeze %dma_start3A_433 : memref<1x1x128xf32, #tpu.memory_space<vmem>> -> memref<1x128xf32, #tpu.memory_space<vmem>>
      %dma_start3A_435 = tpu.memref_slice %arg2[%add3A_431, %mul3A_430] : memref<16384x640xf32, #tpu.memory_space<hbm>> -> memref<1x128xf32, #tpu.memory_space<hbm>>
      %dma_start3A_436 = tpu.memref_slice %arg6[%dma_start3A_432, %scan3A_425, %mul3A_430] : memref<2x64x640xf32, #tpu.memory_space<vmem>> -> memref<1x1x128xf32, #tpu.memory_space<vmem>>
      %dma_start3A_437 = tpu.memref_squeeze %dma_start3A_436 : memref<1x1x128xf32, #tpu.memory_space<vmem>> -> memref<1x128xf32, #tpu.memory_space<vmem>>
      %dma_start3A_438 = tpu.memref_slice %arg2[%add3A_431, %mul3A_430] : memref<16384x640xf32, #tpu.memory_space<hbm>> -> memref<1x128xf32, #tpu.memory_space<hbm>>
      tpu.enqueue_dma source(%dma_start3A_438 : memref<1x128xf32, #tpu.memory_space<hbm>>) target(%dma_start3A_437 : memref<1x128xf32, #tpu.memory_space<vmem>>) target_semaphore(%arg7 : memref<!tpu.dma_semaphore, #tpu.memory_space<semaphore_mem>>)
    }
    %scan3A_77 = arith.constant 64 : i32
    %dma_wait3A_78 = arith.constant 1 : i32
    %dma_wait3A_79 = arith.constant 0 : i32
    %dma_wait3A_80 = arith.constant 0 : i32
    %dma_wait3A_81 = tpu.memref_slice %arg6[%dma_wait3A_78, %dma_wait3A_79, %dma_wait3A_80] : memref<2x64x640xf32, #tpu.memory_space<vmem>> -> memref<1x64x128xf32, #tpu.memory_space<vmem>>
    %dma_wait3A_82 = tpu.memref_squeeze %dma_wait3A_81 : memref<1x64x128xf32, #tpu.memory_space<vmem>> -> memref<64x128xf32, #tpu.memory_space<vmem>>
    %dma_wait3A_83 = arith.constant 0 : i32
    %dma_wait3A_84 = tpu.memref_slice %arg2[%mul3A_2, %dma_wait3A_83] : memref<16384x640xf32, #tpu.memory_space<hbm>> -> memref<64x128xf32, #tpu.memory_space<hbm>>
    %dma_wait3A_85 = arith.constant 0 : i32
    %dma_wait3A_86 = arith.constant 0 : i32
    %dma_wait3A_87 = tpu.memref_slice %arg6[%dma_wait3A_78, %dma_wait3A_85, %dma_wait3A_86] : memref<2x64x640xf32, #tpu.memory_space<vmem>> -> memref<1x64x128xf32, #tpu.memory_space<vmem>>
    %dma_wait3A_88 = tpu.memref_squeeze %dma_wait3A_87 : memref<1x64x128xf32, #tpu.memory_space<vmem>> -> memref<64x128xf32, #tpu.memory_space<vmem>>
    %dma_wait3A_89 = arith.constant 0 : i32
    %dma_wait3A_90 = tpu.memref_slice %arg2[%mul3A_2, %dma_wait3A_89] : memref<16384x640xf32, #tpu.memory_space<hbm>> -> memref<64x128xf32, #tpu.memory_space<hbm>>
    tpu.wait_dma2 semaphore(%arg8 : memref<!tpu.dma_semaphore, #tpu.memory_space<semaphore_mem>>) src(%dma_wait3A_90 : memref<64x128xf32, #tpu.memory_space<hbm>>) dst(%dma_wait3A_88 : memref<64x128xf32, #tpu.memory_space<vmem>>)
    %add3A_91 = arith.constant 64 : i32
    %add3A_92 = arith.addi %mul3A_2, %add3A_91 : i32
    %dma_start3A_93 = arith.constant 1 : i32
    %dma_start3A_94 = arith.constant 0 : i32
    %dma_start3A_95 = arith.constant 0 : i32
    %dma_start3A_96 = tpu.memref_slice %arg6[%dma_start3A_93, %dma_start3A_94, %dma_start3A_95] : memref<2x64x640xf32, #tpu.memory_space<vmem>> -> memref<1x64x640xf32, #tpu.memory_space<vmem>>
    %dma_start3A_97 = tpu.memref_squeeze %dma_start3A_96 : memref<1x64x640xf32, #tpu.memory_space<vmem>> -> memref<64x640xf32, #tpu.memory_space<vmem>>
    %dma_start3A_98 = arith.constant 0 : i32
    %dma_start3A_99 = tpu.memref_slice %arg4[%add3A_92, %dma_start3A_98] : memref<16384x640xf32, #tpu.memory_space<hbm>> -> memref<64x640xf32, #tpu.memory_space<hbm>>
    %dma_start3A_100 = arith.constant 0 : i32
    %dma_start3A_101 = tpu.memref_slice %arg4[%add3A_92, %dma_start3A_100] : memref<16384x640xf32, #tpu.memory_space<hbm>> -> memref<64x640xf32, #tpu.memory_space<hbm>>
    %dma_start3A_102 = arith.constant 0 : i32
    %dma_start3A_103 = arith.constant 0 : i32
    %dma_start3A_104 = tpu.memref_slice %arg6[%dma_start3A_93, %dma_start3A_102, %dma_start3A_103] : memref<2x64x640xf32, #tpu.memory_space<vmem>> -> memref<1x64x640xf32, #tpu.memory_space<vmem>>
    %dma_start3A_105 = tpu.memref_squeeze %dma_start3A_104 : memref<1x64x640xf32, #tpu.memory_space<vmem>> -> memref<64x640xf32, #tpu.memory_space<vmem>>
    tpu.enqueue_dma source(%dma_start3A_105 : memref<64x640xf32, #tpu.memory_space<vmem>>) target(%dma_start3A_101 : memref<64x640xf32, #tpu.memory_space<hbm>>) target_semaphore(%arg9 : memref<!tpu.dma_semaphore, #tpu.memory_space<semaphore_mem>>)
    %dma_wait3A_106 = arith.constant 0 : i32
    %dma_wait3A_107 = arith.constant 0 : i32
    %dma_wait3A_108 = arith.constant 0 : i32
    %dma_wait3A_109 = tpu.memref_slice %arg6[%dma_wait3A_106, %dma_wait3A_107, %dma_wait3A_108] : memref<2x64x640xf32, #tpu.memory_space<vmem>> -> memref<1x64x640xf32, #tpu.memory_space<vmem>>
    %dma_wait3A_110 = tpu.memref_squeeze %dma_wait3A_109 : memref<1x64x640xf32, #tpu.memory_space<vmem>> -> memref<64x640xf32, #tpu.memory_space<vmem>>
    %dma_wait3A_111 = arith.constant 0 : i32
    %dma_wait3A_112 = tpu.memref_slice %arg4[%mul3A_2, %dma_wait3A_111] : memref<16384x640xf32, #tpu.memory_space<hbm>> -> memref<64x640xf32, #tpu.memory_space<hbm>>
    %dma_wait3A_113 = arith.constant 0 : i32
    %dma_wait3A_114 = tpu.memref_slice %arg4[%mul3A_2, %dma_wait3A_113] : memref<16384x640xf32, #tpu.memory_space<hbm>> -> memref<64x640xf32, #tpu.memory_space<hbm>>
    %dma_wait3A_115 = arith.constant 0 : i32
    %dma_wait3A_116 = arith.constant 0 : i32
    %dma_wait3A_117 = tpu.memref_slice %arg6[%dma_wait3A_106, %dma_wait3A_115, %dma_wait3A_116] : memref<2x64x640xf32, #tpu.memory_space<vmem>> -> memref<1x64x640xf32, #tpu.memory_space<vmem>>
    %dma_wait3A_118 = tpu.memref_squeeze %dma_wait3A_117 : memref<1x64x640xf32, #tpu.memory_space<vmem>> -> memref<64x640xf32, #tpu.memory_space<vmem>>
    tpu.wait_dma2 semaphore(%arg9 : memref<!tpu.dma_semaphore, #tpu.memory_space<semaphore_mem>>) src(%dma_wait3A_118 : memref<64x640xf32, #tpu.memory_space<vmem>>) dst(%dma_wait3A_114 : memref<64x640xf32, #tpu.memory_space<hbm>>)
    %scan3A_119 = arith.constant 0 : i32
    %scan3A_120 = arith.constant 64 : i32
    %scan3A_121 = arith.addi %scan3A_119, %scan3A_120 : i32
    %scan3A_122 = arith.constant 1 : i32
    scf.for %scan3A_425 = %scan3A_119 to %scan3A_121 step %scan3A_122  : i32 {
      %add3A_426 = arith.constant 64 : i32
      %add3A_427 = arith.addi %add3A_426, %scan3A_425 : i32
      %get3A = arith.index_cast %add3A_427 : i32 to index
      %get3A_428 = tpu.vector_load %arg5[%get3A] {strides = array<i32>} : memref<528xi32, #tpu.memory_space<vmem>>, vector<16xi32>,
      %slice3A = vector.extract_strided_slice %get3A_428 {offsets = [0], sizes = [1], strides = [1]} : vector<16xi32> to vector<1xi32>
      %squeeze3A = vector.extract %slice3A[0] : i32 from vector<1xi32>
      %mul3A_429 = arith.constant 128 : i32
      %mul3A_430 = arith.muli %squeeze3A, %mul3A_429 : i32
      %add3A_431 = arith.constant 0 : i32
      %add3A_432 = arith.addi %mul3A_430, %add3A_431 : i32
      %swap3A = arith.constant 1 : i32
      %swap3A_433 = arith.index_cast %swap3A : i32 to index
      %swap3A_434 = arith.index_cast %scan3A_425 : i32 to index
      %swap3A_435 = arith.index_cast %add3A_432 : i32 to index
      %swap3A_436 = tpu.vector_load %arg6[%swap3A_433, %swap3A_434, %swap3A_435] {strides = array<i32>} : memref<2x64x640xf32, #tpu.memory_space<vmem>>, vector<16xf32>,
      tpu.vector_store %arg6[%swap3A_433, %swap3A_434, %swap3A_435], %broadcast_in_dim3A_3 {strides = array<i32>} : memref<2x64x640xf32, #tpu.memory_space<vmem>>, vector<16xf32>,
      %add3A_437 = arith.constant 16 : i32
      %add3A_438 = arith.addi %mul3A_430, %add3A_437 : i32
      %swap3A_439 = arith.constant 1 : i32
      %swap3A_440 = arith.index_cast %swap3A_439 : i32 to index
      %swap3A_441 = arith.index_cast %scan3A_425 : i32 to index
      %swap3A_442 = arith.index_cast %add3A_438 : i32 to index
      %swap3A_443 = tpu.vector_load %arg6[%swap3A_440, %swap3A_441, %swap3A_442] {strides = array<i32>} : memref<2x64x640xf32, #tpu.memory_space<vmem>>, vector<16xf32>,
      tpu.vector_store %arg6[%swap3A_440, %swap3A_441, %swap3A_442], %broadcast_in_dim3A_3 {strides = array<i32>} : memref<2x64x640xf32, #tpu.memory_space<vmem>>, vector<16xf32>,
      %add3A_444 = arith.constant 32 : i32
      %add3A_445 = arith.addi %mul3A_430, %add3A_444 : i32
      %swap3A_446 = arith.constant 1 : i32
      %swap3A_447 = arith.index_cast %swap3A_446 : i32 to index
      %swap3A_448 = arith.index_cast %scan3A_425 : i32 to index
      %swap3A_449 = arith.index_cast %add3A_445 : i32 to index
      %swap3A_450 = tpu.vector_load %arg6[%swap3A_447, %swap3A_448, %swap3A_449] {strides = array<i32>} : memref<2x64x640xf32, #tpu.memory_space<vmem>>, vector<16xf32>,
      tpu.vector_store %arg6[%swap3A_447, %swap3A_448, %swap3A_449], %broadcast_in_dim3A_3 {strides = array<i32>} : memref<2x64x640xf32, #tpu.memory_space<vmem>>, vector<16xf32>,
      %add3A_451 = arith.constant 48 : i32
      %add3A_452 = arith.addi %mul3A_430, %add3A_451 : i32
      %swap3A_453 = arith.constant 1 : i32
      %swap3A_454 = arith.index_cast %swap3A_453 : i32 to index
      %swap3A_455 = arith.index_cast %scan3A_425 : i32 to index
      %swap3A_456 = arith.index_cast %add3A_452 : i32 to index
      %swap3A_457 = tpu.vector_load %arg6[%swap3A_454, %swap3A_455, %swap3A_456] {strides = array<i32>} : memref<2x64x640xf32, #tpu.memory_space<vmem>>, vector<16xf32>,
      tpu.vector_store %arg6[%swap3A_454, %swap3A_455, %swap3A_456], %broadcast_in_dim3A_3 {strides = array<i32>} : memref<2x64x640xf32, #tpu.memory_space<vmem>>, vector<16xf32>,
      %add3A_458 = arith.constant 64 : i32
      %add3A_459 = arith.addi %mul3A_430, %add3A_458 : i32
      %swap3A_460 = arith.constant 1 : i32
      %swap3A_461 = arith.index_cast %swap3A_460 : i32 to index
      %swap3A_462 = arith.index_cast %scan3A_425 : i32 to index
      %swap3A_463 = arith.index_cast %add3A_459 : i32 to index
      %swap3A_464 = tpu.vector_load %arg6[%swap3A_461, %swap3A_462, %swap3A_463] {strides = array<i32>} : memref<2x64x640xf32, #tpu.memory_space<vmem>>, vector<16xf32>,
      tpu.vector_store %arg6[%swap3A_461, %swap3A_462, %swap3A_463], %broadcast_in_dim3A_3 {strides = array<i32>} : memref<2x64x640xf32, #tpu.memory_space<vmem>>, vector<16xf32>,
      %add3A_465 = arith.constant 80 : i32
      %add3A_466 = arith.addi %mul3A_430, %add3A_465 : i32
      %swap3A_467 = arith.constant 1 : i32
      %swap3A_468 = arith.index_cast %swap3A_467 : i32 to index
      %swap3A_469 = arith.index_cast %scan3A_425 : i32 to index
      %swap3A_470 = arith.index_cast %add3A_466 : i32 to index
      %swap3A_471 = tpu.vector_load %arg6[%swap3A_468, %swap3A_469, %swap3A_470] {strides = array<i32>} : memref<2x64x640xf32, #tpu.memory_space<vmem>>, vector<16xf32>,
      tpu.vector_store %arg6[%swap3A_468, %swap3A_469, %swap3A_470], %broadcast_in_dim3A_3 {strides = array<i32>} : memref<2x64x640xf32, #tpu.memory_space<vmem>>, vector<16xf32>,
      %add3A_472 = arith.constant 96 : i32
      %add3A_473 = arith.addi %mul3A_430, %add3A_472 : i32
      %swap3A_474 = arith.constant 1 : i32
      %swap3A_475 = arith.index_cast %swap3A_474 : i32 to index
      %swap3A_476 = arith.index_cast %scan3A_425 : i32 to index
      %swap3A_477 = arith.index_cast %add3A_473 : i32 to index
      %swap3A_478 = tpu.vector_load %arg6[%swap3A_475, %swap3A_476, %swap3A_477] {strides = array<i32>} : memref<2x64x640xf32, #tpu.memory_space<vmem>>, vector<16xf32>,
      tpu.vector_store %arg6[%swap3A_475, %swap3A_476, %swap3A_477], %broadcast_in_dim3A_3 {strides = array<i32>} : memref<2x64x640xf32, #tpu.memory_space<vmem>>, vector<16xf32>,
      %add3A_479 = arith.constant 112 : i32
      %add3A_480 = arith.addi %mul3A_430, %add3A_479 : i32
      %swap3A_481 = arith.constant 1 : i32
      %swap3A_482 = arith.index_cast %swap3A_481 : i32 to index
      %swap3A_483 = arith.index_cast %scan3A_425 : i32 to index
      %swap3A_484 = arith.index_cast %add3A_480 : i32 to index
      %swap3A_485 = tpu.vector_load %arg6[%swap3A_482, %swap3A_483, %swap3A_484] {strides = array<i32>} : memref<2x64x640xf32, #tpu.memory_space<vmem>>, vector<16xf32>,
      tpu.vector_store %arg6[%swap3A_482, %swap3A_483, %swap3A_484], %broadcast_in_dim3A_3 {strides = array<i32>} : memref<2x64x640xf32, #tpu.memory_space<vmem>>, vector<16xf32>,
    }
    %scan3A_123 = arith.constant 64 : i32
    %add3A_124 = arith.constant 192 : i32
    %add3A_125 = arith.addi %mul3A_2, %add3A_124 : i32
    %scan3A_126 = arith.constant 0 : i32
    %scan3A_127 = arith.constant 64 : i32
    %scan3A_128 = arith.addi %scan3A_126, %scan3A_127 : i32
    %scan3A_129 = arith.constant 1 : i32
    scf.for %scan3A_425 = %scan3A_126 to %scan3A_128 step %scan3A_129  : i32 {
      %add3A_426 = arith.constant 192 : i32
      %add3A_427 = arith.addi %add3A_426, %scan3A_425 : i32
      %get3A = arith.index_cast %add3A_427 : i32 to index
      %get3A_428 = tpu.vector_load %arg5[%get3A] {strides = array<i32>} : memref<528xi32, #tpu.memory_space<vmem>>, vector<16xi32>,
      %slice3A = vector.extract_strided_slice %get3A_428 {offsets = [0], sizes = [1], strides = [1]} : vector<16xi32> to vector<1xi32>
      %squeeze3A = vector.extract %slice3A[0] : i32 from vector<1xi32>
      %mul3A_429 = arith.constant 128 : i32
      %mul3A_430 = arith.muli %squeeze3A, %mul3A_429 : i32
      %add3A_431 = arith.addi %add3A_125, %scan3A_425 : i32
      %dma_start3A_432 = arith.constant 1 : i32
      %dma_start3A_433 = tpu.memref_slice %arg6[%dma_start3A_432, %scan3A_425, %mul3A_430] : memref<2x64x640xf32, #tpu.memory_space<vmem>> -> memref<1x1x128xf32, #tpu.memory_space<vmem>>
      %dma_start3A_434 = tpu.memref_squeeze %dma_start3A_433 : memref<1x1x128xf32, #tpu.memory_space<vmem>> -> memref<1x128xf32, #tpu.memory_space<vmem>>
      %dma_start3A_435 = tpu.memref_slice %arg2[%add3A_431, %mul3A_430] : memref<16384x640xf32, #tpu.memory_space<hbm>> -> memref<1x128xf32, #tpu.memory_space<hbm>>
      %dma_start3A_436 = tpu.memref_slice %arg6[%dma_start3A_432, %scan3A_425, %mul3A_430] : memref<2x64x640xf32, #tpu.memory_space<vmem>> -> memref<1x1x128xf32, #tpu.memory_space<vmem>>
      %dma_start3A_437 = tpu.memref_squeeze %dma_start3A_436 : memref<1x1x128xf32, #tpu.memory_space<vmem>> -> memref<1x128xf32, #tpu.memory_space<vmem>>
      %dma_start3A_438 = tpu.memref_slice %arg2[%add3A_431, %mul3A_430] : memref<16384x640xf32, #tpu.memory_space<hbm>> -> memref<1x128xf32, #tpu.memory_space<hbm>>
      tpu.enqueue_dma source(%dma_start3A_438 : memref<1x128xf32, #tpu.memory_space<hbm>>) target(%dma_start3A_437 : memref<1x128xf32, #tpu.memory_space<vmem>>) target_semaphore(%arg8 : memref<!tpu.dma_semaphore, #tpu.memory_space<semaphore_mem>>)
    }
    %scan3A_130 = arith.constant 64 : i32
    %dma_wait3A_131 = arith.constant 0 : i32
    %dma_wait3A_132 = arith.constant 0 : i32
    %dma_wait3A_133 = arith.constant 0 : i32
    %dma_wait3A_134 = tpu.memref_slice %arg6[%dma_wait3A_131, %dma_wait3A_132, %dma_wait3A_133] : memref<2x64x640xf32, #tpu.memory_space<vmem>> -> memref<1x64x128xf32, #tpu.memory_space<vmem>>
    %dma_wait3A_135 = tpu.memref_squeeze %dma_wait3A_134 : memref<1x64x128xf32, #tpu.memory_space<vmem>> -> memref<64x128xf32, #tpu.memory_space<vmem>>
    %dma_wait3A_136 = arith.constant 0 : i32
    %dma_wait3A_137 = tpu.memref_slice %arg2[%mul3A_2, %dma_wait3A_136] : memref<16384x640xf32, #tpu.memory_space<hbm>> -> memref<64x128xf32, #tpu.memory_space<hbm>>
    %dma_wait3A_138 = arith.constant 0 : i32
    %dma_wait3A_139 = arith.constant 0 : i32
    %dma_wait3A_140 = tpu.memref_slice %arg6[%dma_wait3A_131, %dma_wait3A_138, %dma_wait3A_139] : memref<2x64x640xf32, #tpu.memory_space<vmem>> -> memref<1x64x128xf32, #tpu.memory_space<vmem>>
    %dma_wait3A_141 = tpu.memref_squeeze %dma_wait3A_140 : memref<1x64x128xf32, #tpu.memory_space<vmem>> -> memref<64x128xf32, #tpu.memory_space<vmem>>
    %dma_wait3A_142 = arith.constant 0 : i32
    %dma_wait3A_143 = tpu.memref_slice %arg2[%mul3A_2, %dma_wait3A_142] : memref<16384x640xf32, #tpu.memory_space<hbm>> -> memref<64x128xf32, #tpu.memory_space<hbm>>
    tpu.wait_dma2 semaphore(%arg7 : memref<!tpu.dma_semaphore, #tpu.memory_space<semaphore_mem>>) src(%dma_wait3A_143 : memref<64x128xf32, #tpu.memory_space<hbm>>) dst(%dma_wait3A_141 : memref<64x128xf32, #tpu.memory_space<vmem>>)
    %add3A_144 = arith.constant 128 : i32
    %add3A_145 = arith.addi %mul3A_2, %add3A_144 : i32
    %dma_start3A_146 = arith.constant 0 : i32
    %dma_start3A_147 = arith.constant 0 : i32
    %dma_start3A_148 = arith.constant 0 : i32
    %dma_start3A_149 = tpu.memref_slice %arg6[%dma_start3A_146, %dma_start3A_147, %dma_start3A_148] : memref<2x64x640xf32, #tpu.memory_space<vmem>> -> memref<1x64x640xf32, #tpu.memory_space<vmem>>
    %dma_start3A_150 = tpu.memref_squeeze %dma_start3A_149 : memref<1x64x640xf32, #tpu.memory_space<vmem>> -> memref<64x640xf32, #tpu.memory_space<vmem>>
    %dma_start3A_151 = arith.constant 0 : i32
    %dma_start3A_152 = tpu.memref_slice %arg4[%add3A_145, %dma_start3A_151] : memref<16384x640xf32, #tpu.memory_space<hbm>> -> memref<64x640xf32, #tpu.memory_space<hbm>>
    %dma_start3A_153 = arith.constant 0 : i32
    %dma_start3A_154 = tpu.memref_slice %arg4[%add3A_145, %dma_start3A_153] : memref<16384x640xf32, #tpu.memory_space<hbm>> -> memref<64x640xf32, #tpu.memory_space<hbm>>
    %dma_start3A_155 = arith.constant 0 : i32
    %dma_start3A_156 = arith.constant 0 : i32
    %dma_start3A_157 = tpu.memref_slice %arg6[%dma_start3A_146, %dma_start3A_155, %dma_start3A_156] : memref<2x64x640xf32, #tpu.memory_space<vmem>> -> memref<1x64x640xf32, #tpu.memory_space<vmem>>
    %dma_start3A_158 = tpu.memref_squeeze %dma_start3A_157 : memref<1x64x640xf32, #tpu.memory_space<vmem>> -> memref<64x640xf32, #tpu.memory_space<vmem>>
    tpu.enqueue_dma source(%dma_start3A_158 : memref<64x640xf32, #tpu.memory_space<vmem>>) target(%dma_start3A_154 : memref<64x640xf32, #tpu.memory_space<hbm>>) target_semaphore(%arg9 : memref<!tpu.dma_semaphore, #tpu.memory_space<semaphore_mem>>)
    %dma_wait3A_159 = arith.constant 0 : i32
    %dma_wait3A_160 = arith.constant 0 : i32
    %dma_wait3A_161 = arith.constant 0 : i32
    %dma_wait3A_162 = tpu.memref_slice %arg6[%dma_wait3A_159, %dma_wait3A_160, %dma_wait3A_161] : memref<2x64x640xf32, #tpu.memory_space<vmem>> -> memref<1x64x640xf32, #tpu.memory_space<vmem>>
    %dma_wait3A_163 = tpu.memref_squeeze %dma_wait3A_162 : memref<1x64x640xf32, #tpu.memory_space<vmem>> -> memref<64x640xf32, #tpu.memory_space<vmem>>
    %dma_wait3A_164 = arith.constant 0 : i32
    %dma_wait3A_165 = tpu.memref_slice %arg4[%mul3A_2, %dma_wait3A_164] : memref<16384x640xf32, #tpu.memory_space<hbm>> -> memref<64x640xf32, #tpu.memory_space<hbm>>
    %dma_wait3A_166 = arith.constant 0 : i32
    %dma_wait3A_167 = tpu.memref_slice %arg4[%mul3A_2, %dma_wait3A_166] : memref<16384x640xf32, #tpu.memory_space<hbm>> -> memref<64x640xf32, #tpu.memory_space<hbm>>
    %dma_wait3A_168 = arith.constant 0 : i32
    %dma_wait3A_169 = arith.constant 0 : i32
    %dma_wait3A_170 = tpu.memref_slice %arg6[%dma_wait3A_159, %dma_wait3A_168, %dma_wait3A_169] : memref<2x64x640xf32, #tpu.memory_space<vmem>> -> memref<1x64x640xf32, #tpu.memory_space<vmem>>
    %dma_wait3A_171 = tpu.memref_squeeze %dma_wait3A_170 : memref<1x64x640xf32, #tpu.memory_space<vmem>> -> memref<64x640xf32, #tpu.memory_space<vmem>>
    tpu.wait_dma2 semaphore(%arg9 : memref<!tpu.dma_semaphore, #tpu.memory_space<semaphore_mem>>) src(%dma_wait3A_171 : memref<64x640xf32, #tpu.memory_space<vmem>>) dst(%dma_wait3A_167 : memref<64x640xf32, #tpu.memory_space<hbm>>)
    %scan3A_172 = arith.constant 0 : i32
    %scan3A_173 = arith.constant 64 : i32
    %scan3A_174 = arith.addi %scan3A_172, %scan3A_173 : i32
    %scan3A_175 = arith.constant 1 : i32
    scf.for %scan3A_425 = %scan3A_172 to %scan3A_174 step %scan3A_175  : i32 {
      %add3A_426 = arith.constant 128 : i32
      %add3A_427 = arith.addi %add3A_426, %scan3A_425 : i32
      %get3A = arith.index_cast %add3A_427 : i32 to index
      %get3A_428 = tpu.vector_load %arg5[%get3A] {strides = array<i32>} : memref<528xi32, #tpu.memory_space<vmem>>, vector<16xi32>,
      %slice3A = vector.extract_strided_slice %get3A_428 {offsets = [0], sizes = [1], strides = [1]} : vector<16xi32> to vector<1xi32>
      %squeeze3A = vector.extract %slice3A[0] : i32 from vector<1xi32>
      %mul3A_429 = arith.constant 128 : i32
      %mul3A_430 = arith.muli %squeeze3A, %mul3A_429 : i32
      %add3A_431 = arith.constant 0 : i32
      %add3A_432 = arith.addi %mul3A_430, %add3A_431 : i32
      %swap3A = arith.constant 0 : i32
      %swap3A_433 = arith.index_cast %swap3A : i32 to index
      %swap3A_434 = arith.index_cast %scan3A_425 : i32 to index
      %swap3A_435 = arith.index_cast %add3A_432 : i32 to index
      %swap3A_436 = tpu.vector_load %arg6[%swap3A_433, %swap3A_434, %swap3A_435] {strides = array<i32>} : memref<2x64x640xf32, #tpu.memory_space<vmem>>, vector<16xf32>,
      tpu.vector_store %arg6[%swap3A_433, %swap3A_434, %swap3A_435], %broadcast_in_dim3A_3 {strides = array<i32>} : memref<2x64x640xf32, #tpu.memory_space<vmem>>, vector<16xf32>,
      %add3A_437 = arith.constant 16 : i32
      %add3A_438 = arith.addi %mul3A_430, %add3A_437 : i32
      %swap3A_439 = arith.constant 0 : i32
      %swap3A_440 = arith.index_cast %swap3A_439 : i32 to index
      %swap3A_441 = arith.index_cast %scan3A_425 : i32 to index
      %swap3A_442 = arith.index_cast %add3A_438 : i32 to index
      %swap3A_443 = tpu.vector_load %arg6[%swap3A_440, %swap3A_441, %swap3A_442] {strides = array<i32>} : memref<2x64x640xf32, #tpu.memory_space<vmem>>, vector<16xf32>,
      tpu.vector_store %arg6[%swap3A_440, %swap3A_441, %swap3A_442], %broadcast_in_dim3A_3 {strides = array<i32>} : memref<2x64x640xf32, #tpu.memory_space<vmem>>, vector<16xf32>,
      %add3A_444 = arith.constant 32 : i32
      %add3A_445 = arith.addi %mul3A_430, %add3A_444 : i32
      %swap3A_446 = arith.constant 0 : i32
      %swap3A_447 = arith.index_cast %swap3A_446 : i32 to index
      %swap3A_448 = arith.index_cast %scan3A_425 : i32 to index
      %swap3A_449 = arith.index_cast %add3A_445 : i32 to index
      %swap3A_450 = tpu.vector_load %arg6[%swap3A_447, %swap3A_448, %swap3A_449] {strides = array<i32>} : memref<2x64x640xf32, #tpu.memory_space<vmem>>, vector<16xf32>,
      tpu.vector_store %arg6[%swap3A_447, %swap3A_448, %swap3A_449], %broadcast_in_dim3A_3 {strides = array<i32>} : memref<2x64x640xf32, #tpu.memory_space<vmem>>, vector<16xf32>,
      %add3A_451 = arith.constant 48 : i32
      %add3A_452 = arith.addi %mul3A_430, %add3A_451 : i32
      %swap3A_453 = arith.constant 0 : i32
      %swap3A_454 = arith.index_cast %swap3A_453 : i32 to index
      %swap3A_455 = arith.index_cast %scan3A_425 : i32 to index
      %swap3A_456 = arith.index_cast %add3A_452 : i32 to index
      %swap3A_457 = tpu.vector_load %arg6[%swap3A_454, %swap3A_455, %swap3A_456] {strides = array<i32>} : memref<2x64x640xf32, #tpu.memory_space<vmem>>, vector<16xf32>,
      tpu.vector_store %arg6[%swap3A_454, %swap3A_455, %swap3A_456], %broadcast_in_dim3A_3 {strides = array<i32>} : memref<2x64x640xf32, #tpu.memory_space<vmem>>, vector<16xf32>,
      %add3A_458 = arith.constant 64 : i32
      %add3A_459 = arith.addi %mul3A_430, %add3A_458 : i32
      %swap3A_460 = arith.constant 0 : i32
      %swap3A_461 = arith.index_cast %swap3A_460 : i32 to index
      %swap3A_462 = arith.index_cast %scan3A_425 : i32 to index
      %swap3A_463 = arith.index_cast %add3A_459 : i32 to index
      %swap3A_464 = tpu.vector_load %arg6[%swap3A_461, %swap3A_462, %swap3A_463] {strides = array<i32>} : memref<2x64x640xf32, #tpu.memory_space<vmem>>, vector<16xf32>,
      tpu.vector_store %arg6[%swap3A_461, %swap3A_462, %swap3A_463], %broadcast_in_dim3A_3 {strides = array<i32>} : memref<2x64x640xf32, #tpu.memory_space<vmem>>, vector<16xf32>,
      %add3A_465 = arith.constant 80 : i32
      %add3A_466 = arith.addi %mul3A_430, %add3A_465 : i32
      %swap3A_467 = arith.constant 0 : i32
      %swap3A_468 = arith.index_cast %swap3A_467 : i32 to index
      %swap3A_469 = arith.index_cast %scan3A_425 : i32 to index
      %swap3A_470 = arith.index_cast %add3A_466 : i32 to index
      %swap3A_471 = tpu.vector_load %arg6[%swap3A_468, %swap3A_469, %swap3A_470] {strides = array<i32>} : memref<2x64x640xf32, #tpu.memory_space<vmem>>, vector<16xf32>,
      tpu.vector_store %arg6[%swap3A_468, %swap3A_469, %swap3A_470], %broadcast_in_dim3A_3 {strides = array<i32>} : memref<2x64x640xf32, #tpu.memory_space<vmem>>, vector<16xf32>,
      %add3A_472 = arith.constant 96 : i32
      %add3A_473 = arith.addi %mul3A_430, %add3A_472 : i32
      %swap3A_474 = arith.constant 0 : i32
      %swap3A_475 = arith.index_cast %swap3A_474 : i32 to index
      %swap3A_476 = arith.index_cast %scan3A_425 : i32 to index
      %swap3A_477 = arith.index_cast %add3A_473 : i32 to index
      %swap3A_478 = tpu.vector_load %arg6[%swap3A_475, %swap3A_476, %swap3A_477] {strides = array<i32>} : memref<2x64x640xf32, #tpu.memory_space<vmem>>, vector<16xf32>,
      tpu.vector_store %arg6[%swap3A_475, %swap3A_476, %swap3A_477], %broadcast_in_dim3A_3 {strides = array<i32>} : memref<2x64x640xf32, #tpu.memory_space<vmem>>, vector<16xf32>,
      %add3A_479 = arith.constant 112 : i32
      %add3A_480 = arith.addi %mul3A_430, %add3A_479 : i32
      %swap3A_481 = arith.constant 0 : i32
      %swap3A_482 = arith.index_cast %swap3A_481 : i32 to index
      %swap3A_483 = arith.index_cast %scan3A_425 : i32 to index
      %swap3A_484 = arith.index_cast %add3A_480 : i32 to index
      %swap3A_485 = tpu.vector_load %arg6[%swap3A_482, %swap3A_483, %swap3A_484] {strides = array<i32>} : memref<2x64x640xf32, #tpu.memory_space<vmem>>, vector<16xf32>,
      tpu.vector_store %arg6[%swap3A_482, %swap3A_483, %swap3A_484], %broadcast_in_dim3A_3 {strides = array<i32>} : memref<2x64x640xf32, #tpu.memory_space<vmem>>, vector<16xf32>,
    }
    %scan3A_176 = arith.constant 64 : i32
    %add3A_177 = arith.constant 256 : i32
    %add3A_178 = arith.addi %mul3A_2, %add3A_177 : i32
    %scan3A_179 = arith.constant 0 : i32
    %scan3A_180 = arith.constant 64 : i32
    %scan3A_181 = arith.addi %scan3A_179, %scan3A_180 : i32
    %scan3A_182 = arith.constant 1 : i32
    scf.for %scan3A_425 = %scan3A_179 to %scan3A_181 step %scan3A_182  : i32 {
      %add3A_426 = arith.constant 256 : i32
      %add3A_427 = arith.addi %add3A_426, %scan3A_425 : i32
      %get3A = arith.index_cast %add3A_427 : i32 to index
      %get3A_428 = tpu.vector_load %arg5[%get3A] {strides = array<i32>} : memref<528xi32, #tpu.memory_space<vmem>>, vector<16xi32>,
      %slice3A = vector.extract_strided_slice %get3A_428 {offsets = [0], sizes = [1], strides = [1]} : vector<16xi32> to vector<1xi32>
      %squeeze3A = vector.extract %slice3A[0] : i32 from vector<1xi32>
      %mul3A_429 = arith.constant 128 : i32
      %mul3A_430 = arith.muli %squeeze3A, %mul3A_429 : i32
      %add3A_431 = arith.addi %add3A_178, %scan3A_425 : i32
      %dma_start3A_432 = arith.constant 0 : i32
      %dma_start3A_433 = tpu.memref_slice %arg6[%dma_start3A_432, %scan3A_425, %mul3A_430] : memref<2x64x640xf32, #tpu.memory_space<vmem>> -> memref<1x1x128xf32, #tpu.memory_space<vmem>>
      %dma_start3A_434 = tpu.memref_squeeze %dma_start3A_433 : memref<1x1x128xf32, #tpu.memory_space<vmem>> -> memref<1x128xf32, #tpu.memory_space<vmem>>
      %dma_start3A_435 = tpu.memref_slice %arg2[%add3A_431, %mul3A_430] : memref<16384x640xf32, #tpu.memory_space<hbm>> -> memref<1x128xf32, #tpu.memory_space<hbm>>
      %dma_start3A_436 = tpu.memref_slice %arg6[%dma_start3A_432, %scan3A_425, %mul3A_430] : memref<2x64x640xf32, #tpu.memory_space<vmem>> -> memref<1x1x128xf32, #tpu.memory_space<vmem>>
      %dma_start3A_437 = tpu.memref_squeeze %dma_start3A_436 : memref<1x1x128xf32, #tpu.memory_space<vmem>> -> memref<1x128xf32, #tpu.memory_space<vmem>>
      %dma_start3A_438 = tpu.memref_slice %arg2[%add3A_431, %mul3A_430] : memref<16384x640xf32, #tpu.memory_space<hbm>> -> memref<1x128xf32, #tpu.memory_space<hbm>>
      tpu.enqueue_dma source(%dma_start3A_438 : memref<1x128xf32, #tpu.memory_space<hbm>>) target(%dma_start3A_437 : memref<1x128xf32, #tpu.memory_space<vmem>>) target_semaphore(%arg7 : memref<!tpu.dma_semaphore, #tpu.memory_space<semaphore_mem>>)
    }
    %scan3A_183 = arith.constant 64 : i32
    %dma_wait3A_184 = arith.constant 1 : i32
    %dma_wait3A_185 = arith.constant 0 : i32
    %dma_wait3A_186 = arith.constant 0 : i32
    %dma_wait3A_187 = tpu.memref_slice %arg6[%dma_wait3A_184, %dma_wait3A_185, %dma_wait3A_186] : memref<2x64x640xf32, #tpu.memory_space<vmem>> -> memref<1x64x128xf32, #tpu.memory_space<vmem>>
    %dma_wait3A_188 = tpu.memref_squeeze %dma_wait3A_187 : memref<1x64x128xf32, #tpu.memory_space<vmem>> -> memref<64x128xf32, #tpu.memory_space<vmem>>
    %dma_wait3A_189 = arith.constant 0 : i32
    %dma_wait3A_190 = tpu.memref_slice %arg2[%mul3A_2, %dma_wait3A_189] : memref<16384x640xf32, #tpu.memory_space<hbm>> -> memref<64x128xf32, #tpu.memory_space<hbm>>
    %dma_wait3A_191 = arith.constant 0 : i32
    %dma_wait3A_192 = arith.constant 0 : i32
    %dma_wait3A_193 = tpu.memref_slice %arg6[%dma_wait3A_184, %dma_wait3A_191, %dma_wait3A_192] : memref<2x64x640xf32, #tpu.memory_space<vmem>> -> memref<1x64x128xf32, #tpu.memory_space<vmem>>
    %dma_wait3A_194 = tpu.memref_squeeze %dma_wait3A_193 : memref<1x64x128xf32, #tpu.memory_space<vmem>> -> memref<64x128xf32, #tpu.memory_space<vmem>>
    %dma_wait3A_195 = arith.constant 0 : i32
    %dma_wait3A_196 = tpu.memref_slice %arg2[%mul3A_2, %dma_wait3A_195] : memref<16384x640xf32, #tpu.memory_space<hbm>> -> memref<64x128xf32, #tpu.memory_space<hbm>>
    tpu.wait_dma2 semaphore(%arg8 : memref<!tpu.dma_semaphore, #tpu.memory_space<semaphore_mem>>) src(%dma_wait3A_196 : memref<64x128xf32, #tpu.memory_space<hbm>>) dst(%dma_wait3A_194 : memref<64x128xf32, #tpu.memory_space<vmem>>)
    %add3A_197 = arith.constant 192 : i32
    %add3A_198 = arith.addi %mul3A_2, %add3A_197 : i32
    %dma_start3A_199 = arith.constant 1 : i32
    %dma_start3A_200 = arith.constant 0 : i32
    %dma_start3A_201 = arith.constant 0 : i32
    %dma_start3A_202 = tpu.memref_slice %arg6[%dma_start3A_199, %dma_start3A_200, %dma_start3A_201] : memref<2x64x640xf32, #tpu.memory_space<vmem>> -> memref<1x64x640xf32, #tpu.memory_space<vmem>>
    %dma_start3A_203 = tpu.memref_squeeze %dma_start3A_202 : memref<1x64x640xf32, #tpu.memory_space<vmem>> -> memref<64x640xf32, #tpu.memory_space<vmem>>
    %dma_start3A_204 = arith.constant 0 : i32
    %dma_start3A_205 = tpu.memref_slice %arg4[%add3A_198, %dma_start3A_204] : memref<16384x640xf32, #tpu.memory_space<hbm>> -> memref<64x640xf32, #tpu.memory_space<hbm>>
    %dma_start3A_206 = arith.constant 0 : i32
    %dma_start3A_207 = tpu.memref_slice %arg4[%add3A_198, %dma_start3A_206] : memref<16384x640xf32, #tpu.memory_space<hbm>> -> memref<64x640xf32, #tpu.memory_space<hbm>>
    %dma_start3A_208 = arith.constant 0 : i32
    %dma_start3A_209 = arith.constant 0 : i32
    %dma_start3A_210 = tpu.memref_slice %arg6[%dma_start3A_199, %dma_start3A_208, %dma_start3A_209] : memref<2x64x640xf32, #tpu.memory_space<vmem>> -> memref<1x64x640xf32, #tpu.memory_space<vmem>>
    %dma_start3A_211 = tpu.memref_squeeze %dma_start3A_210 : memref<1x64x640xf32, #tpu.memory_space<vmem>> -> memref<64x640xf32, #tpu.memory_space<vmem>>
    tpu.enqueue_dma source(%dma_start3A_211 : memref<64x640xf32, #tpu.memory_space<vmem>>) target(%dma_start3A_207 : memref<64x640xf32, #tpu.memory_space<hbm>>) target_semaphore(%arg9 : memref<!tpu.dma_semaphore, #tpu.memory_space<semaphore_mem>>)
    %dma_wait3A_212 = arith.constant 0 : i32
    %dma_wait3A_213 = arith.constant 0 : i32
    %dma_wait3A_214 = arith.constant 0 : i32
    %dma_wait3A_215 = tpu.memref_slice %arg6[%dma_wait3A_212, %dma_wait3A_213, %dma_wait3A_214] : memref<2x64x640xf32, #tpu.memory_space<vmem>> -> memref<1x64x640xf32, #tpu.memory_space<vmem>>
    %dma_wait3A_216 = tpu.memref_squeeze %dma_wait3A_215 : memref<1x64x640xf32, #tpu.memory_space<vmem>> -> memref<64x640xf32, #tpu.memory_space<vmem>>
    %dma_wait3A_217 = arith.constant 0 : i32
    %dma_wait3A_218 = tpu.memref_slice %arg4[%mul3A_2, %dma_wait3A_217] : memref<16384x640xf32, #tpu.memory_space<hbm>> -> memref<64x640xf32, #tpu.memory_space<hbm>>
    %dma_wait3A_219 = arith.constant 0 : i32
    %dma_wait3A_220 = tpu.memref_slice %arg4[%mul3A_2, %dma_wait3A_219] : memref<16384x640xf32, #tpu.memory_space<hbm>> -> memref<64x640xf32, #tpu.memory_space<hbm>>
    %dma_wait3A_221 = arith.constant 0 : i32
    %dma_wait3A_222 = arith.constant 0 : i32
    %dma_wait3A_223 = tpu.memref_slice %arg6[%dma_wait3A_212, %dma_wait3A_221, %dma_wait3A_222] : memref<2x64x640xf32, #tpu.memory_space<vmem>> -> memref<1x64x640xf32, #tpu.memory_space<vmem>>
    %dma_wait3A_224 = tpu.memref_squeeze %dma_wait3A_223 : memref<1x64x640xf32, #tpu.memory_space<vmem>> -> memref<64x640xf32, #tpu.memory_space<vmem>>
    tpu.wait_dma2 semaphore(%arg9 : memref<!tpu.dma_semaphore, #tpu.memory_space<semaphore_mem>>) src(%dma_wait3A_224 : memref<64x640xf32, #tpu.memory_space<vmem>>) dst(%dma_wait3A_220 : memref<64x640xf32, #tpu.memory_space<hbm>>)
    %scan3A_225 = arith.constant 0 : i32
    %scan3A_226 = arith.constant 64 : i32
    %scan3A_227 = arith.addi %scan3A_225, %scan3A_226 : i32
    %scan3A_228 = arith.constant 1 : i32
    scf.for %scan3A_425 = %scan3A_225 to %scan3A_227 step %scan3A_228  : i32 {
      %add3A_426 = arith.constant 192 : i32
      %add3A_427 = arith.addi %add3A_426, %scan3A_425 : i32
      %get3A = arith.index_cast %add3A_427 : i32 to index
      %get3A_428 = tpu.vector_load %arg5[%get3A] {strides = array<i32>} : memref<528xi32, #tpu.memory_space<vmem>>, vector<16xi32>,
      %slice3A = vector.extract_strided_slice %get3A_428 {offsets = [0], sizes = [1], strides = [1]} : vector<16xi32> to vector<1xi32>
      %squeeze3A = vector.extract %slice3A[0] : i32 from vector<1xi32>
      %mul3A_429 = arith.constant 128 : i32
      %mul3A_430 = arith.muli %squeeze3A, %mul3A_429 : i32
      %add3A_431 = arith.constant 0 : i32
      %add3A_432 = arith.addi %mul3A_430, %add3A_431 : i32
      %swap3A = arith.constant 1 : i32
      %swap3A_433 = arith.index_cast %swap3A : i32 to index
      %swap3A_434 = arith.index_cast %scan3A_425 : i32 to index
      %swap3A_435 = arith.index_cast %add3A_432 : i32 to index
      %swap3A_436 = tpu.vector_load %arg6[%swap3A_433, %swap3A_434, %swap3A_435] {strides = array<i32>} : memref<2x64x640xf32, #tpu.memory_space<vmem>>, vector<16xf32>,
      tpu.vector_store %arg6[%swap3A_433, %swap3A_434, %swap3A_435], %broadcast_in_dim3A_3 {strides = array<i32>} : memref<2x64x640xf32, #tpu.memory_space<vmem>>, vector<16xf32>,
      %add3A_437 = arith.constant 16 : i32
      %add3A_438 = arith.addi %mul3A_430, %add3A_437 : i32
      %swap3A_439 = arith.constant 1 : i32
      %swap3A_440 = arith.index_cast %swap3A_439 : i32 to index
      %swap3A_441 = arith.index_cast %scan3A_425 : i32 to index
      %swap3A_442 = arith.index_cast %add3A_438 : i32 to index
      %swap3A_443 = tpu.vector_load %arg6[%swap3A_440, %swap3A_441, %swap3A_442] {strides = array<i32>} : memref<2x64x640xf32, #tpu.memory_space<vmem>>, vector<16xf32>,
      tpu.vector_store %arg6[%swap3A_440, %swap3A_441, %swap3A_442], %broadcast_in_dim3A_3 {strides = array<i32>} : memref<2x64x640xf32, #tpu.memory_space<vmem>>, vector<16xf32>,
      %add3A_444 = arith.constant 32 : i32
      %add3A_445 = arith.addi %mul3A_430, %add3A_444 : i32
      %swap3A_446 = arith.constant 1 : i32
      %swap3A_447 = arith.index_cast %swap3A_446 : i32 to index
      %swap3A_448 = arith.index_cast %scan3A_425 : i32 to index
      %swap3A_449 = arith.index_cast %add3A_445 : i32 to index
      %swap3A_450 = tpu.vector_load %arg6[%swap3A_447, %swap3A_448, %swap3A_449] {strides = array<i32>} : memref<2x64x640xf32, #tpu.memory_space<vmem>>, vector<16xf32>,
      tpu.vector_store %arg6[%swap3A_447, %swap3A_448, %swap3A_449], %broadcast_in_dim3A_3 {strides = array<i32>} : memref<2x64x640xf32, #tpu.memory_space<vmem>>, vector<16xf32>,
      %add3A_451 = arith.constant 48 : i32
      %add3A_452 = arith.addi %mul3A_430, %add3A_451 : i32
      %swap3A_453 = arith.constant 1 : i32
      %swap3A_454 = arith.index_cast %swap3A_453 : i32 to index
      %swap3A_455 = arith.index_cast %scan3A_425 : i32 to index
      %swap3A_456 = arith.index_cast %add3A_452 : i32 to index
      %swap3A_457 = tpu.vector_load %arg6[%swap3A_454, %swap3A_455, %swap3A_456] {strides = array<i32>} : memref<2x64x640xf32, #tpu.memory_space<vmem>>, vector<16xf32>,
      tpu.vector_store %arg6[%swap3A_454, %swap3A_455, %swap3A_456], %broadcast_in_dim3A_3 {strides = array<i32>} : memref<2x64x640xf32, #tpu.memory_space<vmem>>, vector<16xf32>,
      %add3A_458 = arith.constant 64 : i32
      %add3A_459 = arith.addi %mul3A_430, %add3A_458 : i32
      %swap3A_460 = arith.constant 1 : i32
      %swap3A_461 = arith.index_cast %swap3A_460 : i32 to index
      %swap3A_462 = arith.index_cast %scan3A_425 : i32 to index
      %swap3A_463 = arith.index_cast %add3A_459 : i32 to index
      %swap3A_464 = tpu.vector_load %arg6[%swap3A_461, %swap3A_462, %swap3A_463] {strides = array<i32>} : memref<2x64x640xf32, #tpu.memory_space<vmem>>, vector<16xf32>,
      tpu.vector_store %arg6[%swap3A_461, %swap3A_462, %swap3A_463], %broadcast_in_dim3A_3 {strides = array<i32>} : memref<2x64x640xf32, #tpu.memory_space<vmem>>, vector<16xf32>,
      %add3A_465 = arith.constant 80 : i32
      %add3A_466 = arith.addi %mul3A_430, %add3A_465 : i32
      %swap3A_467 = arith.constant 1 : i32
      %swap3A_468 = arith.index_cast %swap3A_467 : i32 to index
      %swap3A_469 = arith.index_cast %scan3A_425 : i32 to index
      %swap3A_470 = arith.index_cast %add3A_466 : i32 to index
      %swap3A_471 = tpu.vector_load %arg6[%swap3A_468, %swap3A_469, %swap3A_470] {strides = array<i32>} : memref<2x64x640xf32, #tpu.memory_space<vmem>>, vector<16xf32>,
      tpu.vector_store %arg6[%swap3A_468, %swap3A_469, %swap3A_470], %broadcast_in_dim3A_3 {strides = array<i32>} : memref<2x64x640xf32, #tpu.memory_space<vmem>>, vector<16xf32>,
      %add3A_472 = arith.constant 96 : i32
      %add3A_473 = arith.addi %mul3A_430, %add3A_472 : i32
      %swap3A_474 = arith.constant 1 : i32
      %swap3A_475 = arith.index_cast %swap3A_474 : i32 to index
      %swap3A_476 = arith.index_cast %scan3A_425 : i32 to index
      %swap3A_477 = arith.index_cast %add3A_473 : i32 to index
      %swap3A_478 = tpu.vector_load %arg6[%swap3A_475, %swap3A_476, %swap3A_477] {strides = array<i32>} : memref<2x64x640xf32, #tpu.memory_space<vmem>>, vector<16xf32>,
      tpu.vector_store %arg6[%swap3A_475, %swap3A_476, %swap3A_477], %broadcast_in_dim3A_3 {strides = array<i32>} : memref<2x64x640xf32, #tpu.memory_space<vmem>>, vector<16xf32>,
      %add3A_479 = arith.constant 112 : i32
      %add3A_480 = arith.addi %mul3A_430, %add3A_479 : i32
      %swap3A_481 = arith.constant 1 : i32
      %swap3A_482 = arith.index_cast %swap3A_481 : i32 to index
      %swap3A_483 = arith.index_cast %scan3A_425 : i32 to index
      %swap3A_484 = arith.index_cast %add3A_480 : i32 to index
      %swap3A_485 = tpu.vector_load %arg6[%swap3A_482, %swap3A_483, %swap3A_484] {strides = array<i32>} : memref<2x64x640xf32, #tpu.memory_space<vmem>>, vector<16xf32>,
      tpu.vector_store %arg6[%swap3A_482, %swap3A_483, %swap3A_484], %broadcast_in_dim3A_3 {strides = array<i32>} : memref<2x64x640xf32, #tpu.memory_space<vmem>>, vector<16xf32>,
    }
    %scan3A_229 = arith.constant 64 : i32
    %add3A_230 = arith.constant 320 : i32
    %add3A_231 = arith.addi %mul3A_2, %add3A_230 : i32
    %scan3A_232 = arith.constant 0 : i32
    %scan3A_233 = arith.constant 64 : i32
    %scan3A_234 = arith.addi %scan3A_232, %scan3A_233 : i32
    %scan3A_235 = arith.constant 1 : i32
    scf.for %scan3A_425 = %scan3A_232 to %scan3A_234 step %scan3A_235  : i32 {
      %add3A_426 = arith.constant 320 : i32
      %add3A_427 = arith.addi %add3A_426, %scan3A_425 : i32
      %get3A = arith.index_cast %add3A_427 : i32 to index
      %get3A_428 = tpu.vector_load %arg5[%get3A] {strides = array<i32>} : memref<528xi32, #tpu.memory_space<vmem>>, vector<16xi32>,
      %slice3A = vector.extract_strided_slice %get3A_428 {offsets = [0], sizes = [1], strides = [1]} : vector<16xi32> to vector<1xi32>
      %squeeze3A = vector.extract %slice3A[0] : i32 from vector<1xi32>
      %mul3A_429 = arith.constant 128 : i32
      %mul3A_430 = arith.muli %squeeze3A, %mul3A_429 : i32
      %add3A_431 = arith.addi %add3A_231, %scan3A_425 : i32
      %dma_start3A_432 = arith.constant 1 : i32
      %dma_start3A_433 = tpu.memref_slice %arg6[%dma_start3A_432, %scan3A_425, %mul3A_430] : memref<2x64x640xf32, #tpu.memory_space<vmem>> -> memref<1x1x128xf32, #tpu.memory_space<vmem>>
      %dma_start3A_434 = tpu.memref_squeeze %dma_start3A_433 : memref<1x1x128xf32, #tpu.memory_space<vmem>> -> memref<1x128xf32, #tpu.memory_space<vmem>>
      %dma_start3A_435 = tpu.memref_slice %arg2[%add3A_431, %mul3A_430] : memref<16384x640xf32, #tpu.memory_space<hbm>> -> memref<1x128xf32, #tpu.memory_space<hbm>>
      %dma_start3A_436 = tpu.memref_slice %arg6[%dma_start3A_432, %scan3A_425, %mul3A_430] : memref<2x64x640xf32, #tpu.memory_space<vmem>> -> memref<1x1x128xf32, #tpu.memory_space<vmem>>
      %dma_start3A_437 = tpu.memref_squeeze %dma_start3A_436 : memref<1x1x128xf32, #tpu.memory_space<vmem>> -> memref<1x128xf32, #tpu.memory_space<vmem>>
      %dma_start3A_438 = tpu.memref_slice %arg2[%add3A_431, %mul3A_430] : memref<16384x640xf32, #tpu.memory_space<hbm>> -> memref<1x128xf32, #tpu.memory_space<hbm>>
      tpu.enqueue_dma source(%dma_start3A_438 : memref<1x128xf32, #tpu.memory_space<hbm>>) target(%dma_start3A_437 : memref<1x128xf32, #tpu.memory_space<vmem>>) target_semaphore(%arg8 : memref<!tpu.dma_semaphore, #tpu.memory_space<semaphore_mem>>)
    }
    %scan3A_236 = arith.constant 64 : i32
    %dma_wait3A_237 = arith.constant 0 : i32
    %dma_wait3A_238 = arith.constant 0 : i32
    %dma_wait3A_239 = arith.constant 0 : i32
    %dma_wait3A_240 = tpu.memref_slice %arg6[%dma_wait3A_237, %dma_wait3A_238, %dma_wait3A_239] : memref<2x64x640xf32, #tpu.memory_space<vmem>> -> memref<1x64x128xf32, #tpu.memory_space<vmem>>
    %dma_wait3A_241 = tpu.memref_squeeze %dma_wait3A_240 : memref<1x64x128xf32, #tpu.memory_space<vmem>> -> memref<64x128xf32, #tpu.memory_space<vmem>>
    %dma_wait3A_242 = arith.constant 0 : i32
    %dma_wait3A_243 = tpu.memref_slice %arg2[%mul3A_2, %dma_wait3A_242] : memref<16384x640xf32, #tpu.memory_space<hbm>> -> memref<64x128xf32, #tpu.memory_space<hbm>>
    %dma_wait3A_244 = arith.constant 0 : i32
    %dma_wait3A_245 = arith.constant 0 : i32
    %dma_wait3A_246 = tpu.memref_slice %arg6[%dma_wait3A_237, %dma_wait3A_244, %dma_wait3A_245] : memref<2x64x640xf32, #tpu.memory_space<vmem>> -> memref<1x64x128xf32, #tpu.memory_space<vmem>>
    %dma_wait3A_247 = tpu.memref_squeeze %dma_wait3A_246 : memref<1x64x128xf32, #tpu.memory_space<vmem>> -> memref<64x128xf32, #tpu.memory_space<vmem>>
    %dma_wait3A_248 = arith.constant 0 : i32
    %dma_wait3A_249 = tpu.memref_slice %arg2[%mul3A_2, %dma_wait3A_248] : memref<16384x640xf32, #tpu.memory_space<hbm>> -> memref<64x128xf32, #tpu.memory_space<hbm>>
    tpu.wait_dma2 semaphore(%arg7 : memref<!tpu.dma_semaphore, #tpu.memory_space<semaphore_mem>>) src(%dma_wait3A_249 : memref<64x128xf32, #tpu.memory_space<hbm>>) dst(%dma_wait3A_247 : memref<64x128xf32, #tpu.memory_space<vmem>>)
    %add3A_250 = arith.constant 256 : i32
    %add3A_251 = arith.addi %mul3A_2, %add3A_250 : i32
    %dma_start3A_252 = arith.constant 0 : i32
    %dma_start3A_253 = arith.constant 0 : i32
    %dma_start3A_254 = arith.constant 0 : i32
    %dma_start3A_255 = tpu.memref_slice %arg6[%dma_start3A_252, %dma_start3A_253, %dma_start3A_254] : memref<2x64x640xf32, #tpu.memory_space<vmem>> -> memref<1x64x640xf32, #tpu.memory_space<vmem>>
    %dma_start3A_256 = tpu.memref_squeeze %dma_start3A_255 : memref<1x64x640xf32, #tpu.memory_space<vmem>> -> memref<64x640xf32, #tpu.memory_space<vmem>>
    %dma_start3A_257 = arith.constant 0 : i32
    %dma_start3A_258 = tpu.memref_slice %arg4[%add3A_251, %dma_start3A_257] : memref<16384x640xf32, #tpu.memory_space<hbm>> -> memref<64x640xf32, #tpu.memory_space<hbm>>
    %dma_start3A_259 = arith.constant 0 : i32
    %dma_start3A_260 = tpu.memref_slice %arg4[%add3A_251, %dma_start3A_259] : memref<16384x640xf32, #tpu.memory_space<hbm>> -> memref<64x640xf32, #tpu.memory_space<hbm>>
    %dma_start3A_261 = arith.constant 0 : i32
    %dma_start3A_262 = arith.constant 0 : i32
    %dma_start3A_263 = tpu.memref_slice %arg6[%dma_start3A_252, %dma_start3A_261, %dma_start3A_262] : memref<2x64x640xf32, #tpu.memory_space<vmem>> -> memref<1x64x640xf32, #tpu.memory_space<vmem>>
    %dma_start3A_264 = tpu.memref_squeeze %dma_start3A_263 : memref<1x64x640xf32, #tpu.memory_space<vmem>> -> memref<64x640xf32, #tpu.memory_space<vmem>>
    tpu.enqueue_dma source(%dma_start3A_264 : memref<64x640xf32, #tpu.memory_space<vmem>>) target(%dma_start3A_260 : memref<64x640xf32, #tpu.memory_space<hbm>>) target_semaphore(%arg9 : memref<!tpu.dma_semaphore, #tpu.memory_space<semaphore_mem>>)
    %dma_wait3A_265 = arith.constant 0 : i32
    %dma_wait3A_266 = arith.constant 0 : i32
    %dma_wait3A_267 = arith.constant 0 : i32
    %dma_wait3A_268 = tpu.memref_slice %arg6[%dma_wait3A_265, %dma_wait3A_266, %dma_wait3A_267] : memref<2x64x640xf32, #tpu.memory_space<vmem>> -> memref<1x64x640xf32, #tpu.memory_space<vmem>>
    %dma_wait3A_269 = tpu.memref_squeeze %dma_wait3A_268 : memref<1x64x640xf32, #tpu.memory_space<vmem>> -> memref<64x640xf32, #tpu.memory_space<vmem>>
    %dma_wait3A_270 = arith.constant 0 : i32
    %dma_wait3A_271 = tpu.memref_slice %arg4[%mul3A_2, %dma_wait3A_270] : memref<16384x640xf32, #tpu.memory_space<hbm>> -> memref<64x640xf32, #tpu.memory_space<hbm>>
    %dma_wait3A_272 = arith.constant 0 : i32
    %dma_wait3A_273 = tpu.memref_slice %arg4[%mul3A_2, %dma_wait3A_272] : memref<16384x640xf32, #tpu.memory_space<hbm>> -> memref<64x640xf32, #tpu.memory_space<hbm>>
    %dma_wait3A_274 = arith.constant 0 : i32
    %dma_wait3A_275 = arith.constant 0 : i32
    %dma_wait3A_276 = tpu.memref_slice %arg6[%dma_wait3A_265, %dma_wait3A_274, %dma_wait3A_275] : memref<2x64x640xf32, #tpu.memory_space<vmem>> -> memref<1x64x640xf32, #tpu.memory_space<vmem>>
    %dma_wait3A_277 = tpu.memref_squeeze %dma_wait3A_276 : memref<1x64x640xf32, #tpu.memory_space<vmem>> -> memref<64x640xf32, #tpu.memory_space<vmem>>
    tpu.wait_dma2 semaphore(%arg9 : memref<!tpu.dma_semaphore, #tpu.memory_space<semaphore_mem>>) src(%dma_wait3A_277 : memref<64x640xf32, #tpu.memory_space<vmem>>) dst(%dma_wait3A_273 : memref<64x640xf32, #tpu.memory_space<hbm>>)
    %scan3A_278 = arith.constant 0 : i32
    %scan3A_279 = arith.constant 64 : i32
    %scan3A_280 = arith.addi %scan3A_278, %scan3A_279 : i32
    %scan3A_281 = arith.constant 1 : i32
    scf.for %scan3A_425 = %scan3A_278 to %scan3A_280 step %scan3A_281  : i32 {
      %add3A_426 = arith.constant 256 : i32
      %add3A_427 = arith.addi %add3A_426, %scan3A_425 : i32
      %get3A = arith.index_cast %add3A_427 : i32 to index
      %get3A_428 = tpu.vector_load %arg5[%get3A] {strides = array<i32>} : memref<528xi32, #tpu.memory_space<vmem>>, vector<16xi32>,
      %slice3A = vector.extract_strided_slice %get3A_428 {offsets = [0], sizes = [1], strides = [1]} : vector<16xi32> to vector<1xi32>
      %squeeze3A = vector.extract %slice3A[0] : i32 from vector<1xi32>
      %mul3A_429 = arith.constant 128 : i32
      %mul3A_430 = arith.muli %squeeze3A, %mul3A_429 : i32
      %add3A_431 = arith.constant 0 : i32
      %add3A_432 = arith.addi %mul3A_430, %add3A_431 : i32
      %swap3A = arith.constant 0 : i32
      %swap3A_433 = arith.index_cast %swap3A : i32 to index
      %swap3A_434 = arith.index_cast %scan3A_425 : i32 to index
      %swap3A_435 = arith.index_cast %add3A_432 : i32 to index
      %swap3A_436 = tpu.vector_load %arg6[%swap3A_433, %swap3A_434, %swap3A_435] {strides = array<i32>} : memref<2x64x640xf32, #tpu.memory_space<vmem>>, vector<16xf32>,
      tpu.vector_store %arg6[%swap3A_433, %swap3A_434, %swap3A_435], %broadcast_in_dim3A_3 {strides = array<i32>} : memref<2x64x640xf32, #tpu.memory_space<vmem>>, vector<16xf32>,
      %add3A_437 = arith.constant 16 : i32
      %add3A_438 = arith.addi %mul3A_430, %add3A_437 : i32
      %swap3A_439 = arith.constant 0 : i32
      %swap3A_440 = arith.index_cast %swap3A_439 : i32 to index
      %swap3A_441 = arith.index_cast %scan3A_425 : i32 to index
      %swap3A_442 = arith.index_cast %add3A_438 : i32 to index
      %swap3A_443 = tpu.vector_load %arg6[%swap3A_440, %swap3A_441, %swap3A_442] {strides = array<i32>} : memref<2x64x640xf32, #tpu.memory_space<vmem>>, vector<16xf32>,
      tpu.vector_store %arg6[%swap3A_440, %swap3A_441, %swap3A_442], %broadcast_in_dim3A_3 {strides = array<i32>} : memref<2x64x640xf32, #tpu.memory_space<vmem>>, vector<16xf32>,
      %add3A_444 = arith.constant 32 : i32
      %add3A_445 = arith.addi %mul3A_430, %add3A_444 : i32
      %swap3A_446 = arith.constant 0 : i32
      %swap3A_447 = arith.index_cast %swap3A_446 : i32 to index
      %swap3A_448 = arith.index_cast %scan3A_425 : i32 to index
      %swap3A_449 = arith.index_cast %add3A_445 : i32 to index
      %swap3A_450 = tpu.vector_load %arg6[%swap3A_447, %swap3A_448, %swap3A_449] {strides = array<i32>} : memref<2x64x640xf32, #tpu.memory_space<vmem>>, vector<16xf32>,
      tpu.vector_store %arg6[%swap3A_447, %swap3A_448, %swap3A_449], %broadcast_in_dim3A_3 {strides = array<i32>} : memref<2x64x640xf32, #tpu.memory_space<vmem>>, vector<16xf32>,
      %add3A_451 = arith.constant 48 : i32
      %add3A_452 = arith.addi %mul3A_430, %add3A_451 : i32
      %swap3A_453 = arith.constant 0 : i32
      %swap3A_454 = arith.index_cast %swap3A_453 : i32 to index
      %swap3A_455 = arith.index_cast %scan3A_425 : i32 to index
      %swap3A_456 = arith.index_cast %add3A_452 : i32 to index
      %swap3A_457 = tpu.vector_load %arg6[%swap3A_454, %swap3A_455, %swap3A_456] {strides = array<i32>} : memref<2x64x640xf32, #tpu.memory_space<vmem>>, vector<16xf32>,
      tpu.vector_store %arg6[%swap3A_454, %swap3A_455, %swap3A_456], %broadcast_in_dim3A_3 {strides = array<i32>} : memref<2x64x640xf32, #tpu.memory_space<vmem>>, vector<16xf32>,
      %add3A_458 = arith.constant 64 : i32
      %add3A_459 = arith.addi %mul3A_430, %add3A_458 : i32
      %swap3A_460 = arith.constant 0 : i32
      %swap3A_461 = arith.index_cast %swap3A_460 : i32 to index
      %swap3A_462 = arith.index_cast %scan3A_425 : i32 to index
      %swap3A_463 = arith.index_cast %add3A_459 : i32 to index
      %swap3A_464 = tpu.vector_load %arg6[%swap3A_461, %swap3A_462, %swap3A_463] {strides = array<i32>} : memref<2x64x640xf32, #tpu.memory_space<vmem>>, vector<16xf32>,
      tpu.vector_store %arg6[%swap3A_461, %swap3A_462, %swap3A_463], %broadcast_in_dim3A_3 {strides = array<i32>} : memref<2x64x640xf32, #tpu.memory_space<vmem>>, vector<16xf32>,
      %add3A_465 = arith.constant 80 : i32
      %add3A_466 = arith.addi %mul3A_430, %add3A_465 : i32
      %swap3A_467 = arith.constant 0 : i32
      %swap3A_468 = arith.index_cast %swap3A_467 : i32 to index
      %swap3A_469 = arith.index_cast %scan3A_425 : i32 to index
      %swap3A_470 = arith.index_cast %add3A_466 : i32 to index
      %swap3A_471 = tpu.vector_load %arg6[%swap3A_468, %swap3A_469, %swap3A_470] {strides = array<i32>} : memref<2x64x640xf32, #tpu.memory_space<vmem>>, vector<16xf32>,
      tpu.vector_store %arg6[%swap3A_468, %swap3A_469, %swap3A_470], %broadcast_in_dim3A_3 {strides = array<i32>} : memref<2x64x640xf32, #tpu.memory_space<vmem>>, vector<16xf32>,
      %add3A_472 = arith.constant 96 : i32
      %add3A_473 = arith.addi %mul3A_430, %add3A_472 : i32
      %swap3A_474 = arith.constant 0 : i32
      %swap3A_475 = arith.index_cast %swap3A_474 : i32 to index
      %swap3A_476 = arith.index_cast %scan3A_425 : i32 to index
      %swap3A_477 = arith.index_cast %add3A_473 : i32 to index
      %swap3A_478 = tpu.vector_load %arg6[%swap3A_475, %swap3A_476, %swap3A_477] {strides = array<i32>} : memref<2x64x640xf32, #tpu.memory_space<vmem>>, vector<16xf32>,
      tpu.vector_store %arg6[%swap3A_475, %swap3A_476, %swap3A_477], %broadcast_in_dim3A_3 {strides = array<i32>} : memref<2x64x640xf32, #tpu.memory_space<vmem>>, vector<16xf32>,
      %add3A_479 = arith.constant 112 : i32
      %add3A_480 = arith.addi %mul3A_430, %add3A_479 : i32
      %swap3A_481 = arith.constant 0 : i32
      %swap3A_482 = arith.index_cast %swap3A_481 : i32 to index
      %swap3A_483 = arith.index_cast %scan3A_425 : i32 to index
      %swap3A_484 = arith.index_cast %add3A_480 : i32 to index
      %swap3A_485 = tpu.vector_load %arg6[%swap3A_482, %swap3A_483, %swap3A_484] {strides = array<i32>} : memref<2x64x640xf32, #tpu.memory_space<vmem>>, vector<16xf32>,
      tpu.vector_store %arg6[%swap3A_482, %swap3A_483, %swap3A_484], %broadcast_in_dim3A_3 {strides = array<i32>} : memref<2x64x640xf32, #tpu.memory_space<vmem>>, vector<16xf32>,
    }
    %scan3A_282 = arith.constant 64 : i32
    %add3A_283 = arith.constant 384 : i32
    %add3A_284 = arith.addi %mul3A_2, %add3A_283 : i32
    %scan3A_285 = arith.constant 0 : i32
    %scan3A_286 = arith.constant 64 : i32
    %scan3A_287 = arith.addi %scan3A_285, %scan3A_286 : i32
    %scan3A_288 = arith.constant 1 : i32
    scf.for %scan3A_425 = %scan3A_285 to %scan3A_287 step %scan3A_288  : i32 {
      %add3A_426 = arith.constant 384 : i32
      %add3A_427 = arith.addi %add3A_426, %scan3A_425 : i32
      %get3A = arith.index_cast %add3A_427 : i32 to index
      %get3A_428 = tpu.vector_load %arg5[%get3A] {strides = array<i32>} : memref<528xi32, #tpu.memory_space<vmem>>, vector<16xi32>,
      %slice3A = vector.extract_strided_slice %get3A_428 {offsets = [0], sizes = [1], strides = [1]} : vector<16xi32> to vector<1xi32>
      %squeeze3A = vector.extract %slice3A[0] : i32 from vector<1xi32>
      %mul3A_429 = arith.constant 128 : i32
      %mul3A_430 = arith.muli %squeeze3A, %mul3A_429 : i32
      %add3A_431 = arith.addi %add3A_284, %scan3A_425 : i32
      %dma_start3A_432 = arith.constant 0 : i32
      %dma_start3A_433 = tpu.memref_slice %arg6[%dma_start3A_432, %scan3A_425, %mul3A_430] : memref<2x64x640xf32, #tpu.memory_space<vmem>> -> memref<1x1x128xf32, #tpu.memory_space<vmem>>
      %dma_start3A_434 = tpu.memref_squeeze %dma_start3A_433 : memref<1x1x128xf32, #tpu.memory_space<vmem>> -> memref<1x128xf32, #tpu.memory_space<vmem>>
      %dma_start3A_435 = tpu.memref_slice %arg2[%add3A_431, %mul3A_430] : memref<16384x640xf32, #tpu.memory_space<hbm>> -> memref<1x128xf32, #tpu.memory_space<hbm>>
      %dma_start3A_436 = tpu.memref_slice %arg6[%dma_start3A_432, %scan3A_425, %mul3A_430] : memref<2x64x640xf32, #tpu.memory_space<vmem>> -> memref<1x1x128xf32, #tpu.memory_space<vmem>>
      %dma_start3A_437 = tpu.memref_squeeze %dma_start3A_436 : memref<1x1x128xf32, #tpu.memory_space<vmem>> -> memref<1x128xf32, #tpu.memory_space<vmem>>
      %dma_start3A_438 = tpu.memref_slice %arg2[%add3A_431, %mul3A_430] : memref<16384x640xf32, #tpu.memory_space<hbm>> -> memref<1x128xf32, #tpu.memory_space<hbm>>
      tpu.enqueue_dma source(%dma_start3A_438 : memref<1x128xf32, #tpu.memory_space<hbm>>) target(%dma_start3A_437 : memref<1x128xf32, #tpu.memory_space<vmem>>) target_semaphore(%arg7 : memref<!tpu.dma_semaphore, #tpu.memory_space<semaphore_mem>>)
    }
    %scan3A_289 = arith.constant 64 : i32
    %dma_wait3A_290 = arith.constant 1 : i32
    %dma_wait3A_291 = arith.constant 0 : i32
    %dma_wait3A_292 = arith.constant 0 : i32
    %dma_wait3A_293 = tpu.memref_slice %arg6[%dma_wait3A_290, %dma_wait3A_291, %dma_wait3A_292] : memref<2x64x640xf32, #tpu.memory_space<vmem>> -> memref<1x64x128xf32, #tpu.memory_space<vmem>>
    %dma_wait3A_294 = tpu.memref_squeeze %dma_wait3A_293 : memref<1x64x128xf32, #tpu.memory_space<vmem>> -> memref<64x128xf32, #tpu.memory_space<vmem>>
    %dma_wait3A_295 = arith.constant 0 : i32
    %dma_wait3A_296 = tpu.memref_slice %arg2[%mul3A_2, %dma_wait3A_295] : memref<16384x640xf32, #tpu.memory_space<hbm>> -> memref<64x128xf32, #tpu.memory_space<hbm>>
    %dma_wait3A_297 = arith.constant 0 : i32
    %dma_wait3A_298 = arith.constant 0 : i32
    %dma_wait3A_299 = tpu.memref_slice %arg6[%dma_wait3A_290, %dma_wait3A_297, %dma_wait3A_298] : memref<2x64x640xf32, #tpu.memory_space<vmem>> -> memref<1x64x128xf32, #tpu.memory_space<vmem>>
    %dma_wait3A_300 = tpu.memref_squeeze %dma_wait3A_299 : memref<1x64x128xf32, #tpu.memory_space<vmem>> -> memref<64x128xf32, #tpu.memory_space<vmem>>
    %dma_wait3A_301 = arith.constant 0 : i32
    %dma_wait3A_302 = tpu.memref_slice %arg2[%mul3A_2, %dma_wait3A_301] : memref<16384x640xf32, #tpu.memory_space<hbm>> -> memref<64x128xf32, #tpu.memory_space<hbm>>
    tpu.wait_dma2 semaphore(%arg8 : memref<!tpu.dma_semaphore, #tpu.memory_space<semaphore_mem>>) src(%dma_wait3A_302 : memref<64x128xf32, #tpu.memory_space<hbm>>) dst(%dma_wait3A_300 : memref<64x128xf32, #tpu.memory_space<vmem>>)
    %add3A_303 = arith.constant 320 : i32
    %add3A_304 = arith.addi %mul3A_2, %add3A_303 : i32
    %dma_start3A_305 = arith.constant 1 : i32
    %dma_start3A_306 = arith.constant 0 : i32
    %dma_start3A_307 = arith.constant 0 : i32
    %dma_start3A_308 = tpu.memref_slice %arg6[%dma_start3A_305, %dma_start3A_306, %dma_start3A_307] : memref<2x64x640xf32, #tpu.memory_space<vmem>> -> memref<1x64x640xf32, #tpu.memory_space<vmem>>
    %dma_start3A_309 = tpu.memref_squeeze %dma_start3A_308 : memref<1x64x640xf32, #tpu.memory_space<vmem>> -> memref<64x640xf32, #tpu.memory_space<vmem>>
    %dma_start3A_310 = arith.constant 0 : i32
    %dma_start3A_311 = tpu.memref_slice %arg4[%add3A_304, %dma_start3A_310] : memref<16384x640xf32, #tpu.memory_space<hbm>> -> memref<64x640xf32, #tpu.memory_space<hbm>>
    %dma_start3A_312 = arith.constant 0 : i32
    %dma_start3A_313 = tpu.memref_slice %arg4[%add3A_304, %dma_start3A_312] : memref<16384x640xf32, #tpu.memory_space<hbm>> -> memref<64x640xf32, #tpu.memory_space<hbm>>
    %dma_start3A_314 = arith.constant 0 : i32
    %dma_start3A_315 = arith.constant 0 : i32
    %dma_start3A_316 = tpu.memref_slice %arg6[%dma_start3A_305, %dma_start3A_314, %dma_start3A_315] : memref<2x64x640xf32, #tpu.memory_space<vmem>> -> memref<1x64x640xf32, #tpu.memory_space<vmem>>
    %dma_start3A_317 = tpu.memref_squeeze %dma_start3A_316 : memref<1x64x640xf32, #tpu.memory_space<vmem>> -> memref<64x640xf32, #tpu.memory_space<vmem>>
    tpu.enqueue_dma source(%dma_start3A_317 : memref<64x640xf32, #tpu.memory_space<vmem>>) target(%dma_start3A_313 : memref<64x640xf32, #tpu.memory_space<hbm>>) target_semaphore(%arg9 : memref<!tpu.dma_semaphore, #tpu.memory_space<semaphore_mem>>)
    %dma_wait3A_318 = arith.constant 0 : i32
    %dma_wait3A_319 = arith.constant 0 : i32
    %dma_wait3A_320 = arith.constant 0 : i32
    %dma_wait3A_321 = tpu.memref_slice %arg6[%dma_wait3A_318, %dma_wait3A_319, %dma_wait3A_320] : memref<2x64x640xf32, #tpu.memory_space<vmem>> -> memref<1x64x640xf32, #tpu.memory_space<vmem>>
    %dma_wait3A_322 = tpu.memref_squeeze %dma_wait3A_321 : memref<1x64x640xf32, #tpu.memory_space<vmem>> -> memref<64x640xf32, #tpu.memory_space<vmem>>
    %dma_wait3A_323 = arith.constant 0 : i32
    %dma_wait3A_324 = tpu.memref_slice %arg4[%mul3A_2, %dma_wait3A_323] : memref<16384x640xf32, #tpu.memory_space<hbm>> -> memref<64x640xf32, #tpu.memory_space<hbm>>
    %dma_wait3A_325 = arith.constant 0 : i32
    %dma_wait3A_326 = tpu.memref_slice %arg4[%mul3A_2, %dma_wait3A_325] : memref<16384x640xf32, #tpu.memory_space<hbm>> -> memref<64x640xf32, #tpu.memory_space<hbm>>
    %dma_wait3A_327 = arith.constant 0 : i32
    %dma_wait3A_328 = arith.constant 0 : i32
    %dma_wait3A_329 = tpu.memref_slice %arg6[%dma_wait3A_318, %dma_wait3A_327, %dma_wait3A_328] : memref<2x64x640xf32, #tpu.memory_space<vmem>> -> memref<1x64x640xf32, #tpu.memory_space<vmem>>
    %dma_wait3A_330 = tpu.memref_squeeze %dma_wait3A_329 : memref<1x64x640xf32, #tpu.memory_space<vmem>> -> memref<64x640xf32, #tpu.memory_space<vmem>>
    tpu.wait_dma2 semaphore(%arg9 : memref<!tpu.dma_semaphore, #tpu.memory_space<semaphore_mem>>) src(%dma_wait3A_330 : memref<64x640xf32, #tpu.memory_space<vmem>>) dst(%dma_wait3A_326 : memref<64x640xf32, #tpu.memory_space<hbm>>)
    %scan3A_331 = arith.constant 0 : i32
    %scan3A_332 = arith.constant 64 : i32
    %scan3A_333 = arith.addi %scan3A_331, %scan3A_332 : i32
    %scan3A_334 = arith.constant 1 : i32
    scf.for %scan3A_425 = %scan3A_331 to %scan3A_333 step %scan3A_334  : i32 {
      %add3A_426 = arith.constant 320 : i32
      %add3A_427 = arith.addi %add3A_426, %scan3A_425 : i32
      %get3A = arith.index_cast %add3A_427 : i32 to index
      %get3A_428 = tpu.vector_load %arg5[%get3A] {strides = array<i32>} : memref<528xi32, #tpu.memory_space<vmem>>, vector<16xi32>,
      %slice3A = vector.extract_strided_slice %get3A_428 {offsets = [0], sizes = [1], strides = [1]} : vector<16xi32> to vector<1xi32>
      %squeeze3A = vector.extract %slice3A[0] : i32 from vector<1xi32>
      %mul3A_429 = arith.constant 128 : i32
      %mul3A_430 = arith.muli %squeeze3A, %mul3A_429 : i32
      %add3A_431 = arith.constant 0 : i32
      %add3A_432 = arith.addi %mul3A_430, %add3A_431 : i32
      %swap3A = arith.constant 1 : i32
      %swap3A_433 = arith.index_cast %swap3A : i32 to index
      %swap3A_434 = arith.index_cast %scan3A_425 : i32 to index
      %swap3A_435 = arith.index_cast %add3A_432 : i32 to index
      %swap3A_436 = tpu.vector_load %arg6[%swap3A_433, %swap3A_434, %swap3A_435] {strides = array<i32>} : memref<2x64x640xf32, #tpu.memory_space<vmem>>, vector<16xf32>,
      tpu.vector_store %arg6[%swap3A_433, %swap3A_434, %swap3A_435], %broadcast_in_dim3A_3 {strides = array<i32>} : memref<2x64x640xf32, #tpu.memory_space<vmem>>, vector<16xf32>,
      %add3A_437 = arith.constant 16 : i32
      %add3A_438 = arith.addi %mul3A_430, %add3A_437 : i32
      %swap3A_439 = arith.constant 1 : i32
      %swap3A_440 = arith.index_cast %swap3A_439 : i32 to index
      %swap3A_441 = arith.index_cast %scan3A_425 : i32 to index
      %swap3A_442 = arith.index_cast %add3A_438 : i32 to index
      %swap3A_443 = tpu.vector_load %arg6[%swap3A_440, %swap3A_441, %swap3A_442] {strides = array<i32>} : memref<2x64x640xf32, #tpu.memory_space<vmem>>, vector<16xf32>,
      tpu.vector_store %arg6[%swap3A_440, %swap3A_441, %swap3A_442], %broadcast_in_dim3A_3 {strides = array<i32>} : memref<2x64x640xf32, #tpu.memory_space<vmem>>, vector<16xf32>,
      %add3A_444 = arith.constant 32 : i32
      %add3A_445 = arith.addi %mul3A_430, %add3A_444 : i32
      %swap3A_446 = arith.constant 1 : i32
      %swap3A_447 = arith.index_cast %swap3A_446 : i32 to index
      %swap3A_448 = arith.index_cast %scan3A_425 : i32 to index
      %swap3A_449 = arith.index_cast %add3A_445 : i32 to index
      %swap3A_450 = tpu.vector_load %arg6[%swap3A_447, %swap3A_448, %swap3A_449] {strides = array<i32>} : memref<2x64x640xf32, #tpu.memory_space<vmem>>, vector<16xf32>,
      tpu.vector_store %arg6[%swap3A_447, %swap3A_448, %swap3A_449], %broadcast_in_dim3A_3 {strides = array<i32>} : memref<2x64x640xf32, #tpu.memory_space<vmem>>, vector<16xf32>,
      %add3A_451 = arith.constant 48 : i32
      %add3A_452 = arith.addi %mul3A_430, %add3A_451 : i32
      %swap3A_453 = arith.constant 1 : i32
      %swap3A_454 = arith.index_cast %swap3A_453 : i32 to index
      %swap3A_455 = arith.index_cast %scan3A_425 : i32 to index
      %swap3A_456 = arith.index_cast %add3A_452 : i32 to index
      %swap3A_457 = tpu.vector_load %arg6[%swap3A_454, %swap3A_455, %swap3A_456] {strides = array<i32>} : memref<2x64x640xf32, #tpu.memory_space<vmem>>, vector<16xf32>,
      tpu.vector_store %arg6[%swap3A_454, %swap3A_455, %swap3A_456], %broadcast_in_dim3A_3 {strides = array<i32>} : memref<2x64x640xf32, #tpu.memory_space<vmem>>, vector<16xf32>,
      %add3A_458 = arith.constant 64 : i32
      %add3A_459 = arith.addi %mul3A_430, %add3A_458 : i32
      %swap3A_460 = arith.constant 1 : i32
      %swap3A_461 = arith.index_cast %swap3A_460 : i32 to index
      %swap3A_462 = arith.index_cast %scan3A_425 : i32 to index
      %swap3A_463 = arith.index_cast %add3A_459 : i32 to index
      %swap3A_464 = tpu.vector_load %arg6[%swap3A_461, %swap3A_462, %swap3A_463] {strides = array<i32>} : memref<2x64x640xf32, #tpu.memory_space<vmem>>, vector<16xf32>,
      tpu.vector_store %arg6[%swap3A_461, %swap3A_462, %swap3A_463], %broadcast_in_dim3A_3 {strides = array<i32>} : memref<2x64x640xf32, #tpu.memory_space<vmem>>, vector<16xf32>,
      %add3A_465 = arith.constant 80 : i32
      %add3A_466 = arith.addi %mul3A_430, %add3A_465 : i32
      %swap3A_467 = arith.constant 1 : i32
      %swap3A_468 = arith.index_cast %swap3A_467 : i32 to index
      %swap3A_469 = arith.index_cast %scan3A_425 : i32 to index
      %swap3A_470 = arith.index_cast %add3A_466 : i32 to index
      %swap3A_471 = tpu.vector_load %arg6[%swap3A_468, %swap3A_469, %swap3A_470] {strides = array<i32>} : memref<2x64x640xf32, #tpu.memory_space<vmem>>, vector<16xf32>,
      tpu.vector_store %arg6[%swap3A_468, %swap3A_469, %swap3A_470], %broadcast_in_dim3A_3 {strides = array<i32>} : memref<2x64x640xf32, #tpu.memory_space<vmem>>, vector<16xf32>,
      %add3A_472 = arith.constant 96 : i32
      %add3A_473 = arith.addi %mul3A_430, %add3A_472 : i32
      %swap3A_474 = arith.constant 1 : i32
      %swap3A_475 = arith.index_cast %swap3A_474 : i32 to index
      %swap3A_476 = arith.index_cast %scan3A_425 : i32 to index
      %swap3A_477 = arith.index_cast %add3A_473 : i32 to index
      %swap3A_478 = tpu.vector_load %arg6[%swap3A_475, %swap3A_476, %swap3A_477] {strides = array<i32>} : memref<2x64x640xf32, #tpu.memory_space<vmem>>, vector<16xf32>,
      tpu.vector_store %arg6[%swap3A_475, %swap3A_476, %swap3A_477], %broadcast_in_dim3A_3 {strides = array<i32>} : memref<2x64x640xf32, #tpu.memory_space<vmem>>, vector<16xf32>,
      %add3A_479 = arith.constant 112 : i32
      %add3A_480 = arith.addi %mul3A_430, %add3A_479 : i32
      %swap3A_481 = arith.constant 1 : i32
      %swap3A_482 = arith.index_cast %swap3A_481 : i32 to index
      %swap3A_483 = arith.index_cast %scan3A_425 : i32 to index
      %swap3A_484 = arith.index_cast %add3A_480 : i32 to index
      %swap3A_485 = tpu.vector_load %arg6[%swap3A_482, %swap3A_483, %swap3A_484] {strides = array<i32>} : memref<2x64x640xf32, #tpu.memory_space<vmem>>, vector<16xf32>,
      tpu.vector_store %arg6[%swap3A_482, %swap3A_483, %swap3A_484], %broadcast_in_dim3A_3 {strides = array<i32>} : memref<2x64x640xf32, #tpu.memory_space<vmem>>, vector<16xf32>,
    }
    %scan3A_335 = arith.constant 64 : i32
    %add3A_336 = arith.constant 448 : i32
    %add3A_337 = arith.addi %mul3A_2, %add3A_336 : i32
    %scan3A_338 = arith.constant 0 : i32
    %scan3A_339 = arith.constant 64 : i32
    %scan3A_340 = arith.addi %scan3A_338, %scan3A_339 : i32
    %scan3A_341 = arith.constant 1 : i32
    scf.for %scan3A_425 = %scan3A_338 to %scan3A_340 step %scan3A_341  : i32 {
      %add3A_426 = arith.constant 448 : i32
      %add3A_427 = arith.addi %add3A_426, %scan3A_425 : i32
      %get3A = arith.index_cast %add3A_427 : i32 to index
      %get3A_428 = tpu.vector_load %arg5[%get3A] {strides = array<i32>} : memref<528xi32, #tpu.memory_space<vmem>>, vector<16xi32>,
      %slice3A = vector.extract_strided_slice %get3A_428 {offsets = [0], sizes = [1], strides = [1]} : vector<16xi32> to vector<1xi32>
      %squeeze3A = vector.extract %slice3A[0] : i32 from vector<1xi32>
      %mul3A_429 = arith.constant 128 : i32
      %mul3A_430 = arith.muli %squeeze3A, %mul3A_429 : i32
      %add3A_431 = arith.addi %add3A_337, %scan3A_425 : i32
      %dma_start3A_432 = arith.constant 1 : i32
      %dma_start3A_433 = tpu.memref_slice %arg6[%dma_start3A_432, %scan3A_425, %mul3A_430] : memref<2x64x640xf32, #tpu.memory_space<vmem>> -> memref<1x1x128xf32, #tpu.memory_space<vmem>>
      %dma_start3A_434 = tpu.memref_squeeze %dma_start3A_433 : memref<1x1x128xf32, #tpu.memory_space<vmem>> -> memref<1x128xf32, #tpu.memory_space<vmem>>
      %dma_start3A_435 = tpu.memref_slice %arg2[%add3A_431, %mul3A_430] : memref<16384x640xf32, #tpu.memory_space<hbm>> -> memref<1x128xf32, #tpu.memory_space<hbm>>
      %dma_start3A_436 = tpu.memref_slice %arg6[%dma_start3A_432, %scan3A_425, %mul3A_430] : memref<2x64x640xf32, #tpu.memory_space<vmem>> -> memref<1x1x128xf32, #tpu.memory_space<vmem>>
      %dma_start3A_437 = tpu.memref_squeeze %dma_start3A_436 : memref<1x1x128xf32, #tpu.memory_space<vmem>> -> memref<1x128xf32, #tpu.memory_space<vmem>>
      %dma_start3A_438 = tpu.memref_slice %arg2[%add3A_431, %mul3A_430] : memref<16384x640xf32, #tpu.memory_space<hbm>> -> memref<1x128xf32, #tpu.memory_space<hbm>>
      tpu.enqueue_dma source(%dma_start3A_438 : memref<1x128xf32, #tpu.memory_space<hbm>>) target(%dma_start3A_437 : memref<1x128xf32, #tpu.memory_space<vmem>>) target_semaphore(%arg8 : memref<!tpu.dma_semaphore, #tpu.memory_space<semaphore_mem>>)
    }
    %scan3A_342 = arith.constant 64 : i32
    %dma_wait3A_343 = arith.constant 0 : i32
    %dma_wait3A_344 = arith.constant 0 : i32
    %dma_wait3A_345 = arith.constant 0 : i32
    %dma_wait3A_346 = tpu.memref_slice %arg6[%dma_wait3A_343, %dma_wait3A_344, %dma_wait3A_345] : memref<2x64x640xf32, #tpu.memory_space<vmem>> -> memref<1x64x128xf32, #tpu.memory_space<vmem>>
    %dma_wait3A_347 = tpu.memref_squeeze %dma_wait3A_346 : memref<1x64x128xf32, #tpu.memory_space<vmem>> -> memref<64x128xf32, #tpu.memory_space<vmem>>
    %dma_wait3A_348 = arith.constant 0 : i32
    %dma_wait3A_349 = tpu.memref_slice %arg2[%mul3A_2, %dma_wait3A_348] : memref<16384x640xf32, #tpu.memory_space<hbm>> -> memref<64x128xf32, #tpu.memory_space<hbm>>
    %dma_wait3A_350 = arith.constant 0 : i32
    %dma_wait3A_351 = arith.constant 0 : i32
    %dma_wait3A_352 = tpu.memref_slice %arg6[%dma_wait3A_343, %dma_wait3A_350, %dma_wait3A_351] : memref<2x64x640xf32, #tpu.memory_space<vmem>> -> memref<1x64x128xf32, #tpu.memory_space<vmem>>
    %dma_wait3A_353 = tpu.memref_squeeze %dma_wait3A_352 : memref<1x64x128xf32, #tpu.memory_space<vmem>> -> memref<64x128xf32, #tpu.memory_space<vmem>>
    %dma_wait3A_354 = arith.constant 0 : i32
    %dma_wait3A_355 = tpu.memref_slice %arg2[%mul3A_2, %dma_wait3A_354] : memref<16384x640xf32, #tpu.memory_space<hbm>> -> memref<64x128xf32, #tpu.memory_space<hbm>>
    tpu.wait_dma2 semaphore(%arg7 : memref<!tpu.dma_semaphore, #tpu.memory_space<semaphore_mem>>) src(%dma_wait3A_355 : memref<64x128xf32, #tpu.memory_space<hbm>>) dst(%dma_wait3A_353 : memref<64x128xf32, #tpu.memory_space<vmem>>)
    %add3A_356 = arith.constant 384 : i32
    %add3A_357 = arith.addi %mul3A_2, %add3A_356 : i32
    %dma_start3A_358 = arith.constant 0 : i32
    %dma_start3A_359 = arith.constant 0 : i32
    %dma_start3A_360 = arith.constant 0 : i32
    %dma_start3A_361 = tpu.memref_slice %arg6[%dma_start3A_358, %dma_start3A_359, %dma_start3A_360] : memref<2x64x640xf32, #tpu.memory_space<vmem>> -> memref<1x64x640xf32, #tpu.memory_space<vmem>>
    %dma_start3A_362 = tpu.memref_squeeze %dma_start3A_361 : memref<1x64x640xf32, #tpu.memory_space<vmem>> -> memref<64x640xf32, #tpu.memory_space<vmem>>
    %dma_start3A_363 = arith.constant 0 : i32
    %dma_start3A_364 = tpu.memref_slice %arg4[%add3A_357, %dma_start3A_363] : memref<16384x640xf32, #tpu.memory_space<hbm>> -> memref<64x640xf32, #tpu.memory_space<hbm>>
    %dma_start3A_365 = arith.constant 0 : i32
    %dma_start3A_366 = tpu.memref_slice %arg4[%add3A_357, %dma_start3A_365] : memref<16384x640xf32, #tpu.memory_space<hbm>> -> memref<64x640xf32, #tpu.memory_space<hbm>>
    %dma_start3A_367 = arith.constant 0 : i32
    %dma_start3A_368 = arith.constant 0 : i32
    %dma_start3A_369 = tpu.memref_slice %arg6[%dma_start3A_358, %dma_start3A_367, %dma_start3A_368] : memref<2x64x640xf32, #tpu.memory_space<vmem>> -> memref<1x64x640xf32, #tpu.memory_space<vmem>>
    %dma_start3A_370 = tpu.memref_squeeze %dma_start3A_369 : memref<1x64x640xf32, #tpu.memory_space<vmem>> -> memref<64x640xf32, #tpu.memory_space<vmem>>
    tpu.enqueue_dma source(%dma_start3A_370 : memref<64x640xf32, #tpu.memory_space<vmem>>) target(%dma_start3A_366 : memref<64x640xf32, #tpu.memory_space<hbm>>) target_semaphore(%arg9 : memref<!tpu.dma_semaphore, #tpu.memory_space<semaphore_mem>>)
    %dma_wait3A_371 = arith.constant 1 : i32
    %dma_wait3A_372 = arith.constant 0 : i32
    %dma_wait3A_373 = arith.constant 0 : i32
    %dma_wait3A_374 = tpu.memref_slice %arg6[%dma_wait3A_371, %dma_wait3A_372, %dma_wait3A_373] : memref<2x64x640xf32, #tpu.memory_space<vmem>> -> memref<1x64x128xf32, #tpu.memory_space<vmem>>
    %dma_wait3A_375 = tpu.memref_squeeze %dma_wait3A_374 : memref<1x64x128xf32, #tpu.memory_space<vmem>> -> memref<64x128xf32, #tpu.memory_space<vmem>>
    %dma_wait3A_376 = arith.constant 0 : i32
    %dma_wait3A_377 = tpu.memref_slice %arg2[%mul3A_2, %dma_wait3A_376] : memref<16384x640xf32, #tpu.memory_space<hbm>> -> memref<64x128xf32, #tpu.memory_space<hbm>>
    %dma_wait3A_378 = arith.constant 0 : i32
    %dma_wait3A_379 = arith.constant 0 : i32
    %dma_wait3A_380 = tpu.memref_slice %arg6[%dma_wait3A_371, %dma_wait3A_378, %dma_wait3A_379] : memref<2x64x640xf32, #tpu.memory_space<vmem>> -> memref<1x64x128xf32, #tpu.memory_space<vmem>>
    %dma_wait3A_381 = tpu.memref_squeeze %dma_wait3A_380 : memref<1x64x128xf32, #tpu.memory_space<vmem>> -> memref<64x128xf32, #tpu.memory_space<vmem>>
    %dma_wait3A_382 = arith.constant 0 : i32
    %dma_wait3A_383 = tpu.memref_slice %arg2[%mul3A_2, %dma_wait3A_382] : memref<16384x640xf32, #tpu.memory_space<hbm>> -> memref<64x128xf32, #tpu.memory_space<hbm>>
    tpu.wait_dma2 semaphore(%arg8 : memref<!tpu.dma_semaphore, #tpu.memory_space<semaphore_mem>>) src(%dma_wait3A_383 : memref<64x128xf32, #tpu.memory_space<hbm>>) dst(%dma_wait3A_381 : memref<64x128xf32, #tpu.memory_space<vmem>>)
    %add3A_384 = arith.constant 448 : i32
    %add3A_385 = arith.addi %mul3A_2, %add3A_384 : i32
    %dma_start3A_386 = arith.constant 1 : i32
    %dma_start3A_387 = arith.constant 0 : i32
    %dma_start3A_388 = arith.constant 0 : i32
    %dma_start3A_389 = tpu.memref_slice %arg6[%dma_start3A_386, %dma_start3A_387, %dma_start3A_388] : memref<2x64x640xf32, #tpu.memory_space<vmem>> -> memref<1x64x640xf32, #tpu.memory_space<vmem>>
    %dma_start3A_390 = tpu.memref_squeeze %dma_start3A_389 : memref<1x64x640xf32, #tpu.memory_space<vmem>> -> memref<64x640xf32, #tpu.memory_space<vmem>>
    %dma_start3A_391 = arith.constant 0 : i32
    %dma_start3A_392 = tpu.memref_slice %arg4[%add3A_385, %dma_start3A_391] : memref<16384x640xf32, #tpu.memory_space<hbm>> -> memref<64x640xf32, #tpu.memory_space<hbm>>
    %dma_start3A_393 = arith.constant 0 : i32
    %dma_start3A_394 = tpu.memref_slice %arg4[%add3A_385, %dma_start3A_393] : memref<16384x640xf32, #tpu.memory_space<hbm>> -> memref<64x640xf32, #tpu.memory_space<hbm>>
    %dma_start3A_395 = arith.constant 0 : i32
    %dma_start3A_396 = arith.constant 0 : i32
    %dma_start3A_397 = tpu.memref_slice %arg6[%dma_start3A_386, %dma_start3A_395, %dma_start3A_396] : memref<2x64x640xf32, #tpu.memory_space<vmem>> -> memref<1x64x640xf32, #tpu.memory_space<vmem>>
    %dma_start3A_398 = tpu.memref_squeeze %dma_start3A_397 : memref<1x64x640xf32, #tpu.memory_space<vmem>> -> memref<64x640xf32, #tpu.memory_space<vmem>>
    tpu.enqueue_dma source(%dma_start3A_398 : memref<64x640xf32, #tpu.memory_space<vmem>>) target(%dma_start3A_394 : memref<64x640xf32, #tpu.memory_space<hbm>>) target_semaphore(%arg9 : memref<!tpu.dma_semaphore, #tpu.memory_space<semaphore_mem>>)
    %dma_wait3A_399 = arith.constant 0 : i32
    %dma_wait3A_400 = arith.constant 0 : i32
    %dma_wait3A_401 = arith.constant 0 : i32
    %dma_wait3A_402 = tpu.memref_slice %arg6[%dma_wait3A_399, %dma_wait3A_400, %dma_wait3A_401] : memref<2x64x640xf32, #tpu.memory_space<vmem>> -> memref<1x64x640xf32, #tpu.memory_space<vmem>>
    %dma_wait3A_403 = tpu.memref_squeeze %dma_wait3A_402 : memref<1x64x640xf32, #tpu.memory_space<vmem>> -> memref<64x640xf32, #tpu.memory_space<vmem>>
    %dma_wait3A_404 = arith.constant 0 : i32
    %dma_wait3A_405 = tpu.memref_slice %arg4[%mul3A_2, %dma_wait3A_404] : memref<16384x640xf32, #tpu.memory_space<hbm>> -> memref<64x640xf32, #tpu.memory_space<hbm>>
    %dma_wait3A_406 = arith.constant 0 : i32
    %dma_wait3A_407 = tpu.memref_slice %arg4[%mul3A_2, %dma_wait3A_406] : memref<16384x640xf32, #tpu.memory_space<hbm>> -> memref<64x640xf32, #tpu.memory_space<hbm>>
    %dma_wait3A_408 = arith.constant 0 : i32
    %dma_wait3A_409 = arith.constant 0 : i32
    %dma_wait3A_410 = tpu.memref_slice %arg6[%dma_wait3A_399, %dma_wait3A_408, %dma_wait3A_409] : memref<2x64x640xf32, #tpu.memory_space<vmem>> -> memref<1x64x640xf32, #tpu.memory_space<vmem>>
    %dma_wait3A_411 = tpu.memref_squeeze %dma_wait3A_410 : memref<1x64x640xf32, #tpu.memory_space<vmem>> -> memref<64x640xf32, #tpu.memory_space<vmem>>
    tpu.wait_dma2 semaphore(%arg9 : memref<!tpu.dma_semaphore, #tpu.memory_space<semaphore_mem>>) src(%dma_wait3A_411 : memref<64x640xf32, #tpu.memory_space<vmem>>) dst(%dma_wait3A_407 : memref<64x640xf32, #tpu.memory_space<hbm>>)
    %dma_wait3A_412 = arith.constant 0 : i32
    %dma_wait3A_413 = arith.constant 0 : i32
    %dma_wait3A_414 = arith.constant 0 : i32
    %dma_wait3A_415 = tpu.memref_slice %arg6[%dma_wait3A_412, %dma_wait3A_413, %dma_wait3A_414] : memref<2x64x640xf32, #tpu.memory_space<vmem>> -> memref<1x64x640xf32, #tpu.memory_space<vmem>>
    %dma_wait3A_416 = tpu.memref_squeeze %dma_wait3A_415 : memref<1x64x640xf32, #tpu.memory_space<vmem>> -> memref<64x640xf32, #tpu.memory_space<vmem>>
    %dma_wait3A_417 = arith.constant 0 : i32
    %dma_wait3A_418 = tpu.memref_slice %arg4[%mul3A_2, %dma_wait3A_417] : memref<16384x640xf32, #tpu.memory_space<hbm>> -> memref<64x640xf32, #tpu.memory_space<hbm>>
    %dma_wait3A_419 = arith.constant 0 : i32
    %dma_wait3A_420 = tpu.memref_slice %arg4[%mul3A_2, %dma_wait3A_419] : memref<16384x640xf32, #tpu.memory_space<hbm>> -> memref<64x640xf32, #tpu.memory_space<hbm>>
    %dma_wait3A_421 = arith.constant 0 : i32
    %dma_wait3A_422 = arith.constant 0 : i32
    %dma_wait3A_423 = tpu.memref_slice %arg6[%dma_wait3A_412, %dma_wait3A_421, %dma_wait3A_422] : memref<2x64x640xf32, #tpu.memory_space<vmem>> -> memref<1x64x640xf32, #tpu.memory_space<vmem>>
    %dma_wait3A_424 = tpu.memref_squeeze %dma_wait3A_423 : memref<1x64x640xf32, #tpu.memory_space<vmem>> -> memref<64x640xf32, #tpu.memory_space<vmem>>
    tpu.wait_dma2 semaphore(%arg9 : memref<!tpu.dma_semaphore, #tpu.memory_space<semaphore_mem>>) src(%dma_wait3A_424 : memref<64x640xf32, #tpu.memory_space<vmem>>) dst(%dma_wait3A_420 : memref<64x640xf32, #tpu.memory_space<hbm>>)
    return
  }
}

</mosaic_0001>

<sc_bundles>
// kernel: kernel.3.cloned.1.call-start
scs
__scs_entry_jumppad:
0x0: {  	(pc) =	sbr.rel $0x88, $3  }
0x1: {  	(tag) =	ssettag $0x0;
	lr =	simm.s32 $0x1  }
0x2: {  	[smem:$0x3F9F] =	sst lr;
	_ =	strace $0xD0000000  }
0x3: {  	_ = 	snop  }
0x4: {  	_ = 	snop  }
0x5: {  	_ = 	snop  }
0x6: {  	_ = 	snop  }
0x7: {  	_ = 	snop  }
__scs_overlays_trampoline_lowered:
0x8: {  	[smem:$0x3FAE] =	sst s0  }
0x9: {  	[smem:$0x3FAF] =	sst s1  }
0xa: {  	[smem:$0x3FB0] =	sst s2  }
0xb: {  	[smem:$0x3FB1] =	sst s3  }
0xc: {  	[smem:$0x3FB2] =	sst s4  }
0xd: {  	[smem:$0x3FB3] =	sst s5  }
0xe: {  	[smem:$0x3FB4] =	sst s6  }
0xf: {  	[smem:$0x3FB5] =	sst s7  }
0x10: {  	[smem:$0x3FB6] =	sst s8  }
0x11: {  	[smem:$0x3FB7] =	sst s9;
	s0 =	simm.s32 @!p0 $0x0  }
0x12: {  	s1 =	sld [smem:$0x3F9D];
	s0 =	simm.s32 @p0 $0x1  }
0x13: {  	[smem:$0x3FB8] =	sst s0;
	s0 =	simm.s32 @!p1 $0x0  }
0x14: {  	s2 =	sld [smem:$0x3F9C];
	s0 =	simm.s32 @p1 $0x1  }
0x15: {  	[smem:$0x3FB9] =	sst s0;
	s0 =	simm.s32 @!p2 $0x0  }
0x16: {  	s3 =	sld [smem:$0x3FDB];
	s0 =	simm.s32 @p2 $0x1  }
0x17: {  	s4 =	simm.s32 $0x1BF5;
	[smem:$0x3FBB] =	sst s0  }
0x18: {  	s0 =	sld [smem:$0x3F9E];
	_ =	swait.ge [sflag:s4], $0x0  }
0x19: {  	s7 =	sld [smem:$0x3F9F]  }
0x1a: {  	s8 =	sadd.s32 $0xFFFFE003, lr  }
0x1b: {  	s9 =	sadd.s32 $0xFFFFFEF7, lr;
	s5 =	simm.s32 $0xFFFFFFFF;
	p2 =	slt.u32 s8, $0xFFFFF086  }
0x1c: {  	p1 =	slt.u32 s9, $0xF7A;
	s5 =	simm.s32 @!p2 $0x0  }
0x1d: {  	s5 =	simm.s32 @p1 $0x1;
	p0 =	seq.s32 s7, s2  }
0x1e: {  	s7 =	smul.u32 @!p0 $0xF7A, s2;
	p2 =	seq.s32 @!p0 s5, $0x0  }
0x1f: {  	s9 =	smul.u32 $0xF7A, s1;
	s8 =	simm.s32 @!p0 $0x1BF5;
	p2 =	por !p2, p0  }
0x20: {  	[sflag:s8] =	ssyncset.s32 @!p0 $0xFFFFF086;
	s6 =	sadd.s32 @!p0 s3, s7;
	s7 =	simm.s32 @!p0 $0x108  }
0x21: {  	s3 =	sadd.s32 s3, s9;
	s6 =	sadd.s32 @!p0 $0x88, s6;
	s7 =	simm.s32 @p2 $0x1082  }
0x22: {  	[simem:s7], [sflag:s8] =	dma.local @!p0 [hbm:s6], $0xF7A  }
0x23: {  	s9 =	sor.u32 $0xD0000000, s2;
	s6 =	simm.s32 $0x108;
	_ =	swait.ge @!p0 [sflag:s8], $0x0  }
0x24: {  	s3 =	sadd.s32 $0x88, s3;
	s6 =	simm.s32 @!p1 $0x1082;
	[sflag:s4] =	ssyncset.s32 $0xFFFFF086  }
0x25: {  	[simem:s6], [sflag:s4] =	dma.local [hbm:s3], $0xF7A  }
0x26: {  	[smem:$0x3F9F] =	sst s1;
	(tag) =	ssettag s2;
	_ =	strace s9  }
0x27: {  	s1 =	sld [smem:$0x3FAF]  }
0x28: {  	s2 =	sld [smem:$0x3FB0]  }
0x29: {  	s4 =	sld [smem:$0x3FB2]  }
0x2a: {  	p0 =	seq.s32 s5, $0x0;
	s5 =	sld [smem:$0x3FB3]  }
0x2b: {  	s6 =	sld [smem:$0x3FB4]  }
0x2c: {  	s7 =	sld [smem:$0x3FB5]  }
0x2d: {  	s3 =	simm.s32 $0x108;
	s8 =	sld [smem:$0x3FB6]  }
0x2e: {  	s3 =	simm.s32 @!p0 $0x1082;
	s9 =	sld [smem:$0x3FB7]  }
0x2f: {  	lr =	sadd.s32 s0, s3;
	s0 =	sld [smem:$0x3FAE]  }
0x30: {  	s3 =	sld [smem:$0x3FB1]  }
0x31: {  	[smem:$0x3FBA] =	sst s10  }
0x32: {  	s10 =	sld [smem:$0x3FB8];
	_ =	sdelay $0x3  }
0x33: {  	p0 =	seq.s32 s10, $0x1;
	s10 =	sld [smem:$0x3FBA];
	_ =	sdelay $0x3  }
0x34: {  	[smem:$0x3FBA] =	sst s10  }
0x35: {  	s10 =	sld [smem:$0x3FB9];
	_ =	sdelay $0x3  }
0x36: {  	p1 =	seq.s32 s10, $0x1;
	s10 =	sld [smem:$0x3FBA];
	_ =	sdelay $0x3  }
0x37: {  	[smem:$0x3FBA] =	sst s10  }
0x38: {  	s10 =	sld [smem:$0x3FBB]  }
0x39: {  	_ = 	snop;
	(pc) =	sbr.ind lr, $3  }
0x3a: {  	_ = 	snop  }
0x3b: {  	_ = 	snop  }
0x3c: {  	p2 =	seq.s32 s10, $0x1;
	s10 =	sld [smem:$0x3FBA]  }
0x3d: {  	_ =	shalt  }
0x3e: {  	_ =	shalt  }
0x3f: {  	_ =	shalt  }
0x40: {  	_ =	shalt  }
0x41: {  	_ =	shalt  }
0x42: {  	_ =	shalt  }
0x43: {  	_ =	shalt  }
0x44: {  	_ =	shalt  }
0x45: {  	_ =	shalt  }
0x46: {  	_ =	shalt  }
0x47: {  	_ =	shalt  }
0x48: {  	_ =	shalt  }
0x49: {  	_ =	shalt  }
0x4a: {  	_ =	shalt  }
0x4b: {  	_ =	shalt  }
0x4c: {  	_ =	shalt  }
0x4d: {  	_ =	shalt  }
0x4e: {  	_ =	shalt  }
0x4f: {  	_ =	shalt  }
0x50: {  	_ =	shalt  }
0x51: {  	_ =	shalt  }
0x52: {  	_ =	shalt  }
0x53: {  	_ =	shalt  }
0x54: {  	_ =	shalt  }
0x55: {  	_ =	shalt  }
0x56: {  	_ =	shalt  }
0x57: {  	_ =	shalt  }
0x58: {  	_ =	shalt  }
0x59: {  	_ =	shalt  }
0x5a: {  	_ =	shalt  }
0x5b: {  	_ =	shalt  }
0x5c: {  	_ =	shalt  }
0x5d: {  	_ =	shalt  }
0x5e: {  	_ =	shalt  }
0x5f: {  	_ =	shalt  }
0x60: {  	_ =	shalt  }
0x61: {  	_ =	shalt  }
0x62: {  	_ =	shalt  }
0x63: {  	_ =	shalt  }
0x64: {  	_ =	shalt  }
0x65: {  	_ =	shalt  }
0x66: {  	_ =	shalt  }
0x67: {  	_ =	shalt  }
0x68: {  	_ =	shalt  }
0x69: {  	_ =	shalt  }
0x6a: {  	_ =	shalt  }
0x6b: {  	_ =	shalt  }
0x6c: {  	_ =	shalt  }
0x6d: {  	_ =	shalt  }
0x6e: {  	_ =	shalt  }
0x6f: {  	_ =	shalt  }
0x70: {  	_ =	shalt  }
0x71: {  	_ =	shalt  }
0x72: {  	_ =	shalt  }
0x73: {  	_ =	shalt  }
0x74: {  	_ =	shalt  }
0x75: {  	_ =	shalt  }
0x76: {  	_ =	shalt  }
0x77: {  	_ =	shalt  }
0x78: {  	_ =	shalt  }
0x79: {  	_ =	shalt  }
0x7a: {  	_ =	shalt  }
0x7b: {  	_ =	shalt  }
0x7c: {  	_ =	shalt  }
0x7d: {  	_ =	shalt  }
0x7e: {  	_ =	shalt  }
0x7f: {  	_ =	shalt  }
0x80: {  	_ =	shalt  }
0x81: {  	_ =	shalt  }
0x82: {  	_ =	shalt  }
0x83: {  	_ =	shalt  }
0x84: {  	_ =	shalt  }
0x85: {  	_ =	shalt  }
0x86: {  	_ =	shalt  }
0x87: {  	_ =	shalt  }
.Lfunc_end0:
.L_simem_size_0:
called_computation_lowered:
.L_overlay_start_0:
0x88: {  	s2 =	sld [smem:$0x3FD9]  }
0x89: {  	s3 =	sld [smem:$0x3FFE];
	_ =	sdelay $0x1  }
0x8a: {  	s1 =	srdreg.scid  }
0x8b: {  	s0 =	sand.u32 $0x1, s1  }
0x8c: {  	s18 =	sshll.u32 s0, $0xA;
	s2 =	sadd.s32 s3, s2  }
0x8d: {  	s2 =	sadd.s32 s2, s18  }
0x8e: {  	[smem:$0x3FC6] =	sst s2  }
0x8f: {  	_ = 	snop  }
0x90: {  	s2 =	sld [smem:$0x3FC9]  }
0x91: {  	s19 =	sld [smem:$0x3FC8]  }
0x92: {  	s4 =	sld [smem:$0x3FD0];
	(tm) =	ssettm $0x1  }
0x93: {  	s5 =	sld [smem:$0x3FFB];
	_ =	sdelay $0x3  }
0x94: {  	_ =	strace s5  }
0x95: {  	s5 =	sld [smem:$0x3FFC];
	_ =	sdelay $0x3  }
0x96: {  	_ =	strace s5  }
0x97: {  	s5 =	sld [smem:$0x3FFD];
	_ =	sdelay $0x3  }
0x98: {  	_ =	strace s5  }
0x99: {  	_ =	strace $0x8FFFFFFF  }
0x9a: {  	s20 =	sld [smem:$0x3FDB];
	_ =	sdelay $0x1  }
0x9b: {  	s6 =	simm.s32 $_scs_section_size  }
0x9c: {  	s7 =	simm.s32 $_size__tile_overlayer_lowered;
	s8 =	simm.s32 $_tile_overlayer_lowered  }
0x9d: {  	s23 =	simm.s32 $0x1BFF;
	s22 =	sshll.u32 s8, $0x1;
	s5 =	sadd.s32 s6, s20  }
0x9e: {  	s9 =	simm.s32 $0x0;
	s21 =	sshll.u32 s7, $0x1;
	s7 =	sadd.s32 s22, s5  }
0x9f: {  	[timem:s9], [sflag:s23] =	dma.local [hbm:s7], s21  }
0xa0: {  	_ =	swait.ge [sflag:s23], s21  }
0xa1: {  	s6 =	ssub.s32 $0x0, s21;
	[sflag:s23] =	ssyncset.done $0x0  }
0xa2: {  	[sflag:s23] =	ssyncadd.s32 s6;
	_ =	sdelay $0x1  }
0xa3: {  	s24 =	simm.s32 $0x1B8B  }
0xa4: {  	_ =	swait.ge [sflag:s24], $0x1  }
0xa5: {  	[sflag:s24] =	ssyncset.done $0x0  }
0xa6: {  	s25 =	simm.s32 $0x1B8E;
	[sflag:s24] =	ssyncadd.s32 $0xFFFFFFFF  }
0xa7: {  	s26 =	simm.s32 $execute0_lowered;
	[smem:$0x3FD2] =	sst s25  }
0xa8: {  	s6 =	sshll.u32 s26, $0x1;
	_ =	strace $0x80000046;
	[dreg:$0x1] =	wrdreg $0xFFFFFFFF  }
0xa9: {  	s28 =	simm.s32 $_size_execute0_lowered;
	s5 =	sadd.s32 s5, s6;
	[dreg:$0x0] =	wrdreg $0x0  }
0xaa: {  	s6 =	sshll.u32 s28, $0x1;
	[dreg:$0x2] =	wrdreg s5  }
0xab: {  	[dreg:$0x3] =	wrdreg s6  }
0xac: {  	[dreg:$0x4] =	wrdreg $0xC0  }
0xad: {  	_ =	task [dreg:s9], $0x5FFFF  }
0xae: {  	[dreg:$0x1] =	wrdreg $0xFFFFFFFF  }
0xaf: {  	[dreg:$0x0] =	wrdreg $0x60  }
0xb0: {  	[dreg:$0x2] =	wrdreg s2  }
0xb1: {  	[dreg:$0x3] =	wrdreg s19  }
0xb2: {  	[dreg:$0x4] =	wrdreg s4  }
0xb3: {  	[dreg:$0x5] =	wrdreg $0x9  }
0xb4: {  	_ =	task.clear_ibuf [dreg:s9], $0x6FFFF;
	_ =	strace $0x90000046  }
0xb5: {  	s29 =	simm.s32 $0x9;
	_ =	strace $0x80000048  }
0xb6: {  	_ =	swait.ge [sflag:s29], $0x1  }
0xb7: {  	[sflag:s29] =	ssyncadd.s32 $0xFFFFFFFF  }
0xb8: {  	_ =	strace $0x90000048  }
0xb9: {  	_ =	sfence  }
0xba: {  	s30 =	sld [smem:$0x0];
	_ =	sdelay $0x2  }
0xbb: {  	s31 =	sshll.u32 s1, $0xD;
	s1 =	sshrl.u32 s1, $0x2  }
0xbc: {  	s3 =	sand.u32 $0x4000, s31;
	s1 =	sadd.s32 s1, s30  }
0xbd: {  	s0 =	sor.u32 s3, s0;
	s1 =	sshll.u32 s1, $0x11  }
0xbe: {  	s0 =	sor.u32 s1, s0  }
0xbf: {  	s0 =	sadd.s32 $0x8F2B, s0  }
0xc0: {  	[sflag:s0] =	ssyncadd.remote.s32 $0x1  }
0xc1: {  	_ =	sfence.sel $0xFFFF  }
0xc2: {  	[dreg:$0x0] =	wrdreg $0xFFFFFFFF;
	(pc) =	sbr.abs _section_cstart, $3  }
0xc3: {  	[dreg:$0x1] =	wrdreg $0xFFFFFFFF  }
0xc4: {  	_ =	task.clear_ibuf [dreg:s9], $0x2FFFF;
	_ =	strace $0x9FFFFFFF  }
0xc5: {  	(tm) =	ssettm $0x7FFFFFFF  }
tec
execute0_lowered:
.L_overlay_start_1:
0x0: {  	(tag) =	ssettag $0x1  }
0x1: {  	s1 =	rddreg [dreg:$0x0]  }
0x2: {  	s0 =	srdreg.scid;
	s2 =	rddreg [dreg:$0x1]  }
0x3: {  	s3 =	stileid.u32;
	s5 =	rddreg [dreg:$0x2]  }
0x4: {  	s28 =	simm.s32 $0xA280;
	s29 =	simm.s32 $0x0;
	s0 =	sand.u32 $0x1, s0  }
0x5: {  	s4 =	sshll.u32 s3, $0xA;
	s3 =	simm.s32 $0x0;
	s6 =	sshll.u32 s0, $0x9  }
0x6: {  	[smem:$0x7FF] =	sst s3;
	s0 =	ssub.s32 $0x2, s0;
	s4 =	sor.u32 s6, s4  }
0x7: {  	_ =	strace $0x80000047;
	s7 =	sshrl.u32 s0, $0x1;
	s6 =	sshrl.u32 s4, $0x3  }
0x8: {  	s0 =	ssub.s32 s0, s7;
	s9 =	sor.u32 $0xC0, s4;
	s10 =	sor.u32 $0x100, s4  }
0x9: {  	s8 =	smul.u32 $0x280, s6;
	s2 =	sadd.s32 s2, s6;
	s6 =	sor.u32 $0x40, s4  }
0xa: {  	s11 =	sshrl.u32 s9, $0x3;
	s12 =	sshrl.u32 s10, $0x3;
	[dreg:$0x4] =	wrdreg s2  }
0xb: {  	s22 =	sshrl.u32 s6, $0x3;
	s14 =	smul.u32 $0x280, s11;
	s11 =	sor.u32 $0x140, s4  }
0xc: {  	s15 =	smul.u32 $0x280, s12;
	s12 =	sor.u32 $0x180, s4;
	s21 =	sadd.s32 s5, s8  }
0xd: {  	s8 =	sor.u32 $0x80, s4;
	s2 =	smul.u32 $0x280, s22;
	s13 =	sshrl.u32 s11, $0x3  }
0xe: {  	s16 =	sshrl.u32 s12, $0x3;
	s22 =	simm.s32 $0x4;
	[dreg:$0x5] =	wrdreg s21  }
0xf: {  	s23 =	sshrl.u32 s8, $0x3;
	s18 =	smul.u32 $0x280, s13;
	s13 =	sor.u32 $0x1C0, s4  }
0x10: {  	s24 =	smul.u32 $0x280, s16;
	s25 =	sadd.s32 s5, s14;
	s30 =	sadd.s32 s5, s15  }
0x11: {  	s21 =	smax.u32 s0, $0x1;
	s7 =	smul.u32 $0x280, s23;
	[dreg:$0x8] =	wrdreg s25  }
0x12: {  	s2 =	sadd.s32 s5, s2;
	s17 =	sshrl.u32 s13, $0x3;
	[dreg:$0x9] =	wrdreg s30  }
0x13: {  	s23 =	simm.s32 $0x1;
	s25 =	simm.s32 $0x3;
	[dreg:$0x6] =	wrdreg s2  }
0x14: {  	s26 =	smul.u32 $0x280, s17;
	s31 =	sadd.s32 s5, s18;
	s19 =	sadd.s32 s5, s24  }
0x15: {  	s24 =	simm.s32 $0x280;
	s7 =	sadd.s32 s5, s7;
	[dreg:$0xa] =	wrdreg s31  }
0x16: {  	v0 =	vimm.f32 $0.0e+00;
	[dreg:$0x7] =	wrdreg s7;
	s20 =	sadd.s32 s5, s26;
	s26 =	simm.s32 $0x2  }
.LBB2_1:
0x17: {  	s0 =	rddreg [dreg:$0x4];
	s31 =	simm.s32 $0x0  }
0x18: {  	[tilespmem:s3], [sflag:$0x4] =	stream.linear.gather [hbm4b:s0+s3], $0x200, $0x38;
	[tilespmem:$0x14280] =	vst v63  }
0x19: {  	s0 =	smul.u32 $0x5000, s31  }
0x1a: {  	_ =	swait.ge [sflag:s22], $0x200  }
0x1b: {  	s2 =	sand.u32 $0x380, s3;
	[sflag:s22] =	ssyncset.done $0x0;
	s0 =	sshra.s32 s0, $0x2  }
0x1c: {  	[sflag:s22] =	ssyncadd.s32 $0xFFFFFE00;
	s0 =	sor.u32 s2, s0  }
0x1d: {  	[tilespmem:s0+$0x12F0] =	vst v0  }
0x1e: {  	[tilespmem:s0+$0x280] =	vst v0  }
0x1f: {  	[tilespmem:s0+$0x290] =	vst v0  }
0x20: {  	[tilespmem:s0+$0x2A0] =	vst v0  }
0x21: {  	[tilespmem:s0+$0x2B0] =	vst v0  }
0x22: {  	[tilespmem:s0+$0x2C0] =	vst v0  }
0x23: {  	[tilespmem:s0+$0x2D0] =	vst v0  }
0x24: {  	[tilespmem:s0+$0x2E0] =	vst v0  }
0x25: {  	[tilespmem:s0+$0x2F0] =	vst v0  }
0x26: {  	[tilespmem:s0+$0x680] =	vst v0  }
0x27: {  	[tilespmem:s0+$0x690] =	vst v0  }
0x28: {  	[tilespmem:s0+$0x6A0] =	vst v0  }
0x29: {  	[tilespmem:s0+$0x6B0] =	vst v0  }
0x2a: {  	[tilespmem:s0+$0x6C0] =	vst v0  }
0x2b: {  	[tilespmem:s0+$0x6D0] =	vst v0  }
0x2c: {  	[tilespmem:s0+$0x6E0] =	vst v0  }
0x2d: {  	[tilespmem:s0+$0x6F0] =	vst v0  }
0x2e: {  	[tilespmem:s0+$0xA80] =	vst v0  }
0x2f: {  	[tilespmem:s0+$0xA90] =	vst v0  }
0x30: {  	[tilespmem:s0+$0xAA0] =	vst v0  }
0x31: {  	[tilespmem:s0+$0xAB0] =	vst v0  }
0x32: {  	[tilespmem:s0+$0xAC0] =	vst v0  }
0x33: {  	[tilespmem:s0+$0xAD0] =	vst v0  }
0x34: {  	[tilespmem:s0+$0xAE0] =	vst v0  }
0x35: {  	[tilespmem:s0+$0xAF0] =	vst v0  }
0x36: {  	[tilespmem:s0+$0xE80] =	vst v0  }
0x37: {  	[tilespmem:s0+$0xE90] =	vst v0  }
0x38: {  	[tilespmem:s0+$0xEA0] =	vst v0  }
0x39: {  	[tilespmem:s0+$0xEB0] =	vst v0  }
0x3a: {  	[tilespmem:s0+$0xEC0] =	vst v0  }
0x3b: {  	[tilespmem:s0+$0xED0] =	vst v0  }
0x3c: {  	[tilespmem:s0+$0xEE0] =	vst v0  }
0x3d: {  	[tilespmem:s0+$0xEF0] =	vst v0  }
0x3e: {  	[tilespmem:s0+$0x1280] =	vst v0  }
0x3f: {  	[tilespmem:s0+$0x1290] =	vst v0  }
0x40: {  	s7 =	simm.s32 $0x0;
	s5 =	simm.s32 $0x2;
	s2 =	simm.s32 $0x0;
	[tilespmem:s0+$0x12A0] =	vst v0  }
.LBB2_2:
0x41: {  	p0 =	sne.s32 s5, $0x3F;
	s7 =	smul.u32 $0x5000, s7;
	[tilespmem:s0+$0x12B0] =	vst v0  }
0x42: {  	s2 =	sadd.s32 $0x80, s2;
	[tilespmem:s0+$0x12C0] =	vst v0  }
0x43: {  	s14 =	sand.u32 $0x380, s2;
	s7 =	sshra.s32 s7, $0x2;
	[tilespmem:s0+$0x12D0] =	vst v0  }
0x44: {  	[tilespmem:s0+$0x12E0] =	vst v0;
	s0 =	sor.u32 s14, s7  }
0x45: {  	[tilespmem:s0+$0x12F0] =	vst v0  }
0x46: {  	[tilespmem:s0+$0x280] =	vst v0  }
0x47: {  	[tilespmem:s0+$0x290] =	vst v0  }
0x48: {  	[tilespmem:s0+$0x2A0] =	vst v0  }
0x49: {  	[tilespmem:s0+$0x2B0] =	vst v0  }
0x4a: {  	[tilespmem:s0+$0x2C0] =	vst v0  }
0x4b: {  	[tilespmem:s0+$0x2D0] =	vst v0  }
0x4c: {  	[tilespmem:s0+$0x2E0] =	vst v0  }
0x4d: {  	[tilespmem:s0+$0x2F0] =	vst v0  }
0x4e: {  	[tilespmem:s0+$0x680] =	vst v0  }
0x4f: {  	[tilespmem:s0+$0x690] =	vst v0  }
0x50: {  	[tilespmem:s0+$0x6A0] =	vst v0  }
0x51: {  	[tilespmem:s0+$0x6B0] =	vst v0  }
0x52: {  	[tilespmem:s0+$0x6C0] =	vst v0  }
0x53: {  	[tilespmem:s0+$0x6D0] =	vst v0  }
0x54: {  	[tilespmem:s0+$0x6E0] =	vst v0  }
0x55: {  	[tilespmem:s0+$0x6F0] =	vst v0  }
0x56: {  	[tilespmem:s0+$0xA80] =	vst v0  }
0x57: {  	[tilespmem:s0+$0xA90] =	vst v0  }
0x58: {  	[tilespmem:s0+$0xAA0] =	vst v0  }
0x59: {  	[tilespmem:s0+$0xAB0] =	vst v0  }
0x5a: {  	[tilespmem:s0+$0xAC0] =	vst v0  }
0x5b: {  	[tilespmem:s0+$0xAD0] =	vst v0  }
0x5c: {  	[tilespmem:s0+$0xAE0] =	vst v0  }
0x5d: {  	[tilespmem:s0+$0xAF0] =	vst v0  }
0x5e: {  	[tilespmem:s0+$0xE80] =	vst v0  }
0x5f: {  	[tilespmem:s0+$0xE90] =	vst v0  }
0x60: {  	[tilespmem:s0+$0xEA0] =	vst v0  }
0x61: {  	[tilespmem:s0+$0xEB0] =	vst v0  }
0x62: {  	[tilespmem:s0+$0xEC0] =	vst v0  }
0x63: {  	[tilespmem:s0+$0xED0] =	vst v0  }
.Ltmp0:
0x64: {  	[tilespmem:s0+$0xEE0] =	vst v0;
	(pc) =	sbr.rel @p0 .LBB2_2-.Ltmp0, $4  }
0x65: {  	[tilespmem:s0+$0xEF0] =	vst v0  }
0x66: {  	[tilespmem:s0+$0x1280] =	vst v0  }
0x67: {  	[tilespmem:s0+$0x1290] =	vst v0  }
0x68: {  	s7 =	sshrl.u32 s5, $0x3;
	s5 =	sadd.s32 $0x1, s5;
	[tilespmem:s0+$0x12A0] =	vst v0  }
0x69: {  	s5 =	smul.u32 $0x5000, s7;
	[tilespmem:s0+$0x12B0] =	vst v0  }
0x6a: {  	[tilespmem:s0+$0x12C0] =	vst v0;
	s2 =	sadd.s32 $0x80, s2  }
0x6b: {  	[tilespmem:s0+$0x12D0] =	vst v0;
	s2 =	sand.u32 $0x380, s2;
	s5 =	sshra.s32 s5, $0x2  }
0x6c: {  	[tilespmem:s0+$0x12E0] =	vst v0;
	s2 =	sor.u32 s2, s5  }
0x6d: {  	[tilespmem:s2+$0x12F0] =	vst v0  }
0x6e: {  	[tilespmem:s2+$0x280] =	vst v0  }
0x6f: {  	[tilespmem:s2+$0x290] =	vst v0  }
0x70: {  	[tilespmem:s2+$0x2A0] =	vst v0  }
0x71: {  	[tilespmem:s2+$0x2B0] =	vst v0  }
0x72: {  	[tilespmem:s2+$0x2C0] =	vst v0  }
0x73: {  	[tilespmem:s2+$0x2D0] =	vst v0  }
0x74: {  	[tilespmem:s2+$0x2E0] =	vst v0  }
0x75: {  	[tilespmem:s2+$0x2F0] =	vst v0  }
0x76: {  	[tilespmem:s2+$0x680] =	vst v0  }
0x77: {  	[tilespmem:s2+$0x690] =	vst v0  }
0x78: {  	[tilespmem:s2+$0x6A0] =	vst v0  }
0x79: {  	[tilespmem:s2+$0x6B0] =	vst v0  }
0x7a: {  	[tilespmem:s2+$0x6C0] =	vst v0  }
0x7b: {  	[tilespmem:s2+$0x6D0] =	vst v0  }
0x7c: {  	[tilespmem:s2+$0x6E0] =	vst v0  }
0x7d: {  	[tilespmem:s2+$0x6F0] =	vst v0  }
0x7e: {  	[tilespmem:s2+$0xA80] =	vst v0  }
0x7f: {  	[tilespmem:s2+$0xA90] =	vst v0  }
0x80: {  	[tilespmem:s2+$0xAA0] =	vst v0  }
0x81: {  	[tilespmem:s2+$0xAB0] =	vst v0  }
0x82: {  	[tilespmem:s2+$0xAC0] =	vst v0  }
0x83: {  	[tilespmem:s2+$0xAD0] =	vst v0  }
0x84: {  	[tilespmem:s2+$0xAE0] =	vst v0  }
0x85: {  	[tilespmem:s2+$0xAF0] =	vst v0  }
0x86: {  	[tilespmem:s2+$0xE80] =	vst v0  }
0x87: {  	[tilespmem:s2+$0xE90] =	vst v0  }
0x88: {  	[tilespmem:s2+$0xEA0] =	vst v0  }
0x89: {  	[tilespmem:s2+$0xEB0] =	vst v0  }
0x8a: {  	[tilespmem:s2+$0xEC0] =	vst v0  }
0x8b: {  	[tilespmem:s2+$0xED0] =	vst v0  }
0x8c: {  	[tilespmem:s2+$0xEE0] =	vst v0  }
0x8d: {  	[tilespmem:s2+$0xEF0] =	vst v0  }
0x8e: {  	[tilespmem:s2+$0x1280] =	vst v0  }
0x8f: {  	p1 =	por $0x1, $0x1;
	[tilespmem:s2+$0x1290] =	vst v0  }
.Ltmp1:
0x90: {  	[tilespmem:s2+$0x12A0] =	vst v0;
	(pc) =	sbr.rel @!p1 .LBB2_4-.Ltmp1, $4  }
0x91: {  	[tilespmem:s2+$0x12B0] =	vst v0  }
0x92: {  	[tilespmem:s2+$0x12C0] =	vst v0  }
0x93: {  	s30 =	simm.s32 $0x0;
	s14 =	simm.s32 $0x0;
	[tilespmem:s2+$0x12D0] =	vst v0  }
0x94: {  	s31 =	simm.s32 $0x1;
	p0 =	por $0x0, $0x0;
	[tilespmem:s2+$0x12E0] =	vst v0;
	s2 =	sand.u32 $0x380, s30  }
0x95: {  	s0 =	smul.u32 $0x5000, s14;
	_ =	sdelay $0x1  }
0x96: {  	s0 =	sshra.s32 s0, $0x2  }
0x97: {  	s0 =	sor.u32 s2, s0  }
0x98: {  	[tilespmem:s0+$0xB2F0] =	vst v0  }
0x99: {  	[tilespmem:s0+$0xA280] =	vst v0  }
0x9a: {  	[tilespmem:s0+$0xA290] =	vst v0  }
0x9b: {  	[tilespmem:s0+$0xA2A0] =	vst v0  }
0x9c: {  	[tilespmem:s0+$0xA2B0] =	vst v0  }
0x9d: {  	[tilespmem:s0+$0xA2C0] =	vst v0  }
0x9e: {  	[tilespmem:s0+$0xA2D0] =	vst v0  }
0x9f: {  	[tilespmem:s0+$0xA2E0] =	vst v0  }
0xa0: {  	[tilespmem:s0+$0xA2F0] =	vst v0  }
0xa1: {  	[tilespmem:s0+$0xA680] =	vst v0  }
0xa2: {  	[tilespmem:s0+$0xA690] =	vst v0  }
0xa3: {  	[tilespmem:s0+$0xA6A0] =	vst v0  }
0xa4: {  	[tilespmem:s0+$0xA6B0] =	vst v0  }
0xa5: {  	[tilespmem:s0+$0xA6C0] =	vst v0  }
0xa6: {  	[tilespmem:s0+$0xA6D0] =	vst v0  }
0xa7: {  	[tilespmem:s0+$0xA6E0] =	vst v0  }
0xa8: {  	[tilespmem:s0+$0xA6F0] =	vst v0  }
0xa9: {  	[tilespmem:s0+$0xAA80] =	vst v0  }
0xaa: {  	[tilespmem:s0+$0xAA90] =	vst v0  }
0xab: {  	[tilespmem:s0+$0xAAA0] =	vst v0  }
0xac: {  	[tilespmem:s0+$0xAAB0] =	vst v0  }
0xad: {  	[tilespmem:s0+$0xAAC0] =	vst v0  }
0xae: {  	[tilespmem:s0+$0xAAD0] =	vst v0  }
0xaf: {  	[tilespmem:s0+$0xAAE0] =	vst v0  }
0xb0: {  	[tilespmem:s0+$0xAAF0] =	vst v0  }
0xb1: {  	[tilespmem:s0+$0xAE80] =	vst v0  }
0xb2: {  	[tilespmem:s0+$0xAE90] =	vst v0  }
0xb3: {  	[tilespmem:s0+$0xAEA0] =	vst v0  }
0xb4: {  	[tilespmem:s0+$0xAEB0] =	vst v0  }
0xb5: {  	[tilespmem:s0+$0xAEC0] =	vst v0  }
0xb6: {  	p3 =	por $0x1, $0x1;
	[tilespmem:s0+$0xAED0] =	vst v0  }
.Ltmp2:
0xb7: {  	[tilespmem:s0+$0xAEE0] =	vst v0;
	(pc) =	sbr.rel @!p3 .LBB2_6-.Ltmp2, $4  }
0xb8: {  	[tilespmem:s0+$0xAEF0] =	vst v0  }
0xb9: {  	[tilespmem:s0+$0xB280] =	vst v0  }
0xba: {  	s14 =	simm.s32 $0x0;
	[tilespmem:s0+$0xB290] =	vst v0  }
0xbb: {  	s7 =	simm.s32 $0x2;
	p2 =	por $0x1, $0x1;
	s5 =	simm.s32 $0x0;
	[tilespmem:s0+$0xB2A0] =	vst v0  }
.LBB2_7:
0xbc: {  	p3 =	sne.s32 s7, $0x3F;
	s14 =	smul.u32 $0x5000, s14;
	[tilespmem:s0+$0xB2B0] =	vst v0  }
0xbd: {  	s5 =	sadd.s32 $0x80, s5;
	[tilespmem:s0+$0xB2C0] =	vst v0  }
0xbe: {  	s15 =	sand.u32 $0x380, s5;
	s14 =	sshra.s32 s14, $0x2;
	[tilespmem:s0+$0xB2D0] =	vst v0  }
0xbf: {  	[tilespmem:s0+$0xB2E0] =	vst v0;
	s0 =	sor.u32 s15, s14  }
0xc0: {  	[tilespmem:s0+$0xB2F0] =	vst v0  }
0xc1: {  	[tilespmem:s0+$0xA280] =	vst v0  }
0xc2: {  	[tilespmem:s0+$0xA290] =	vst v0  }
0xc3: {  	[tilespmem:s0+$0xA2A0] =	vst v0  }
0xc4: {  	[tilespmem:s0+$0xA2B0] =	vst v0  }
0xc5: {  	[tilespmem:s0+$0xA2C0] =	vst v0  }
0xc6: {  	[tilespmem:s0+$0xA2D0] =	vst v0  }
0xc7: {  	[tilespmem:s0+$0xA2E0] =	vst v0  }
0xc8: {  	[tilespmem:s0+$0xA2F0] =	vst v0  }
0xc9: {  	[tilespmem:s0+$0xA680] =	vst v0  }
0xca: {  	[tilespmem:s0+$0xA690] =	vst v0  }
0xcb: {  	[tilespmem:s0+$0xA6A0] =	vst v0  }
0xcc: {  	[tilespmem:s0+$0xA6B0] =	vst v0  }
0xcd: {  	[tilespmem:s0+$0xA6C0] =	vst v0  }
0xce: {  	[tilespmem:s0+$0xA6D0] =	vst v0  }
0xcf: {  	[tilespmem:s0+$0xA6E0] =	vst v0  }
0xd0: {  	[tilespmem:s0+$0xA6F0] =	vst v0  }
0xd1: {  	[tilespmem:s0+$0xAA80] =	vst v0  }
0xd2: {  	[tilespmem:s0+$0xAA90] =	vst v0  }
0xd3: {  	[tilespmem:s0+$0xAAA0] =	vst v0  }
0xd4: {  	[tilespmem:s0+$0xAAB0] =	vst v0  }
0xd5: {  	[tilespmem:s0+$0xAAC0] =	vst v0  }
0xd6: {  	[tilespmem:s0+$0xAAD0] =	vst v0  }
0xd7: {  	[tilespmem:s0+$0xAAE0] =	vst v0  }
0xd8: {  	[tilespmem:s0+$0xAAF0] =	vst v0  }
0xd9: {  	[tilespmem:s0+$0xAE80] =	vst v0  }
0xda: {  	[tilespmem:s0+$0xAE90] =	vst v0  }
0xdb: {  	[tilespmem:s0+$0xAEA0] =	vst v0  }
0xdc: {  	[tilespmem:s0+$0xAEB0] =	vst v0  }
0xdd: {  	[tilespmem:s0+$0xAEC0] =	vst v0  }
0xde: {  	[tilespmem:s0+$0xAED0] =	vst v0  }
.Ltmp3:
0xdf: {  	[tilespmem:s0+$0xAEE0] =	vst v0;
	(pc) =	sbr.rel @p3 .LBB2_7-.Ltmp3, $4  }
0xe0: {  	[tilespmem:s0+$0xAEF0] =	vst v0  }
0xe1: {  	[tilespmem:s0+$0xB280] =	vst v0  }
0xe2: {  	[tilespmem:s0+$0xB290] =	vst v0  }
0xe3: {  	s14 =	sshrl.u32 s7, $0x3;
	s7 =	sadd.s32 $0x1, s7;
	[tilespmem:s0+$0xB2A0] =	vst v0  }
.LBB2_8:
0xe4: {  	s7 =	smul.u32 $0x5000, s14;
	[tilespmem:s0+$0xB2B0] =	vst @p2 v0;
	s5 =	sadd.s32 @p2 $0x80, s5;
	s14 =	simm.s32 $0x0  }
0xe5: {  	[tilespmem:s0+$0xB2C0] =	vst @p2 v0;
	s14 =	smov.u32 @p2 s5  }
0xe6: {  	[tilespmem:s0+$0xB2D0] =	vst @p2 v0;
	s5 =	sand.u32 $0x380, s14;
	s7 =	sshra.s32 s7, $0x2  }
0xe7: {  	[tilespmem:s0+$0xB2E0] =	vst @p2 v0;
	s5 =	sor.u32 s5, s7  }
0xe8: {  	[tilespmem:s5+$0xB2F0] =	vst v0  }
0xe9: {  	[tilespmem:s5+$0xA280] =	vst v0  }
0xea: {  	[tilespmem:s5+$0xA290] =	vst v0  }
0xeb: {  	[tilespmem:s5+$0xA2A0] =	vst v0  }
0xec: {  	[tilespmem:s5+$0xA2B0] =	vst v0  }
0xed: {  	[tilespmem:s5+$0xA2C0] =	vst v0  }
0xee: {  	[tilespmem:s5+$0xA2D0] =	vst v0  }
0xef: {  	[tilespmem:s5+$0xA2E0] =	vst v0  }
0xf0: {  	[tilespmem:s5+$0xA2F0] =	vst v0  }
0xf1: {  	[tilespmem:s5+$0xA680] =	vst v0  }
0xf2: {  	[tilespmem:s5+$0xA690] =	vst v0  }
0xf3: {  	[tilespmem:s5+$0xA6A0] =	vst v0  }
0xf4: {  	[tilespmem:s5+$0xA6B0] =	vst v0  }
0xf5: {  	[tilespmem:s5+$0xA6C0] =	vst v0  }
0xf6: {  	[tilespmem:s5+$0xA6D0] =	vst v0  }
0xf7: {  	[tilespmem:s5+$0xA6E0] =	vst v0  }
0xf8: {  	[tilespmem:s5+$0xA6F0] =	vst v0  }
0xf9: {  	[tilespmem:s5+$0xAA80] =	vst v0  }
0xfa: {  	[tilespmem:s5+$0xAA90] =	vst v0  }
0xfb: {  	[tilespmem:s5+$0xAAA0] =	vst v0  }
0xfc: {  	[tilespmem:s5+$0xAAB0] =	vst v0  }
0xfd: {  	[tilespmem:s5+$0xAAC0] =	vst v0  }
0xfe: {  	[tilespmem:s5+$0xAAD0] =	vst v0  }
0xff: {  	[tilespmem:s5+$0xAAE0] =	vst v0  }
0x100: {  	[tilespmem:s5+$0xAAF0] =	vst v0  }
0x101: {  	[tilespmem:s5+$0xAE80] =	vst v0  }
0x102: {  	[tilespmem:s5+$0xAE90] =	vst v0  }
0x103: {  	[tilespmem:s5+$0xAEA0] =	vst v0  }
0x104: {  	[tilespmem:s5+$0xAEB0] =	vst v0  }
0x105: {  	[tilespmem:s5+$0xAEC0] =	vst v0  }
0x106: {  	[tilespmem:s5+$0xAED0] =	vst v0  }
0x107: {  	[tilespmem:s5+$0xAEE0] =	vst v0  }
0x108: {  	[tilespmem:s5+$0xAEF0] =	vst v0  }
0x109: {  	[tilespmem:s5+$0xB280] =	vst v0  }
0x10a: {  	[tilespmem:s5+$0xB290] =	vst v0  }
0x10b: {  	[tilespmem:s5+$0xB2A0] =	vst v0  }
.Ltmp4:
0x10c: {  	[tilespmem:s5+$0xB2B0] =	vst v0;
	(pc) =	sbr.rel @!p1 .LBB2_9-.Ltmp4, $4  }
0x10d: {  	[tilespmem:s5+$0xB2C0] =	vst v0  }
0x10e: {  	[tilespmem:s5+$0xB2D0] =	vst v0  }
0x10f: {  	[tilespmem:s5+$0xB2E0] =	vst v0  }
0x110: {  	v1 =	vld [tilespmem:s30+$0x0]  }
0x111: {  	_ =	sdelay $0x3  }
0x112: {  	(v2sf) =	vpush v1, $0x0;
	_ =	sdelay $0xc  }
0x113: {  	s0 =	sadd.s32 $0x0, s4;
	s5 =	simm.s32 $0x0  }
0x114: {  	s0 =	sshrl.u32 s0, $0x3;
	s5 =	smul.u32 $0x5000, s5  }
0x115: {  	s0 =	smul.u32 $0x1400, s0;
	s7 =	spop (v2sf)  }
0x116: {  	s7 =	sshll.u32 s7, $0xA  }
0x117: {  	p1 =	por $0x1, $0x1;
	s5 =	sshra.s32 s5, $0x2;
	s0 =	sadd.s32 s0, s7  }
.Ltmp5:
0x118: {  	s5 =	sadd.s32 s7, s5;
	s0 =	sor.u32 s2, s0;
	(pc) =	sbr.rel @!p1 .LBB2_11-.Ltmp5, $4  }
0x119: {  	p0 =	por $0x1, $0x1;
	s18 =	sor.u32 s5, s2;
	s0 =	sshrl.u32 s0, $0x3  }
0x11a: {  	s2 =	simm.s32 $0x0;
	s5 =	sadd.s32 $0x280, s18;
	s0 =	sadd.s32 s1, s0  }
0x11b: {  	[tilespmem:s5], [sflag:$0x1] =	stream.linear.gather [hbm4b:s0+s2], $0x80, $0x38;
	[tilespmem:$0x14280] =	vst v63  }
0x11c: {  	s7 =	simm.s32 $0x1;
	s5 =	simm.s32 $0x2;
	s0 =	simm.s32 $0x0;
	v1 =	vld [tilespmem:s31+$0x0]  }
.LBB2_12:
0x11d: {  	p1 =	sne.s32 s5, $0x3F;
	_ =	sdelay $0x3  }
0x11e: {  	(v2sf) =	vpush v1, $0x0;
	_ =	sdelay $0xc  }
0x11f: {  	s14 =	sadd.s32 s31, s4;
	s15 =	sshrl.u32 s31, $0x3;
	s31 =	smov.u32 s5  }
0x120: {  	s14 =	sshrl.u32 s14, $0x3;
	s15 =	smul.u32 $0x5000, s15  }
0x121: {  	s14 =	smul.u32 $0x1400, s14;
	s16 =	spop (v2sf)  }
0x122: {  	s0 =	sadd.s32 $0x80, s0;
	s16 =	sshll.u32 s16, $0xA  }
0x123: {  	s17 =	sand.u32 $0x380, s0;
	s15 =	sshra.s32 s15, $0x2;
	s14 =	sadd.s32 s14, s16  }
.Ltmp6:
0x124: {  	s15 =	sadd.s32 s16, s15;
	s14 =	sor.u32 s17, s14;
	(pc) =	sbr.rel @p1 .LBB2_12-.Ltmp6, $4  }
0x125: {  	s7 =	sadd.s32 $0x1, s7;
	s15 =	sor.u32 s15, s17;
	s14 =	sshrl.u32 s14, $0x3  }
0x126: {  	s15 =	sadd.s32 $0x280, s15;
	s14 =	sadd.s32 s1, s14  }
0x127: {  	[tilespmem:s15], [sflag:$0x1] =	stream.linear.gather [hbm4b:s14+s2], $0x80, $0x38;
	[tilespmem:$0x14280] =	vst v63  }
0x128: {  	s5 =	sadd.s32 $0x1, s5;
	v1 =	vld [tilespmem:s7+$0x0]  }
.LBB2_13:
0x129: {  	_ =	sdelay $0x3  }
0x12a: {  	(v2sf) =	vpush v1, $0x0;
	_ =	sdelay $0xc  }
0x12b: {  	s2 =	sadd.s32 s31, s4;
	s5 =	sshrl.u32 s31, $0x3  }
0x12c: {  	s2 =	sshrl.u32 s2, $0x3;
	s5 =	smul.u32 $0x5000, s5  }
0x12d: {  	s0 =	sadd.s32 @p0 $0x80, s0;
	s2 =	smul.u32 $0x1400, s2;
	s7 =	spop (v2sf)  }
0x12e: {  	p1 =	por $0x1, $0x1;
	s30 =	smov.u32 @p0 s0;
	s7 =	sshll.u32 s7, $0xA  }
0x12f: {  	s18 =	sand.u32 $0x380, s30;
	s5 =	sshra.s32 s5, $0x2;
	s17 =	sadd.s32 s2, s7  }
.Ltmp7:
0x130: {  	s5 =	sadd.s32 s7, s5;
	s0 =	sor.u32 s18, s17;
	(pc) =	sbr.rel @!p1 .LBB2_14-.Ltmp7, $4  }
0x131: {  	s31 =	simm.s32 $0x40;
	s2 =	sor.u32 s5, s18;
	s0 =	sshrl.u32 s0, $0x3  }
0x132: {  	s30 =	simm.s32 $0x0;
	s2 =	sadd.s32 $0x280, s2;
	s0 =	sadd.s32 s1, s0  }
0x133: {  	[tilespmem:s2], [sflag:$0x1] =	stream.linear.gather [hbm4b:s0+s30], $0x80, $0x38;
	[tilespmem:$0x14280] =	vst v63  }
0x134: {  	p0 =	por $0x0, $0x0;
	s2 =	simm.s32 $0x1;
	v1 =	vld [tilespmem:s31+$0x0]  }
0x135: {  	_ =	sdelay $0x3  }
0x136: {  	(v2sf) =	vpush v1, $0x0;
	_ =	sdelay $0xc  }
0x137: {  	s0 =	sadd.s32 $0x0, s6;
	s5 =	simm.s32 $0x0  }
0x138: {  	s0 =	sshrl.u32 s0, $0x3;
	s5 =	smul.u32 $0x5000, s5  }
0x139: {  	s0 =	smul.u32 $0x1400, s0;
	s7 =	spop (v2sf)  }
0x13a: {  	s14 =	sand.u32 $0x380, s30;
	s7 =	sshll.u32 s7, $0xA  }
0x13b: {  	p1 =	por $0x1, $0x1;
	s5 =	sshra.s32 s5, $0x2;
	s0 =	sadd.s32 s0, s7  }
.Ltmp8:
0x13c: {  	s5 =	sadd.s32 s7, s5;
	s0 =	sor.u32 s14, s0;
	(pc) =	sbr.rel @!p1 .LBB2_16-.Ltmp8, $4  }
0x13d: {  	p0 =	por $0x1, $0x1;
	s5 =	sor.u32 s14, s5;
	s0 =	sshrl.u32 s0, $0x3  }
0x13e: {  	s7 =	simm.s32 $0x41;
	s5 =	sadd.s32 $0xA280, s5;
	s0 =	sadd.s32 s1, s0  }
0x13f: {  	[tilespmem:s5], [sflag:$0x2] =	stream.linear.gather [hbm4b:s0+s3], $0x80, $0x38;
	[tilespmem:$0x14280] =	vst v63  }
0x140: {  	s14 =	simm.s32 $0x2;
	s5 =	simm.s32 $0x1;
	s0 =	simm.s32 $0x0;
	v1 =	vld [tilespmem:s7+$0x0]  }
.LBB2_17:
0x141: {  	p1 =	sne.s32 s14, $0x3F;
	_ =	sdelay $0x3  }
0x142: {  	(v2sf) =	vpush v1, $0x0;
	_ =	sdelay $0xc  }
0x143: {  	s15 =	sadd.s32 s5, s6;
	s16 =	sshrl.u32 s5, $0x3;
	s5 =	smov.u32 s14  }
0x144: {  	s15 =	sshrl.u32 s15, $0x3;
	s16 =	smul.u32 $0x5000, s16  }
0x145: {  	s15 =	smul.u32 $0x1400, s15;
	s17 =	spop (v2sf)  }
0x146: {  	s0 =	sadd.s32 $0x80, s0;
	s17 =	sshll.u32 s17, $0xA  }
0x147: {  	s31 =	sand.u32 $0x380, s0;
	s16 =	sshra.s32 s16, $0x2;
	s15 =	sadd.s32 s15, s17  }
.Ltmp9:
0x148: {  	s16 =	sadd.s32 s17, s16;
	s15 =	sor.u32 s31, s15;
	(pc) =	sbr.rel @p1 .LBB2_17-.Ltmp9, $4  }
0x149: {  	s16 =	sor.u32 s31, s16;
	s15 =	sshrl.u32 s15, $0x3  }
0x14a: {  	s7 =	sadd.s32 $0x1, s7;
	s16 =	sadd.s32 $0xA280, s16;
	s15 =	sadd.s32 s1, s15  }
0x14b: {  	[tilespmem:s16], [sflag:$0x2] =	stream.linear.gather [hbm4b:s15+s3], $0x80, $0x38;
	[tilespmem:$0x14280] =	vst v63  }
0x14c: {  	s14 =	sadd.s32 $0x1, s14;
	v1 =	vld [tilespmem:s7+$0x0]  }
.LBB2_18:
0x14d: {  	_ =	sdelay $0x3  }
0x14e: {  	(v2sf) =	vpush v1, $0x0;
	_ =	sdelay $0xc  }
0x14f: {  	s7 =	sadd.s32 s5, s6;
	s31 =	sshrl.u32 s5, $0x3  }
0x150: {  	s0 =	sadd.s32 @p0 $0x80, s0;
	s7 =	sshrl.u32 s7, $0x3;
	s5 =	smul.u32 $0x5000, s31  }
0x151: {  	s15 =	simm.s32 $0x0;
	s7 =	smul.u32 $0x1400, s7;
	s14 =	spop (v2sf)  }
0x152: {  	s15 =	smov.u32 @p0 s0;
	s14 =	sshll.u32 s14, $0xA  }
0x153: {  	s15 =	sand.u32 $0x380, s15;
	s5 =	sshra.s32 s5, $0x2;
	s7 =	sadd.s32 s7, s14  }
0x154: {  	s5 =	sadd.s32 s14, s5;
	s0 =	sor.u32 s15, s7  }
0x155: {  	s5 =	sor.u32 s15, s5;
	s0 =	sshrl.u32 s0, $0x3  }
0x156: {  	s5 =	sadd.s32 $0xA280, s5;
	s0 =	sadd.s32 s1, s0  }
0x157: {  	[tilespmem:s5], [sflag:$0x2] =	stream.linear.gather [hbm4b:s0+s3], $0x80, $0x38;
	[tilespmem:$0x14280] =	vst v63  }
0x158: {  	_ =	swait.ge [sflag:s23], $0x2000  }
0x159: {  	[sflag:s23] =	ssyncset.done $0x0  }
0x15a: {  	s16 =	rddreg [dreg:$0x5];
	[sflag:s23] =	ssyncadd.s32 $0xFFFFE000  }
0x15b: {  	[hbm4b:s16+s30] =	stream.linear.scatter [tilespmem:s24], [sflag:$0x3], $0xA000, $0x38;
	[tilespmem:$0x14280] =	vst v63  }
0x15c: {  	_ =	swait.ge [sflag:s25], $0xA000  }
0x15d: {  	[sflag:s25] =	ssyncset.done $0x0  }
0x15e: {  	[sflag:s25] =	ssyncadd.s32 $0xFFFF6000  }
0x15f: {  	v1 =	vld [tilespmem:s30+$0x0];
	_ =	sdelay $0x4  }
0x160: {  	(v2sf) =	vpush v1, $0x0;
	_ =	sdelay $0xd  }
0x161: {  	s17 =	simm.s32 $0x0  }
0x162: {  	s0 =	smul.u32 $0x5000, s17;
	s18 =	spop (v2sf)  }
0x163: {  	s5 =	sshll.u32 s18, $0xC  }
0x164: {  	s31 =	sshra.s32 s0, $0x2;
	s5 =	sshra.s32 s5, $0x2  }
0x165: {  	s0 =	sand.u32 $0x380, s30;
	s5 =	sadd.s32 s5, s31  }
0x166: {  	s5 =	sor.u32 s5, s0  }
0x167: {  	[tilespmem:s5+$0x280] =	vst v0  }
0x168: {  	[tilespmem:s5+$0x290] =	vst v0  }
0x169: {  	[tilespmem:s5+$0x2A0] =	vst v0  }
0x16a: {  	[tilespmem:s5+$0x2B0] =	vst v0  }
0x16b: {  	[tilespmem:s5+$0x2C0] =	vst v0  }
0x16c: {  	[tilespmem:s5+$0x2D0] =	vst v0  }
0x16d: {  	[tilespmem:s5+$0x2E0] =	vst v0  }
0x16e: {  	[tilespmem:s5+$0x2F0] =	vst v0  }
0x16f: {  	s14 =	simm.s32 $0x1;
	s7 =	simm.s32 $0x2;
	s5 =	simm.s32 $0x0;
	v1 =	vld [tilespmem:s2+$0x0]  }
.LBB2_19:
0x170: {  	p0 =	sne.s32 s7, $0x3F;
	_ =	sdelay $0x3  }
0x171: {  	(v2sf) =	vpush v1, $0x0;
	_ =	sdelay $0xd  }
0x172: {  	s15 =	sshrl.u32 s2, $0x3;
	s2 =	smov.u32 s7  }
0x173: {  	s15 =	smul.u32 $0x5000, s15;
	s16 =	spop (v2sf)  }
0x174: {  	s16 =	sshll.u32 s16, $0xC  }
0x175: {  	s5 =	sadd.s32 $0x80, s5;
	s15 =	sshra.s32 s15, $0x2;
	s16 =	sshra.s32 s16, $0x2  }
0x176: {  	s17 =	sand.u32 $0x380, s5;
	s15 =	sadd.s32 s16, s15  }
0x177: {  	s15 =	sor.u32 s15, s17  }
0x178: {  	[tilespmem:s15+$0x280] =	vst v0  }
0x179: {  	[tilespmem:s15+$0x290] =	vst v0  }
0x17a: {  	[tilespmem:s15+$0x2A0] =	vst v0  }
0x17b: {  	[tilespmem:s15+$0x2B0] =	vst v0  }
.Ltmp10:
0x17c: {  	[tilespmem:s15+$0x2C0] =	vst v0;
	(pc) =	sbr.rel @p0 .LBB2_19-.Ltmp10, $4  }
0x17d: {  	[tilespmem:s15+$0x2D0] =	vst v0  }
0x17e: {  	[tilespmem:s15+$0x2E0] =	vst v0  }
0x17f: {  	s14 =	sadd.s32 $0x1, s14;
	[tilespmem:s15+$0x2F0] =	vst v0  }
0x180: {  	s7 =	sadd.s32 $0x1, s7;
	v1 =	vld [tilespmem:s14+$0x0]  }
0x181: {  	_ =	sdelay $0x3  }
0x182: {  	(v2sf) =	vpush v1, $0x0;
	_ =	sdelay $0xd  }
0x183: {  	s2 =	sshrl.u32 s2, $0x3  }
0x184: {  	s2 =	smul.u32 $0x5000, s2;
	s7 =	spop (v2sf)  }
0x185: {  	s7 =	sshll.u32 s7, $0xC  }
0x186: {  	s5 =	sadd.s32 $0x80, s5;
	s2 =	sshra.s32 s2, $0x2;
	s7 =	sshra.s32 s7, $0x2  }
0x187: {  	s5 =	sand.u32 $0x380, s5;
	s2 =	sadd.s32 s7, s2  }
0x188: {  	s2 =	sor.u32 s2, s5  }
0x189: {  	[tilespmem:s2+$0x280] =	vst v0  }
0x18a: {  	[tilespmem:s2+$0x290] =	vst v0  }
0x18b: {  	[tilespmem:s2+$0x2A0] =	vst v0  }
0x18c: {  	[tilespmem:s2+$0x2B0] =	vst v0  }
0x18d: {  	[tilespmem:s2+$0x2C0] =	vst v0  }
0x18e: {  	[tilespmem:s2+$0x2D0] =	vst v0  }
0x18f: {  	[tilespmem:s2+$0x2E0] =	vst v0  }
0x190: {  	s15 =	simm.s32 $0x80;
	[tilespmem:s2+$0x2F0] =	vst v0  }
0x191: {  	v1 =	vld [tilespmem:s15+$0x0];
	_ =	sdelay $0x4  }
0x192: {  	(v2sf) =	vpush v1, $0x0;
	_ =	sdelay $0xc  }
0x193: {  	s16 =	sadd.s32 $0x0, s8;
	s17 =	simm.s32 $0x0  }
0x194: {  	s5 =	smul.u32 $0x5000, s17;
	s2 =	sshrl.u32 s16, $0x3  }
0x195: {  	s2 =	smul.u32 $0x1400, s2;
	s18 =	spop (v2sf)  }
0x196: {  	s7 =	sshll.u32 s18, $0xA  }
0x197: {  	s5 =	sshra.s32 s5, $0x2;
	s2 =	sadd.s32 s2, s7  }
0x198: {  	s5 =	sadd.s32 s7, s5;
	s2 =	sor.u32 s0, s2  }
0x199: {  	s31 =	sor.u32 s5, s0;
	s2 =	sshrl.u32 s2, $0x3  }
0x19a: {  	s0 =	sadd.s32 $0x280, s31;
	s2 =	sadd.s32 s1, s2  }
0x19b: {  	[tilespmem:s0], [sflag:$0x1] =	stream.linear.gather [hbm4b:s2+s3], $0x80, $0x38;
	[tilespmem:$0x14280] =	vst v63  }
0x19c: {  	s2 =	simm.s32 $0x81  }
0x19d: {  	s5 =	simm.s32 $0x2;
	s0 =	simm.s32 $0x1;
	v1 =	vld [tilespmem:s2+$0x0]  }
.LBB2_21:
0x19e: {  	p0 =	sne.s32 s5, $0x3F;
	_ =	sdelay $0x3  }
0x19f: {  	(v2sf) =	vpush v1, $0x0;
	_ =	sdelay $0xc  }
0x1a0: {  	s7 =	sadd.s32 s0, s8;
	s14 =	sshrl.u32 s0, $0x3;
	s0 =	smov.u32 s5  }
0x1a1: {  	s7 =	sshrl.u32 s7, $0x3;
	s14 =	smul.u32 $0x5000, s14  }
0x1a2: {  	s7 =	smul.u32 $0x1400, s7;
	s15 =	spop (v2sf)  }
0x1a3: {  	s30 =	sadd.s32 $0x80, s30;
	s15 =	sshll.u32 s15, $0xA  }
0x1a4: {  	s16 =	sand.u32 $0x380, s30;
	s14 =	sshra.s32 s14, $0x2;
	s7 =	sadd.s32 s7, s15  }
.Ltmp11:
0x1a5: {  	s14 =	sadd.s32 s15, s14;
	s7 =	sor.u32 s16, s7;
	(pc) =	sbr.rel @p0 .LBB2_21-.Ltmp11, $4  }
0x1a6: {  	s14 =	sor.u32 s14, s16;
	s7 =	sshrl.u32 s7, $0x3  }
0x1a7: {  	s2 =	sadd.s32 $0x1, s2;
	s14 =	sadd.s32 $0x280, s14;
	s7 =	sadd.s32 s1, s7  }
0x1a8: {  	[tilespmem:s14], [sflag:$0x1] =	stream.linear.gather [hbm4b:s7+s3], $0x80, $0x38;
	[tilespmem:$0x14280] =	vst v63  }
0x1a9: {  	s5 =	sadd.s32 $0x1, s5;
	v1 =	vld [tilespmem:s2+$0x0]  }
0x1aa: {  	_ =	sdelay $0x3  }
0x1ab: {  	(v2sf) =	vpush v1, $0x0;
	_ =	sdelay $0xc  }
0x1ac: {  	s2 =	sadd.s32 s0, s8;
	s14 =	sshrl.u32 s0, $0x3  }
0x1ad: {  	s2 =	sshrl.u32 s2, $0x3;
	s0 =	smul.u32 $0x5000, s14  }
0x1ae: {  	s2 =	smul.u32 $0x1400, s2;
	s5 =	spop (v2sf)  }
0x1af: {  	s7 =	sadd.s32 $0x80, s30;
	s5 =	sshll.u32 s5, $0xA  }
0x1b0: {  	s7 =	sand.u32 $0x380, s7;
	s0 =	sshra.s32 s0, $0x2;
	s2 =	sadd.s32 s2, s5  }
0x1b1: {  	s0 =	sadd.s32 s5, s0;
	s2 =	sor.u32 s7, s2  }
0x1b2: {  	s0 =	sor.u32 s0, s7;
	s2 =	sshrl.u32 s2, $0x3  }
0x1b3: {  	s0 =	sadd.s32 $0x280, s0;
	s2 =	sadd.s32 s1, s2  }
0x1b4: {  	[tilespmem:s0], [sflag:$0x1] =	stream.linear.gather [hbm4b:s2+s3], $0x80, $0x38;
	[tilespmem:$0x14280] =	vst v63  }
0x1b5: {  	_ =	swait.ge [sflag:s26], $0x2000  }
0x1b6: {  	[sflag:s26] =	ssyncset.done $0x0  }
0x1b7: {  	s2 =	simm.s32 $0x0;
	s15 =	rddreg [dreg:$0x6];
	[sflag:s26] =	ssyncadd.s32 $0xFFFFE000  }
0x1b8: {  	[hbm4b:s15+s2] =	stream.linear.scatter [tilespmem:s28], [sflag:$0x3], $0xA000, $0x38;
	[tilespmem:$0x14280] =	vst v63  }
0x1b9: {  	_ =	swait.ge [sflag:s25], $0xA000  }
0x1ba: {  	[sflag:s25] =	ssyncset.done $0x0  }
0x1bb: {  	s16 =	simm.s32 $0x40;
	[sflag:s25] =	ssyncadd.s32 $0xFFFF6000  }
0x1bc: {  	v1 =	vld [tilespmem:s16+$0x0];
	_ =	sdelay $0x4  }
0x1bd: {  	(v2sf) =	vpush v1, $0x0;
	_ =	sdelay $0xd  }
0x1be: {  	s17 =	simm.s32 $0x0  }
0x1bf: {  	s0 =	smul.u32 $0x5000, s17;
	s18 =	spop (v2sf)  }
0x1c0: {  	s5 =	sshll.u32 s18, $0xC  }
0x1c1: {  	s0 =	sshra.s32 s0, $0x2;
	s5 =	sshra.s32 s5, $0x2  }
0x1c2: {  	s31 =	sand.u32 $0x380, s2;
	s5 =	sadd.s32 s5, s0  }
0x1c3: {  	s5 =	sor.u32 s31, s5  }
0x1c4: {  	[tilespmem:s5+$0xA280] =	vst v0  }
0x1c5: {  	[tilespmem:s5+$0xA290] =	vst v0  }
0x1c6: {  	[tilespmem:s5+$0xA2A0] =	vst v0  }
0x1c7: {  	[tilespmem:s5+$0xA2B0] =	vst v0  }
0x1c8: {  	[tilespmem:s5+$0xA2C0] =	vst v0  }
0x1c9: {  	[tilespmem:s5+$0xA2D0] =	vst v0  }
0x1ca: {  	[tilespmem:s5+$0xA2E0] =	vst v0  }
0x1cb: {  	s30 =	simm.s32 $0x1;
	s7 =	simm.s32 $0x41;
	[tilespmem:s5+$0xA2F0] =	vst v0  }
0x1cc: {  	s14 =	simm.s32 $0x1;
	s15 =	simm.s32 $0x2;
	s5 =	simm.s32 $0x0;
	v1 =	vld [tilespmem:s7+$0x0]  }
.LBB2_23:
0x1cd: {  	p0 =	sne.s32 s15, $0x3F;
	_ =	sdelay $0x3  }
0x1ce: {  	(v2sf) =	vpush v1, $0x0;
	_ =	sdelay $0xd  }
0x1cf: {  	s16 =	sshrl.u32 s14, $0x3;
	s14 =	smov.u32 s15  }
0x1d0: {  	s16 =	smul.u32 $0x5000, s16;
	s17 =	spop (v2sf)  }
0x1d1: {  	s17 =	sshll.u32 s17, $0xC  }
0x1d2: {  	s5 =	sadd.s32 $0x80, s5;
	s16 =	sshra.s32 s16, $0x2;
	s17 =	sshra.s32 s17, $0x2  }
0x1d3: {  	s18 =	sand.u32 $0x380, s5;
	s16 =	sadd.s32 s17, s16  }
0x1d4: {  	s16 =	sor.u32 s18, s16  }
0x1d5: {  	[tilespmem:s16+$0xA280] =	vst v0  }
0x1d6: {  	[tilespmem:s16+$0xA290] =	vst v0  }
0x1d7: {  	[tilespmem:s16+$0xA2A0] =	vst v0  }
0x1d8: {  	[tilespmem:s16+$0xA2B0] =	vst v0  }
.Ltmp12:
0x1d9: {  	[tilespmem:s16+$0xA2C0] =	vst v0;
	(pc) =	sbr.rel @p0 .LBB2_23-.Ltmp12, $4  }
0x1da: {  	[tilespmem:s16+$0xA2D0] =	vst v0  }
0x1db: {  	[tilespmem:s16+$0xA2E0] =	vst v0  }
0x1dc: {  	s7 =	sadd.s32 $0x1, s7;
	[tilespmem:s16+$0xA2F0] =	vst v0  }
0x1dd: {  	s15 =	sadd.s32 $0x1, s15;
	v1 =	vld [tilespmem:s7+$0x0]  }
0x1de: {  	_ =	sdelay $0x3  }
0x1df: {  	(v2sf) =	vpush v1, $0x0;
	_ =	sdelay $0xd  }
0x1e0: {  	s7 =	sshrl.u32 s14, $0x3  }
0x1e1: {  	s7 =	smul.u32 $0x5000, s7;
	s15 =	spop (v2sf)  }
0x1e2: {  	s14 =	sshll.u32 s15, $0xC  }
0x1e3: {  	s5 =	sadd.s32 $0x80, s5;
	s7 =	sshra.s32 s7, $0x2;
	s14 =	sshra.s32 s14, $0x2  }
0x1e4: {  	s5 =	sand.u32 $0x380, s5;
	s7 =	sadd.s32 s14, s7  }
0x1e5: {  	s5 =	sor.u32 s5, s7  }
0x1e6: {  	[tilespmem:s5+$0xA280] =	vst v0  }
0x1e7: {  	[tilespmem:s5+$0xA290] =	vst v0  }
0x1e8: {  	[tilespmem:s5+$0xA2A0] =	vst v0  }
0x1e9: {  	[tilespmem:s5+$0xA2B0] =	vst v0  }
0x1ea: {  	[tilespmem:s5+$0xA2C0] =	vst v0  }
0x1eb: {  	[tilespmem:s5+$0xA2D0] =	vst v0  }
0x1ec: {  	[tilespmem:s5+$0xA2E0] =	vst v0  }
0x1ed: {  	s16 =	simm.s32 $0xC0;
	[tilespmem:s5+$0xA2F0] =	vst v0  }
0x1ee: {  	v1 =	vld [tilespmem:s16+$0x0];
	_ =	sdelay $0x4  }
0x1ef: {  	(v2sf) =	vpush v1, $0x0;
	_ =	sdelay $0xc  }
0x1f0: {  	s17 =	sadd.s32 $0x0, s9  }
0x1f1: {  	s5 =	sshrl.u32 s17, $0x3  }
0x1f2: {  	s5 =	smul.u32 $0x1400, s5;
	s18 =	spop (v2sf)  }
0x1f3: {  	s7 =	sshll.u32 s18, $0xA  }
0x1f4: {  	s5 =	sadd.s32 s5, s7  }
0x1f5: {  	s0 =	sadd.s32 s7, s0;
	s5 =	sor.u32 s31, s5  }
0x1f6: {  	s0 =	sor.u32 s31, s0;
	s5 =	sshrl.u32 s5, $0x3  }
0x1f7: {  	s0 =	sadd.s32 $0xA280, s0;
	s5 =	sadd.s32 s1, s5  }
0x1f8: {  	[tilespmem:s0], [sflag:$0x2] =	stream.linear.gather [hbm4b:s5+s3], $0x80, $0x38;
	[tilespmem:$0x14280] =	vst v63  }
0x1f9: {  	s0 =	simm.s32 $0xC1  }
0x1fa: {  	s5 =	simm.s32 $0x2;
	v1 =	vld [tilespmem:s0+$0x0]  }
.LBB2_25:
0x1fb: {  	p0 =	sne.s32 s5, $0x3F;
	_ =	sdelay $0x3  }
0x1fc: {  	(v2sf) =	vpush v1, $0x0;
	_ =	sdelay $0xc  }
0x1fd: {  	s7 =	sadd.s32 s30, s9;
	s14 =	sshrl.u32 s30, $0x3;
	s30 =	smov.u32 s5  }
0x1fe: {  	s7 =	sshrl.u32 s7, $0x3;
	s14 =	smul.u32 $0x5000, s14  }
0x1ff: {  	s7 =	smul.u32 $0x1400, s7;
	s15 =	spop (v2sf)  }
0x200: {  	s2 =	sadd.s32 $0x80, s2;
	s15 =	sshll.u32 s15, $0xA  }
0x201: {  	s16 =	sand.u32 $0x380, s2;
	s14 =	sshra.s32 s14, $0x2;
	s7 =	sadd.s32 s7, s15  }
.Ltmp13:
0x202: {  	s14 =	sadd.s32 s15, s14;
	s7 =	sor.u32 s16, s7;
	(pc) =	sbr.rel @p0 .LBB2_25-.Ltmp13, $4  }
0x203: {  	s14 =	sor.u32 s16, s14;
	s7 =	sshrl.u32 s7, $0x3  }
0x204: {  	s0 =	sadd.s32 $0x1, s0;
	s14 =	sadd.s32 $0xA280, s14;
	s7 =	sadd.s32 s1, s7  }
0x205: {  	[tilespmem:s14], [sflag:$0x2] =	stream.linear.gather [hbm4b:s7+s3], $0x80, $0x38;
	[tilespmem:$0x14280] =	vst v63  }
0x206: {  	s5 =	sadd.s32 $0x1, s5;
	v1 =	vld [tilespmem:s0+$0x0]  }
0x207: {  	_ =	sdelay $0x3  }
0x208: {  	(v2sf) =	vpush v1, $0x0;
	_ =	sdelay $0xc  }
0x209: {  	s0 =	sadd.s32 s30, s9;
	s5 =	sshrl.u32 s30, $0x3  }
0x20a: {  	s0 =	sshrl.u32 s0, $0x3;
	s5 =	smul.u32 $0x5000, s5  }
0x20b: {  	s0 =	smul.u32 $0x1400, s0;
	s7 =	spop (v2sf)  }
0x20c: {  	s2 =	sadd.s32 $0x80, s2;
	s7 =	sshll.u32 s7, $0xA  }
0x20d: {  	s2 =	sand.u32 $0x380, s2;
	s5 =	sshra.s32 s5, $0x2;
	s0 =	sadd.s32 s0, s7  }
0x20e: {  	s5 =	sadd.s32 s7, s5;
	s0 =	sor.u32 s2, s0  }
0x20f: {  	s2 =	sor.u32 s2, s5;
	s0 =	sshrl.u32 s0, $0x3  }
0x210: {  	s2 =	sadd.s32 $0xA280, s2;
	s0 =	sadd.s32 s1, s0  }
0x211: {  	[tilespmem:s2], [sflag:$0x2] =	stream.linear.gather [hbm4b:s0+s3], $0x80, $0x38;
	[tilespmem:$0x14280] =	vst v63  }
0x212: {  	_ =	swait.ge [sflag:s23], $0x2000  }
0x213: {  	[sflag:s23] =	ssyncset.done $0x0  }
0x214: {  	s2 =	simm.s32 $0x0;
	s15 =	rddreg [dreg:$0x7];
	[sflag:s23] =	ssyncadd.s32 $0xFFFFE000  }
0x215: {  	[hbm4b:s15+s2] =	stream.linear.scatter [tilespmem:s24], [sflag:$0x3], $0xA000, $0x38;
	[tilespmem:$0x14280] =	vst v63  }
0x216: {  	_ =	swait.ge [sflag:s25], $0xA000  }
0x217: {  	[sflag:s25] =	ssyncset.done $0x0  }
0x218: {  	s16 =	simm.s32 $0x80;
	[sflag:s25] =	ssyncadd.s32 $0xFFFF6000  }
0x219: {  	v1 =	vld [tilespmem:s16+$0x0];
	_ =	sdelay $0x4  }
0x21a: {  	(v2sf) =	vpush v1, $0x0;
	_ =	sdelay $0xd  }
0x21b: {  	s17 =	simm.s32 $0x0  }
0x21c: {  	s0 =	smul.u32 $0x5000, s17;
	s18 =	spop (v2sf)  }
0x21d: {  	s5 =	sshll.u32 s18, $0xC  }
0x21e: {  	s0 =	sshra.s32 s0, $0x2;
	s5 =	sshra.s32 s5, $0x2  }
0x21f: {  	s31 =	sand.u32 $0x380, s2;
	s5 =	sadd.s32 s5, s0  }
0x220: {  	s5 =	sor.u32 s5, s31  }
0x221: {  	[tilespmem:s5+$0x280] =	vst v0  }
0x222: {  	[tilespmem:s5+$0x290] =	vst v0  }
0x223: {  	[tilespmem:s5+$0x2A0] =	vst v0  }
0x224: {  	[tilespmem:s5+$0x2B0] =	vst v0  }
0x225: {  	[tilespmem:s5+$0x2C0] =	vst v0  }
0x226: {  	[tilespmem:s5+$0x2D0] =	vst v0  }
0x227: {  	[tilespmem:s5+$0x2E0] =	vst v0  }
0x228: {  	s30 =	simm.s32 $0x1;
	s7 =	simm.s32 $0x81;
	[tilespmem:s5+$0x2F0] =	vst v0  }
0x229: {  	s14 =	simm.s32 $0x1;
	s15 =	simm.s32 $0x2;
	s5 =	simm.s32 $0x0;
	v1 =	vld [tilespmem:s7+$0x0]  }
.LBB2_27:
0x22a: {  	p0 =	sne.s32 s15, $0x3F;
	_ =	sdelay $0x3  }
0x22b: {  	(v2sf) =	vpush v1, $0x0;
	_ =	sdelay $0xd  }
0x22c: {  	s16 =	sshrl.u32 s14, $0x3;
	s14 =	smov.u32 s15  }
0x22d: {  	s16 =	smul.u32 $0x5000, s16;
	s17 =	spop (v2sf)  }
0x22e: {  	s17 =	sshll.u32 s17, $0xC  }
0x22f: {  	s5 =	sadd.s32 $0x80, s5;
	s16 =	sshra.s32 s16, $0x2;
	s17 =	sshra.s32 s17, $0x2  }
0x230: {  	s18 =	sand.u32 $0x380, s5;
	s16 =	sadd.s32 s17, s16  }
0x231: {  	s16 =	sor.u32 s16, s18  }
0x232: {  	[tilespmem:s16+$0x280] =	vst v0  }
0x233: {  	[tilespmem:s16+$0x290] =	vst v0  }
0x234: {  	[tilespmem:s16+$0x2A0] =	vst v0  }
0x235: {  	[tilespmem:s16+$0x2B0] =	vst v0  }
.Ltmp14:
0x236: {  	[tilespmem:s16+$0x2C0] =	vst v0;
	(pc) =	sbr.rel @p0 .LBB2_27-.Ltmp14, $4  }
0x237: {  	[tilespmem:s16+$0x2D0] =	vst v0  }
0x238: {  	[tilespmem:s16+$0x2E0] =	vst v0  }
0x239: {  	s7 =	sadd.s32 $0x1, s7;
	[tilespmem:s16+$0x2F0] =	vst v0  }
0x23a: {  	s15 =	sadd.s32 $0x1, s15;
	v1 =	vld [tilespmem:s7+$0x0]  }
0x23b: {  	_ =	sdelay $0x3  }
0x23c: {  	(v2sf) =	vpush v1, $0x0;
	_ =	sdelay $0xd  }
0x23d: {  	s7 =	sshrl.u32 s14, $0x3  }
0x23e: {  	s7 =	smul.u32 $0x5000, s7;
	s15 =	spop (v2sf)  }
0x23f: {  	s14 =	sshll.u32 s15, $0xC  }
0x240: {  	s5 =	sadd.s32 $0x80, s5;
	s7 =	sshra.s32 s7, $0x2;
	s14 =	sshra.s32 s14, $0x2  }
0x241: {  	s5 =	sand.u32 $0x380, s5;
	s7 =	sadd.s32 s14, s7  }
0x242: {  	s5 =	sor.u32 s7, s5  }
0x243: {  	[tilespmem:s5+$0x280] =	vst v0  }
0x244: {  	[tilespmem:s5+$0x290] =	vst v0  }
0x245: {  	[tilespmem:s5+$0x2A0] =	vst v0  }
0x246: {  	[tilespmem:s5+$0x2B0] =	vst v0  }
0x247: {  	[tilespmem:s5+$0x2C0] =	vst v0  }
0x248: {  	[tilespmem:s5+$0x2D0] =	vst v0  }
0x249: {  	[tilespmem:s5+$0x2E0] =	vst v0  }
0x24a: {  	s16 =	simm.s32 $0x100;
	[tilespmem:s5+$0x2F0] =	vst v0  }
0x24b: {  	v1 =	vld [tilespmem:s16+$0x0];
	_ =	sdelay $0x4  }
0x24c: {  	(v2sf) =	vpush v1, $0x0;
	_ =	sdelay $0xc  }
0x24d: {  	s17 =	sadd.s32 $0x0, s10  }
0x24e: {  	s5 =	sshrl.u32 s17, $0x3  }
0x24f: {  	s5 =	smul.u32 $0x1400, s5;
	s18 =	spop (v2sf)  }
0x250: {  	s7 =	sshll.u32 s18, $0xA  }
0x251: {  	s5 =	sadd.s32 s5, s7  }
0x252: {  	s0 =	sadd.s32 s7, s0;
	s5 =	sor.u32 s31, s5  }
0x253: {  	s0 =	sor.u32 s0, s31;
	s5 =	sshrl.u32 s5, $0x3  }
0x254: {  	s0 =	sadd.s32 $0x280, s0;
	s5 =	sadd.s32 s1, s5  }
0x255: {  	[tilespmem:s0], [sflag:$0x1] =	stream.linear.gather [hbm4b:s5+s3], $0x80, $0x38;
	[tilespmem:$0x14280] =	vst v63  }
0x256: {  	s0 =	simm.s32 $0x101  }
0x257: {  	s5 =	simm.s32 $0x2;
	v1 =	vld [tilespmem:s0+$0x0]  }
.LBB2_29:
0x258: {  	p0 =	sne.s32 s5, $0x3F;
	_ =	sdelay $0x3  }
0x259: {  	(v2sf) =	vpush v1, $0x0;
	_ =	sdelay $0xc  }
0x25a: {  	s7 =	sadd.s32 s30, s10;
	s14 =	sshrl.u32 s30, $0x3;
	s30 =	smov.u32 s5  }
0x25b: {  	s7 =	sshrl.u32 s7, $0x3;
	s14 =	smul.u32 $0x5000, s14  }
0x25c: {  	s7 =	smul.u32 $0x1400, s7;
	s15 =	spop (v2sf)  }
0x25d: {  	s2 =	sadd.s32 $0x80, s2;
	s15 =	sshll.u32 s15, $0xA  }
0x25e: {  	s16 =	sand.u32 $0x380, s2;
	s14 =	sshra.s32 s14, $0x2;
	s7 =	sadd.s32 s7, s15  }
.Ltmp15:
0x25f: {  	s14 =	sadd.s32 s15, s14;
	s7 =	sor.u32 s16, s7;
	(pc) =	sbr.rel @p0 .LBB2_29-.Ltmp15, $4  }
0x260: {  	s14 =	sor.u32 s14, s16;
	s7 =	sshrl.u32 s7, $0x3  }
0x261: {  	s0 =	sadd.s32 $0x1, s0;
	s14 =	sadd.s32 $0x280, s14;
	s7 =	sadd.s32 s1, s7  }
0x262: {  	[tilespmem:s14], [sflag:$0x1] =	stream.linear.gather [hbm4b:s7+s3], $0x80, $0x38;
	[tilespmem:$0x14280] =	vst v63  }
0x263: {  	s5 =	sadd.s32 $0x1, s5;
	v1 =	vld [tilespmem:s0+$0x0]  }
0x264: {  	_ =	sdelay $0x3  }
0x265: {  	(v2sf) =	vpush v1, $0x0;
	_ =	sdelay $0xc  }
0x266: {  	s0 =	sadd.s32 s30, s10;
	s5 =	sshrl.u32 s30, $0x3  }
0x267: {  	s0 =	sshrl.u32 s0, $0x3;
	s5 =	smul.u32 $0x5000, s5  }
0x268: {  	s0 =	smul.u32 $0x1400, s0;
	s7 =	spop (v2sf)  }
0x269: {  	s2 =	sadd.s32 $0x80, s2;
	s7 =	sshll.u32 s7, $0xA  }
0x26a: {  	s2 =	sand.u32 $0x380, s2;
	s5 =	sshra.s32 s5, $0x2;
	s0 =	sadd.s32 s0, s7  }
0x26b: {  	s5 =	sadd.s32 s7, s5;
	s0 =	sor.u32 s2, s0  }
0x26c: {  	s2 =	sor.u32 s5, s2;
	s0 =	sshrl.u32 s0, $0x3  }
0x26d: {  	s2 =	sadd.s32 $0x280, s2;
	s0 =	sadd.s32 s1, s0  }
0x26e: {  	[tilespmem:s2], [sflag:$0x1] =	stream.linear.gather [hbm4b:s0+s3], $0x80, $0x38;
	[tilespmem:$0x14280] =	vst v63  }
0x26f: {  	_ =	swait.ge [sflag:s26], $0x2000  }
0x270: {  	[sflag:s26] =	ssyncset.done $0x0  }
0x271: {  	s2 =	simm.s32 $0x0;
	s15 =	rddreg [dreg:$0x8];
	[sflag:s26] =	ssyncadd.s32 $0xFFFFE000  }
0x272: {  	[hbm4b:s15+s2] =	stream.linear.scatter [tilespmem:s28], [sflag:$0x3], $0xA000, $0x38;
	[tilespmem:$0x14280] =	vst v63  }
0x273: {  	_ =	swait.ge [sflag:s25], $0xA000  }
0x274: {  	[sflag:s25] =	ssyncset.done $0x0  }
0x275: {  	s16 =	simm.s32 $0xC0;
	[sflag:s25] =	ssyncadd.s32 $0xFFFF6000  }
0x276: {  	v1 =	vld [tilespmem:s16+$0x0];
	_ =	sdelay $0x4  }
0x277: {  	(v2sf) =	vpush v1, $0x0;
	_ =	sdelay $0xd  }
0x278: {  	s17 =	simm.s32 $0x0  }
0x279: {  	s0 =	smul.u32 $0x5000, s17;
	s18 =	spop (v2sf)  }
0x27a: {  	s5 =	sshll.u32 s18, $0xC  }
0x27b: {  	s0 =	sshra.s32 s0, $0x2;
	s5 =	sshra.s32 s5, $0x2  }
0x27c: {  	s31 =	sand.u32 $0x380, s2;
	s5 =	sadd.s32 s5, s0  }
0x27d: {  	s5 =	sor.u32 s31, s5  }
0x27e: {  	[tilespmem:s5+$0xA280] =	vst v0  }
0x27f: {  	[tilespmem:s5+$0xA290] =	vst v0  }
0x280: {  	[tilespmem:s5+$0xA2A0] =	vst v0  }
0x281: {  	[tilespmem:s5+$0xA2B0] =	vst v0  }
0x282: {  	[tilespmem:s5+$0xA2C0] =	vst v0  }
0x283: {  	[tilespmem:s5+$0xA2D0] =	vst v0  }
0x284: {  	[tilespmem:s5+$0xA2E0] =	vst v0  }
0x285: {  	s30 =	simm.s32 $0x1;
	s7 =	simm.s32 $0xC1;
	[tilespmem:s5+$0xA2F0] =	vst v0  }
0x286: {  	s14 =	simm.s32 $0x1;
	s15 =	simm.s32 $0x2;
	s5 =	simm.s32 $0x0;
	v1 =	vld [tilespmem:s7+$0x0]  }
.LBB2_31:
0x287: {  	p0 =	sne.s32 s15, $0x3F;
	_ =	sdelay $0x3  }
0x288: {  	(v2sf) =	vpush v1, $0x0;
	_ =	sdelay $0xd  }
0x289: {  	s16 =	sshrl.u32 s14, $0x3;
	s14 =	smov.u32 s15  }
0x28a: {  	s16 =	smul.u32 $0x5000, s16;
	s17 =	spop (v2sf)  }
0x28b: {  	s17 =	sshll.u32 s17, $0xC  }
0x28c: {  	s5 =	sadd.s32 $0x80, s5;
	s16 =	sshra.s32 s16, $0x2;
	s17 =	sshra.s32 s17, $0x2  }
0x28d: {  	s18 =	sand.u32 $0x380, s5;
	s16 =	sadd.s32 s17, s16  }
0x28e: {  	s16 =	sor.u32 s18, s16  }
0x28f: {  	[tilespmem:s16+$0xA280] =	vst v0  }
0x290: {  	[tilespmem:s16+$0xA290] =	vst v0  }
0x291: {  	[tilespmem:s16+$0xA2A0] =	vst v0  }
0x292: {  	[tilespmem:s16+$0xA2B0] =	vst v0  }
.Ltmp16:
0x293: {  	[tilespmem:s16+$0xA2C0] =	vst v0;
	(pc) =	sbr.rel @p0 .LBB2_31-.Ltmp16, $4  }
0x294: {  	[tilespmem:s16+$0xA2D0] =	vst v0  }
0x295: {  	[tilespmem:s16+$0xA2E0] =	vst v0  }
0x296: {  	s7 =	sadd.s32 $0x1, s7;
	[tilespmem:s16+$0xA2F0] =	vst v0  }
0x297: {  	s15 =	sadd.s32 $0x1, s15;
	v1 =	vld [tilespmem:s7+$0x0]  }
0x298: {  	_ =	sdelay $0x3  }
0x299: {  	(v2sf) =	vpush v1, $0x0;
	_ =	sdelay $0xd  }
0x29a: {  	s7 =	sshrl.u32 s14, $0x3  }
0x29b: {  	s7 =	smul.u32 $0x5000, s7;
	s15 =	spop (v2sf)  }
0x29c: {  	s14 =	sshll.u32 s15, $0xC  }
0x29d: {  	s5 =	sadd.s32 $0x80, s5;
	s7 =	sshra.s32 s7, $0x2;
	s14 =	sshra.s32 s14, $0x2  }
0x29e: {  	s5 =	sand.u32 $0x380, s5;
	s7 =	sadd.s32 s14, s7  }
0x29f: {  	s5 =	sor.u32 s5, s7  }
0x2a0: {  	[tilespmem:s5+$0xA280] =	vst v0  }
0x2a1: {  	[tilespmem:s5+$0xA290] =	vst v0  }
0x2a2: {  	[tilespmem:s5+$0xA2A0] =	vst v0  }
0x2a3: {  	[tilespmem:s5+$0xA2B0] =	vst v0  }
0x2a4: {  	[tilespmem:s5+$0xA2C0] =	vst v0  }
0x2a5: {  	[tilespmem:s5+$0xA2D0] =	vst v0  }
0x2a6: {  	[tilespmem:s5+$0xA2E0] =	vst v0  }
0x2a7: {  	s16 =	simm.s32 $0x140;
	[tilespmem:s5+$0xA2F0] =	vst v0  }
0x2a8: {  	v1 =	vld [tilespmem:s16+$0x0];
	_ =	sdelay $0x4  }
0x2a9: {  	(v2sf) =	vpush v1, $0x0;
	_ =	sdelay $0xc  }
0x2aa: {  	s17 =	sadd.s32 $0x0, s11  }
0x2ab: {  	s5 =	sshrl.u32 s17, $0x3  }
0x2ac: {  	s5 =	smul.u32 $0x1400, s5;
	s18 =	spop (v2sf)  }
0x2ad: {  	s7 =	sshll.u32 s18, $0xA  }
0x2ae: {  	s5 =	sadd.s32 s5, s7  }
0x2af: {  	s0 =	sadd.s32 s7, s0;
	s5 =	sor.u32 s31, s5  }
0x2b0: {  	s0 =	sor.u32 s31, s0;
	s5 =	sshrl.u32 s5, $0x3  }
0x2b1: {  	s0 =	sadd.s32 $0xA280, s0;
	s5 =	sadd.s32 s1, s5  }
0x2b2: {  	[tilespmem:s0], [sflag:$0x2] =	stream.linear.gather [hbm4b:s5+s3], $0x80, $0x38;
	[tilespmem:$0x14280] =	vst v63  }
0x2b3: {  	s0 =	simm.s32 $0x141  }
0x2b4: {  	s5 =	simm.s32 $0x2;
	v1 =	vld [tilespmem:s0+$0x0]  }
.LBB2_33:
0x2b5: {  	p0 =	sne.s32 s5, $0x3F;
	_ =	sdelay $0x3  }
0x2b6: {  	(v2sf) =	vpush v1, $0x0;
	_ =	sdelay $0xc  }
0x2b7: {  	s7 =	sadd.s32 s30, s11;
	s14 =	sshrl.u32 s30, $0x3;
	s30 =	smov.u32 s5  }
0x2b8: {  	s7 =	sshrl.u32 s7, $0x3;
	s14 =	smul.u32 $0x5000, s14  }
0x2b9: {  	s7 =	smul.u32 $0x1400, s7;
	s15 =	spop (v2sf)  }
0x2ba: {  	s2 =	sadd.s32 $0x80, s2;
	s15 =	sshll.u32 s15, $0xA  }
0x2bb: {  	s16 =	sand.u32 $0x380, s2;
	s14 =	sshra.s32 s14, $0x2;
	s7 =	sadd.s32 s7, s15  }
.Ltmp17:
0x2bc: {  	s14 =	sadd.s32 s15, s14;
	s7 =	sor.u32 s16, s7;
	(pc) =	sbr.rel @p0 .LBB2_33-.Ltmp17, $4  }
0x2bd: {  	s14 =	sor.u32 s16, s14;
	s7 =	sshrl.u32 s7, $0x3  }
0x2be: {  	s0 =	sadd.s32 $0x1, s0;
	s14 =	sadd.s32 $0xA280, s14;
	s7 =	sadd.s32 s1, s7  }
0x2bf: {  	[tilespmem:s14], [sflag:$0x2] =	stream.linear.gather [hbm4b:s7+s3], $0x80, $0x38;
	[tilespmem:$0x14280] =	vst v63  }
0x2c0: {  	s5 =	sadd.s32 $0x1, s5;
	v1 =	vld [tilespmem:s0+$0x0]  }
0x2c1: {  	_ =	sdelay $0x3  }
0x2c2: {  	(v2sf) =	vpush v1, $0x0;
	_ =	sdelay $0xc  }
0x2c3: {  	s0 =	sadd.s32 s30, s11;
	s5 =	sshrl.u32 s30, $0x3  }
0x2c4: {  	s0 =	sshrl.u32 s0, $0x3;
	s5 =	smul.u32 $0x5000, s5  }
0x2c5: {  	s0 =	smul.u32 $0x1400, s0;
	s7 =	spop (v2sf)  }
0x2c6: {  	s2 =	sadd.s32 $0x80, s2;
	s7 =	sshll.u32 s7, $0xA  }
0x2c7: {  	s2 =	sand.u32 $0x380, s2;
	s5 =	sshra.s32 s5, $0x2;
	s0 =	sadd.s32 s0, s7  }
0x2c8: {  	s5 =	sadd.s32 s7, s5;
	s0 =	sor.u32 s2, s0  }
0x2c9: {  	s2 =	sor.u32 s2, s5;
	s0 =	sshrl.u32 s0, $0x3  }
0x2ca: {  	s2 =	sadd.s32 $0xA280, s2;
	s0 =	sadd.s32 s1, s0  }
0x2cb: {  	[tilespmem:s2], [sflag:$0x2] =	stream.linear.gather [hbm4b:s0+s3], $0x80, $0x38;
	[tilespmem:$0x14280] =	vst v63  }
0x2cc: {  	_ =	swait.ge [sflag:s23], $0x2000  }
0x2cd: {  	[sflag:s23] =	ssyncset.done $0x0  }
0x2ce: {  	s2 =	simm.s32 $0x0;
	s15 =	rddreg [dreg:$0x9];
	[sflag:s23] =	ssyncadd.s32 $0xFFFFE000  }
0x2cf: {  	[hbm4b:s15+s2] =	stream.linear.scatter [tilespmem:s24], [sflag:$0x3], $0xA000, $0x38;
	[tilespmem:$0x14280] =	vst v63  }
0x2d0: {  	_ =	swait.ge [sflag:s25], $0xA000  }
0x2d1: {  	[sflag:s25] =	ssyncset.done $0x0  }
0x2d2: {  	s16 =	simm.s32 $0x100;
	[sflag:s25] =	ssyncadd.s32 $0xFFFF6000  }
0x2d3: {  	v1 =	vld [tilespmem:s16+$0x0];
	_ =	sdelay $0x4  }
0x2d4: {  	(v2sf) =	vpush v1, $0x0;
	_ =	sdelay $0xd  }
0x2d5: {  	s17 =	simm.s32 $0x0  }
0x2d6: {  	s0 =	smul.u32 $0x5000, s17;
	s18 =	spop (v2sf)  }
0x2d7: {  	s5 =	sshll.u32 s18, $0xC  }
0x2d8: {  	s0 =	sshra.s32 s0, $0x2;
	s5 =	sshra.s32 s5, $0x2  }
0x2d9: {  	s31 =	sand.u32 $0x380, s2;
	s5 =	sadd.s32 s5, s0  }
0x2da: {  	s5 =	sor.u32 s5, s31  }
0x2db: {  	[tilespmem:s5+$0x280] =	vst v0  }
0x2dc: {  	[tilespmem:s5+$0x290] =	vst v0  }
0x2dd: {  	[tilespmem:s5+$0x2A0] =	vst v0  }
0x2de: {  	[tilespmem:s5+$0x2B0] =	vst v0  }
0x2df: {  	[tilespmem:s5+$0x2C0] =	vst v0  }
0x2e0: {  	[tilespmem:s5+$0x2D0] =	vst v0  }
0x2e1: {  	[tilespmem:s5+$0x2E0] =	vst v0  }
0x2e2: {  	s30 =	simm.s32 $0x1;
	s7 =	simm.s32 $0x101;
	[tilespmem:s5+$0x2F0] =	vst v0  }
0x2e3: {  	s14 =	simm.s32 $0x1;
	s15 =	simm.s32 $0x2;
	s5 =	simm.s32 $0x0;
	v1 =	vld [tilespmem:s7+$0x0]  }
.LBB2_35:
0x2e4: {  	p0 =	sne.s32 s15, $0x3F;
	_ =	sdelay $0x3  }
0x2e5: {  	(v2sf) =	vpush v1, $0x0;
	_ =	sdelay $0xd  }
0x2e6: {  	s16 =	sshrl.u32 s14, $0x3;
	s14 =	smov.u32 s15  }
0x2e7: {  	s16 =	smul.u32 $0x5000, s16;
	s17 =	spop (v2sf)  }
0x2e8: {  	s17 =	sshll.u32 s17, $0xC  }
0x2e9: {  	s5 =	sadd.s32 $0x80, s5;
	s16 =	sshra.s32 s16, $0x2;
	s17 =	sshra.s32 s17, $0x2  }
0x2ea: {  	s18 =	sand.u32 $0x380, s5;
	s16 =	sadd.s32 s17, s16  }
0x2eb: {  	s16 =	sor.u32 s16, s18  }
0x2ec: {  	[tilespmem:s16+$0x280] =	vst v0  }
0x2ed: {  	[tilespmem:s16+$0x290] =	vst v0  }
0x2ee: {  	[tilespmem:s16+$0x2A0] =	vst v0  }
0x2ef: {  	[tilespmem:s16+$0x2B0] =	vst v0  }
.Ltmp18:
0x2f0: {  	[tilespmem:s16+$0x2C0] =	vst v0;
	(pc) =	sbr.rel @p0 .LBB2_35-.Ltmp18, $4  }
0x2f1: {  	[tilespmem:s16+$0x2D0] =	vst v0  }
0x2f2: {  	[tilespmem:s16+$0x2E0] =	vst v0  }
0x2f3: {  	s7 =	sadd.s32 $0x1, s7;
	[tilespmem:s16+$0x2F0] =	vst v0  }
0x2f4: {  	s15 =	sadd.s32 $0x1, s15;
	v1 =	vld [tilespmem:s7+$0x0]  }
0x2f5: {  	_ =	sdelay $0x3  }
0x2f6: {  	(v2sf) =	vpush v1, $0x0;
	_ =	sdelay $0xd  }
0x2f7: {  	s7 =	sshrl.u32 s14, $0x3  }
0x2f8: {  	s7 =	smul.u32 $0x5000, s7;
	s15 =	spop (v2sf)  }
0x2f9: {  	s14 =	sshll.u32 s15, $0xC  }
0x2fa: {  	s5 =	sadd.s32 $0x80, s5;
	s7 =	sshra.s32 s7, $0x2;
	s14 =	sshra.s32 s14, $0x2  }
0x2fb: {  	s5 =	sand.u32 $0x380, s5;
	s7 =	sadd.s32 s14, s7  }
0x2fc: {  	s5 =	sor.u32 s7, s5  }
0x2fd: {  	[tilespmem:s5+$0x280] =	vst v0  }
0x2fe: {  	[tilespmem:s5+$0x290] =	vst v0  }
0x2ff: {  	[tilespmem:s5+$0x2A0] =	vst v0  }
0x300: {  	[tilespmem:s5+$0x2B0] =	vst v0  }
0x301: {  	[tilespmem:s5+$0x2C0] =	vst v0  }
0x302: {  	[tilespmem:s5+$0x2D0] =	vst v0  }
0x303: {  	[tilespmem:s5+$0x2E0] =	vst v0  }
0x304: {  	s16 =	simm.s32 $0x180;
	[tilespmem:s5+$0x2F0] =	vst v0  }
0x305: {  	v1 =	vld [tilespmem:s16+$0x0];
	_ =	sdelay $0x4  }
0x306: {  	(v2sf) =	vpush v1, $0x0;
	_ =	sdelay $0xc  }
0x307: {  	s17 =	sadd.s32 $0x0, s12  }
0x308: {  	s5 =	sshrl.u32 s17, $0x3  }
0x309: {  	s5 =	smul.u32 $0x1400, s5;
	s18 =	spop (v2sf)  }
0x30a: {  	s7 =	sshll.u32 s18, $0xA  }
0x30b: {  	s5 =	sadd.s32 s5, s7  }
0x30c: {  	s0 =	sadd.s32 s7, s0;
	s5 =	sor.u32 s31, s5  }
0x30d: {  	s0 =	sor.u32 s0, s31;
	s5 =	sshrl.u32 s5, $0x3  }
0x30e: {  	s0 =	sadd.s32 $0x280, s0;
	s5 =	sadd.s32 s1, s5  }
0x30f: {  	[tilespmem:s0], [sflag:$0x1] =	stream.linear.gather [hbm4b:s5+s3], $0x80, $0x38;
	[tilespmem:$0x14280] =	vst v63  }
0x310: {  	s0 =	simm.s32 $0x181  }
0x311: {  	s5 =	simm.s32 $0x2;
	v1 =	vld [tilespmem:s0+$0x0]  }
.LBB2_37:
0x312: {  	p0 =	sne.s32 s5, $0x3F;
	_ =	sdelay $0x3  }
0x313: {  	(v2sf) =	vpush v1, $0x0;
	_ =	sdelay $0xc  }
0x314: {  	s7 =	sadd.s32 s30, s12;
	s14 =	sshrl.u32 s30, $0x3;
	s30 =	smov.u32 s5  }
0x315: {  	s7 =	sshrl.u32 s7, $0x3;
	s14 =	smul.u32 $0x5000, s14  }
0x316: {  	s7 =	smul.u32 $0x1400, s7;
	s15 =	spop (v2sf)  }
0x317: {  	s2 =	sadd.s32 $0x80, s2;
	s15 =	sshll.u32 s15, $0xA  }
0x318: {  	s16 =	sand.u32 $0x380, s2;
	s14 =	sshra.s32 s14, $0x2;
	s7 =	sadd.s32 s7, s15  }
.Ltmp19:
0x319: {  	s14 =	sadd.s32 s15, s14;
	s7 =	sor.u32 s16, s7;
	(pc) =	sbr.rel @p0 .LBB2_37-.Ltmp19, $4  }
0x31a: {  	s14 =	sor.u32 s14, s16;
	s7 =	sshrl.u32 s7, $0x3  }
0x31b: {  	s0 =	sadd.s32 $0x1, s0;
	s14 =	sadd.s32 $0x280, s14;
	s7 =	sadd.s32 s1, s7  }
0x31c: {  	[tilespmem:s14], [sflag:$0x1] =	stream.linear.gather [hbm4b:s7+s3], $0x80, $0x38;
	[tilespmem:$0x14280] =	vst v63  }
0x31d: {  	s5 =	sadd.s32 $0x1, s5;
	v1 =	vld [tilespmem:s0+$0x0]  }
0x31e: {  	_ =	sdelay $0x3  }
0x31f: {  	(v2sf) =	vpush v1, $0x0;
	_ =	sdelay $0xc  }
0x320: {  	s0 =	sadd.s32 s30, s12;
	s5 =	sshrl.u32 s30, $0x3  }
0x321: {  	s0 =	sshrl.u32 s0, $0x3;
	s5 =	smul.u32 $0x5000, s5  }
0x322: {  	s0 =	smul.u32 $0x1400, s0;
	s7 =	spop (v2sf)  }
0x323: {  	s2 =	sadd.s32 $0x80, s2;
	s7 =	sshll.u32 s7, $0xA  }
0x324: {  	s2 =	sand.u32 $0x380, s2;
	s5 =	sshra.s32 s5, $0x2;
	s0 =	sadd.s32 s0, s7  }
0x325: {  	s5 =	sadd.s32 s7, s5;
	s0 =	sor.u32 s2, s0  }
0x326: {  	s2 =	sor.u32 s5, s2;
	s0 =	sshrl.u32 s0, $0x3  }
0x327: {  	s2 =	sadd.s32 $0x280, s2;
	s0 =	sadd.s32 s1, s0  }
0x328: {  	[tilespmem:s2], [sflag:$0x1] =	stream.linear.gather [hbm4b:s0+s3], $0x80, $0x38;
	[tilespmem:$0x14280] =	vst v63  }
0x329: {  	_ =	swait.ge [sflag:s26], $0x2000  }
0x32a: {  	[sflag:s26] =	ssyncset.done $0x0  }
0x32b: {  	s2 =	simm.s32 $0x0;
	s15 =	rddreg [dreg:$0xa];
	[sflag:s26] =	ssyncadd.s32 $0xFFFFE000  }
0x32c: {  	[hbm4b:s15+s2] =	stream.linear.scatter [tilespmem:s28], [sflag:$0x3], $0xA000, $0x38;
	[tilespmem:$0x14280] =	vst v63  }
0x32d: {  	_ =	swait.ge [sflag:s25], $0xA000  }
0x32e: {  	[sflag:s25] =	ssyncset.done $0x0  }
0x32f: {  	s16 =	simm.s32 $0x140;
	[sflag:s25] =	ssyncadd.s32 $0xFFFF6000  }
0x330: {  	v1 =	vld [tilespmem:s16+$0x0];
	_ =	sdelay $0x4  }
0x331: {  	(v2sf) =	vpush v1, $0x0;
	_ =	sdelay $0xd  }
0x332: {  	s17 =	simm.s32 $0x0  }
0x333: {  	s0 =	smul.u32 $0x5000, s17;
	s18 =	spop (v2sf)  }
0x334: {  	s5 =	sshll.u32 s18, $0xC  }
0x335: {  	s0 =	sshra.s32 s0, $0x2;
	s5 =	sshra.s32 s5, $0x2  }
0x336: {  	s31 =	sand.u32 $0x380, s2;
	s5 =	sadd.s32 s5, s0  }
0x337: {  	s5 =	sor.u32 s31, s5  }
0x338: {  	[tilespmem:s5+$0xA280] =	vst v0  }
0x339: {  	[tilespmem:s5+$0xA290] =	vst v0  }
0x33a: {  	[tilespmem:s5+$0xA2A0] =	vst v0  }
0x33b: {  	[tilespmem:s5+$0xA2B0] =	vst v0  }
0x33c: {  	[tilespmem:s5+$0xA2C0] =	vst v0  }
0x33d: {  	[tilespmem:s5+$0xA2D0] =	vst v0  }
0x33e: {  	[tilespmem:s5+$0xA2E0] =	vst v0  }
0x33f: {  	s30 =	simm.s32 $0x1;
	s7 =	simm.s32 $0x141;
	[tilespmem:s5+$0xA2F0] =	vst v0  }
0x340: {  	s14 =	simm.s32 $0x1;
	s15 =	simm.s32 $0x2;
	s5 =	simm.s32 $0x0;
	v1 =	vld [tilespmem:s7+$0x0]  }
.LBB2_39:
0x341: {  	p0 =	sne.s32 s15, $0x3F;
	_ =	sdelay $0x3  }
0x342: {  	(v2sf) =	vpush v1, $0x0;
	_ =	sdelay $0xd  }
0x343: {  	s16 =	sshrl.u32 s14, $0x3;
	s14 =	smov.u32 s15  }
0x344: {  	s16 =	smul.u32 $0x5000, s16;
	s17 =	spop (v2sf)  }
0x345: {  	s17 =	sshll.u32 s17, $0xC  }
0x346: {  	s5 =	sadd.s32 $0x80, s5;
	s16 =	sshra.s32 s16, $0x2;
	s17 =	sshra.s32 s17, $0x2  }
0x347: {  	s18 =	sand.u32 $0x380, s5;
	s16 =	sadd.s32 s17, s16  }
0x348: {  	s16 =	sor.u32 s18, s16  }
0x349: {  	[tilespmem:s16+$0xA280] =	vst v0  }
0x34a: {  	[tilespmem:s16+$0xA290] =	vst v0  }
0x34b: {  	[tilespmem:s16+$0xA2A0] =	vst v0  }
0x34c: {  	[tilespmem:s16+$0xA2B0] =	vst v0  }
.Ltmp20:
0x34d: {  	[tilespmem:s16+$0xA2C0] =	vst v0;
	(pc) =	sbr.rel @p0 .LBB2_39-.Ltmp20, $4  }
0x34e: {  	[tilespmem:s16+$0xA2D0] =	vst v0  }
0x34f: {  	[tilespmem:s16+$0xA2E0] =	vst v0  }
0x350: {  	s7 =	sadd.s32 $0x1, s7;
	[tilespmem:s16+$0xA2F0] =	vst v0  }
0x351: {  	s15 =	sadd.s32 $0x1, s15;
	v1 =	vld [tilespmem:s7+$0x0]  }
0x352: {  	_ =	sdelay $0x3  }
0x353: {  	(v2sf) =	vpush v1, $0x0;
	_ =	sdelay $0xd  }
0x354: {  	s7 =	sshrl.u32 s14, $0x3  }
0x355: {  	s7 =	smul.u32 $0x5000, s7;
	s15 =	spop (v2sf)  }
0x356: {  	s14 =	sshll.u32 s15, $0xC  }
0x357: {  	s5 =	sadd.s32 $0x80, s5;
	s7 =	sshra.s32 s7, $0x2;
	s14 =	sshra.s32 s14, $0x2  }
0x358: {  	s5 =	sand.u32 $0x380, s5;
	s7 =	sadd.s32 s14, s7  }
0x359: {  	s5 =	sor.u32 s5, s7  }
0x35a: {  	[tilespmem:s5+$0xA280] =	vst v0  }
0x35b: {  	[tilespmem:s5+$0xA290] =	vst v0  }
0x35c: {  	[tilespmem:s5+$0xA2A0] =	vst v0  }
0x35d: {  	[tilespmem:s5+$0xA2B0] =	vst v0  }
0x35e: {  	[tilespmem:s5+$0xA2C0] =	vst v0  }
0x35f: {  	[tilespmem:s5+$0xA2D0] =	vst v0  }
0x360: {  	[tilespmem:s5+$0xA2E0] =	vst v0  }
0x361: {  	s16 =	simm.s32 $0x1C0;
	[tilespmem:s5+$0xA2F0] =	vst v0  }
0x362: {  	v1 =	vld [tilespmem:s16+$0x0];
	_ =	sdelay $0x4  }
0x363: {  	(v2sf) =	vpush v1, $0x0;
	_ =	sdelay $0xc  }
0x364: {  	s17 =	sadd.s32 $0x0, s13  }
0x365: {  	s5 =	sshrl.u32 s17, $0x3  }
0x366: {  	s5 =	smul.u32 $0x1400, s5;
	s18 =	spop (v2sf)  }
0x367: {  	s7 =	sshll.u32 s18, $0xA  }
0x368: {  	s5 =	sadd.s32 s5, s7  }
0x369: {  	s0 =	sadd.s32 s7, s0;
	s5 =	sor.u32 s31, s5  }
0x36a: {  	s0 =	sor.u32 s31, s0;
	s5 =	sshrl.u32 s5, $0x3  }
0x36b: {  	s0 =	sadd.s32 $0xA280, s0;
	s5 =	sadd.s32 s1, s5  }
0x36c: {  	[tilespmem:s0], [sflag:$0x2] =	stream.linear.gather [hbm4b:s5+s3], $0x80, $0x38;
	[tilespmem:$0x14280] =	vst v63  }
0x36d: {  	s0 =	simm.s32 $0x1C1  }
0x36e: {  	s5 =	simm.s32 $0x2;
	v1 =	vld [tilespmem:s0+$0x0]  }
.LBB2_41:
0x36f: {  	p0 =	sne.s32 s5, $0x3F;
	_ =	sdelay $0x3  }
0x370: {  	(v2sf) =	vpush v1, $0x0;
	_ =	sdelay $0xc  }
0x371: {  	s7 =	sadd.s32 s30, s13;
	s14 =	sshrl.u32 s30, $0x3;
	s30 =	smov.u32 s5  }
0x372: {  	s7 =	sshrl.u32 s7, $0x3;
	s14 =	smul.u32 $0x5000, s14  }
0x373: {  	s7 =	smul.u32 $0x1400, s7;
	s15 =	spop (v2sf)  }
0x374: {  	s2 =	sadd.s32 $0x80, s2;
	s15 =	sshll.u32 s15, $0xA  }
0x375: {  	s16 =	sand.u32 $0x380, s2;
	s14 =	sshra.s32 s14, $0x2;
	s7 =	sadd.s32 s7, s15  }
.Ltmp21:
0x376: {  	s14 =	sadd.s32 s15, s14;
	s7 =	sor.u32 s16, s7;
	(pc) =	sbr.rel @p0 .LBB2_41-.Ltmp21, $4  }
0x377: {  	s14 =	sor.u32 s16, s14;
	s7 =	sshrl.u32 s7, $0x3  }
0x378: {  	s0 =	sadd.s32 $0x1, s0;
	s14 =	sadd.s32 $0xA280, s14;
	s7 =	sadd.s32 s1, s7  }
0x379: {  	[tilespmem:s14], [sflag:$0x2] =	stream.linear.gather [hbm4b:s7+s3], $0x80, $0x38;
	[tilespmem:$0x14280] =	vst v63  }
0x37a: {  	s5 =	sadd.s32 $0x1, s5;
	v1 =	vld [tilespmem:s0+$0x0]  }
0x37b: {  	_ =	sdelay $0x3  }
0x37c: {  	(v2sf) =	vpush v1, $0x0;
	_ =	sdelay $0xc  }
0x37d: {  	s0 =	sadd.s32 s30, s13;
	s5 =	sshrl.u32 s30, $0x3  }
0x37e: {  	s0 =	sshrl.u32 s0, $0x3;
	s5 =	smul.u32 $0x5000, s5  }
0x37f: {  	s0 =	smul.u32 $0x1400, s0;
	s7 =	spop (v2sf)  }
0x380: {  	s2 =	sadd.s32 $0x80, s2;
	s7 =	sshll.u32 s7, $0xA  }
0x381: {  	s2 =	sand.u32 $0x380, s2;
	s5 =	sshra.s32 s5, $0x2;
	s0 =	sadd.s32 s0, s7  }
0x382: {  	s5 =	sadd.s32 s7, s5;
	s0 =	sor.u32 s2, s0  }
0x383: {  	s2 =	sor.u32 s2, s5;
	s0 =	sshrl.u32 s0, $0x3  }
0x384: {  	s2 =	sadd.s32 $0xA280, s2;
	s0 =	sadd.s32 s1, s0  }
0x385: {  	[tilespmem:s2], [sflag:$0x2] =	stream.linear.gather [hbm4b:s0+s3], $0x80, $0x38;
	[tilespmem:$0x14280] =	vst v63  }
0x386: {  	_ =	swait.ge [sflag:s23], $0x2000  }
0x387: {  	[sflag:s23] =	ssyncset.done $0x0  }
0x388: {  	[sflag:s23] =	ssyncadd.s32 $0xFFFFE000  }
0x389: {  	[hbm4b:s19+s3] =	stream.linear.scatter [tilespmem:s24], [sflag:$0x3], $0xA000, $0x38;
	[tilespmem:$0x14280] =	vst v63  }
0x38a: {  	_ =	swait.ge [sflag:s26], $0x2000  }
0x38b: {  	[sflag:s26] =	ssyncset.done $0x0  }
0x38c: {  	s29 =	sadd.s32 $0x1, s29;
	[sflag:s26] =	ssyncadd.s32 $0xFFFFE000  }
0x38d: {  	[hbm4b:s20+s3] =	stream.linear.scatter [tilespmem:s28], [sflag:$0x3], $0xA000, $0x38;
	[tilespmem:$0x14280] =	vst v63  }
0x38e: {  	p0 =	sne.s32 s29, s21;
	_ =	swait.ge [sflag:s25], $0xA000  }
.Ltmp22:
0x38f: {  	[sflag:s25] =	ssyncset.done $0x0;
	(pc) =	sbr.rel @p0 .LBB2_1-.Ltmp22, $4  }
.Ltmp23:
0x390: {  	[sflag:s25] =	ssyncadd.s32 $0xFFFF6000;
	(pc) =	sbr.rel @!p0 .LBB2_43-.Ltmp23, $4  }
0x391: {  	_ =	swait.ge [sflag:s25], $0xA000  }
0x392: {  	[sflag:s25] =	ssyncset.done $0x0  }
0x393: {  	[sflag:s25] =	ssyncadd.s32 $0xFFFF6000  }
0x394: {  	_ = 	snop  }
.LBB2_4:
.Ltmp24:
0x395: {  	(pc) =	sbr.rel .LBB2_8-.Ltmp24, $2  }
0x396: {  	_ =	sdelay $0x2  }
0x397: {  	s5 =	simm.s32 $0x0;
	p2 =	por $0x0, $0x0  }
.LBB2_9:
.Ltmp25:
0x398: {  	(pc) =	sbr.rel .LBB2_13-.Ltmp25, $2  }
0x399: {  	_ =	sdelay $0x2  }
0x39a: {  	s31 =	simm.s32 $0x0;
	s0 =	simm.s32 $0x0  }
.LBB2_14:
.Ltmp26:
0x39b: {  	(pc) =	sbr.rel .LBB2_18-.Ltmp26, $2  }
0x39c: {  	_ =	sdelay $0x2  }
0x39d: {  	s5 =	simm.s32 $0x0;
	s0 =	simm.s32 $0x0  }
.LBB2_6:
.Ltmp27:
0x39e: {  	(pc) =	sbr.rel .LBB2_8-.Ltmp27, $2  }
0x39f: {  	_ =	sdelay $0x2  }
0x3a0: {  	s5 =	simm.s32 $0x0  }
.LBB2_11:
.Ltmp28:
0x3a1: {  	(pc) =	sbr.rel .LBB2_13-.Ltmp28, $2  }
0x3a2: {  	_ =	sdelay $0x2  }
0x3a3: {  	s0 =	simm.s32 $0x0  }
.LBB2_16:
.Ltmp29:
0x3a4: {  	(pc) =	sbr.rel .LBB2_18-.Ltmp29, $2  }
0x3a5: {  	_ =	sdelay $0x2  }
0x3a6: {  	s5 =	simm.s32 $0x1;
	s0 =	simm.s32 $0x0  }
.LBB2_43:
0x3a7: {  	_ =	sfence.sel $0x180000  }
0x3a8: {  	[bflag:$0x0] =	sbarrier.arrive $0xFFFF  }
0x3a9: {  	_ =	strace $0x90000047  }
0x3aa: {  	s0 =	stileid.u32;
	[bflag:$0x2] =	sbarrier.arrive $0xFFFF  }
0x3ab: {  	p0 =	sne.s32 s0, $0x0;
	s0 =	rddreg [dreg:$0x3]  }
0x3ac: {  	s0 =	sadd.s32 @!p0 $0x100000, s0  }
0x3ad: {  	[sflag:s0] =	ssyncadd.tile.s32 @!p0 $0x1;
	_ =	shalt  }
.Lfunc_end2:
_tile_overlayer_lowered:
.L_overlay_start_2:
0x3ae: {  	(tag) =	ssettag $0x2  }
0x3af: {  	s0 =	rddreg [dreg:$0x0];
	s2 =	stileid.u32  }
0x3b0: {  	s1 =	rddreg [dreg:$0x1];
	p0 =	sne.s32 s2, $0x0  }
0x3b1: {  	s3 =	rddreg [dreg:$0x2];
	[bflag:$0x3] =	sbarrier.arrive $0xFFFF;
	s2 =	simm.s32 @!p0 $0x1C04  }
0x3b2: {  	[timem:s3], [sflag:s2] =	dma.local @!p0 [hbm:s0], s1  }
0x3b3: {  	s0 =	simm.s32 @!p0 $0x4  }
0x3b4: {  	_ =	swait.ge @!p0 [sflag:s0], s1  }
0x3b5: {  	s1 =	ssub.s32 @!p0 $0x0, s1;
	[sflag:s0] =	ssyncset.done @!p0 $0x0  }
0x3b6: {  	[sflag:s0] =	ssyncadd.s32 @!p0 s1  }
0x3b7: {  	[bflag:$0x3] =	sbarrier.arrive $0xFFFF  }
0x3b8: {  	_ =	shalt  }

</sc_bundles>
